<compile_context>
chip_gen: v7x
topology: tpu7x:2x2x1
jax: 0.10.2.dev20260603
libtpu: 0.0.44.dev20260713+nightly
codegen_flags: <defaults>
</compile_context>

<pallas_src>
import jax
import jax.numpy as jnp
from jax import lax
from jax.experimental import pallas as pl
from jax.experimental.pallas import tpu as pltpu
from jax.experimental.pallas import tpu_sc as plsc

N_NODES = 10000
N_EDGES = 320000
D = 128

NC = 2
NS = 16
NW = NC * NS

CHUNK = 64
E_PER_T = N_EDGES // NW
NCHUNK = 160
E_PER_T_PAD = NCHUNK * CHUNK
SUPER = 8
NSUPER = NCHUNK // SUPER
NBUF = 4
LOOK = 3
NBANK = 5
AGG_ROWS = 10240
ROWS_PER_TILE = AGG_ROWS // NS
DUMMY_DST = N_NODES


def _sc_agg_body(x_hbm, src_hbm, dst_hbm, zero_hbm, out_hbm,
                 srcb, dstb, rows, agg, sem_i, sem_g, sem_s, sem_z):
    c = lax.axis_index("c")
    s = lax.axis_index("s")
    wid = s * NC + c
    base = wid * NCHUNK

    pltpu.sync_copy(zero_hbm, rows.at[0])
    for t in range(ROWS_PER_TILE // CHUNK):
        pltpu.async_copy(
            rows.at[0],
            agg.at[pl.ds(s * ROWS_PER_TILE + t * CHUNK, CHUNK)], sem_z)

    pltpu.sync_copy(src_hbm.at[pl.ds(base, SUPER)], srcb.at[0])
    pltpu.sync_copy(dst_hbm.at[pl.ds(base, SUPER)], dstb.at[0])
    for n in range(1, 4):
        pltpu.async_copy(src_hbm.at[pl.ds(base + n * SUPER, SUPER)],
                         srcb.at[n], sem_i)
        pltpu.async_copy(dst_hbm.at[pl.ds(base + n * SUPER, SUPER)],
                         dstb.at[n], sem_i)
    for g in range(1, LOOK):
        pltpu.async_copy(x_hbm.at[srcb.at[0, g]], rows.at[g], sem_g.at[g])
    for t in range(ROWS_PER_TILE // CHUNK):
        pltpu.make_async_copy(
            rows.at[0], agg.at[pl.ds(s * ROWS_PER_TILE, CHUNK)], sem_z).wait()
    pltpu.async_copy(x_hbm.at[srcb.at[0, 0]], rows.at[0], sem_g.at[0])
    plsc.subcore_barrier()

    def outer(k, carry):
        q = k % NBANK
        qn = (k + 1) % NBANK
        for j in range(SUPER):
            p = j % NBUF
            pf = (j + LOOK) % NBUF
            if j == 0:
                @pl.when(k > 0)
                def _():
                    pltpu.make_async_copy(rows.at[pf], agg.at[dstb.at[q, 0]],
                                          sem_s.at[pf]).wait()
                pltpu.async_copy(x_hbm.at[srcb.at[q, j + LOOK]],
                                 rows.at[pf], sem_g.at[pf])
            elif j < SUPER - LOOK:
                pltpu.make_async_copy(rows.at[pf], agg.at[dstb.at[q, 0]],
                                      sem_s.at[pf]).wait()
                pltpu.async_copy(x_hbm.at[srcb.at[q, j + LOOK]],
                                 rows.at[pf], sem_g.at[pf])
            elif j == SUPER - LOOK:
                @pl.when(k + 1 < NSUPER)
                def _():
                    pltpu.make_async_copy(rows.at[pf], agg.at[dstb.at[q, 0]],
                                          sem_s.at[pf]).wait()
                    pltpu.make_async_copy(
                        src_hbm.at[pl.ds(base, SUPER)], srcb.at[qn],
                        sem_i).wait()
                    pltpu.make_async_copy(
                        dst_hbm.at[pl.ds(base, SUPER)], dstb.at[qn],
                        sem_i).wait()
                    pltpu.async_copy(x_hbm.at[srcb.at[qn, j + LOOK - SUPER]],
                                     rows.at[pf], sem_g.at[pf])
            else:
                @pl.when(k + 1 < NSUPER)
                def _():
                    pltpu.make_async_copy(rows.at[pf], agg.at[dstb.at[q, 0]],
                                          sem_s.at[pf]).wait()
                    pltpu.async_copy(x_hbm.at[srcb.at[qn, j + LOOK - SUPER]],
                                     rows.at[pf], sem_g.at[pf])
            pltpu.make_async_copy(x_hbm.at[srcb.at[0, 0]], rows.at[p],
                                  sem_g.at[p]).wait()
            pltpu.async_copy(rows.at[p], agg.at[dstb.at[q, j]], sem_s.at[p],
                             add=True)
        @pl.when(k + 4 < NSUPER)
        def _():
            pltpu.async_copy(src_hbm.at[pl.ds(base + (k + 4) * SUPER, SUPER)],
                             srcb.at[(k + 4) % NBANK], sem_i)
            pltpu.async_copy(dst_hbm.at[pl.ds(base + (k + 4) * SUPER, SUPER)],
                             dstb.at[(k + 4) % NBANK], sem_i)
        return carry

    lax.fori_loop(0, NSUPER, outer, 0)

    for b in range(NBUF):
        pltpu.make_async_copy(rows.at[b], agg.at[dstb.at[0, 0]],
                              sem_s.at[b]).wait()
    plsc.subcore_barrier()

    pltpu.sync_copy(agg.at[pl.ds(s * ROWS_PER_TILE, ROWS_PER_TILE)],
                    out_hbm.at[c, pl.ds(s * ROWS_PER_TILE, ROWS_PER_TILE)])


def _sc_aggregate(x, src2d, dst2d, zeros_chunk):
    mesh = plsc.VectorSubcoreMesh(core_axis_name="c", subcore_axis_name="s",
                                  num_cores=NC, num_subcores=NS)
    return pl.kernel(
        _sc_agg_body,
        out_type=jax.ShapeDtypeStruct((NC, AGG_ROWS, D), jnp.float32),
        mesh=mesh,
        scratch_types=[
            pltpu.VMEM((NBANK, SUPER, CHUNK), jnp.int32),
            pltpu.VMEM((NBANK, SUPER, CHUNK), jnp.int32),
            pltpu.VMEM((NBUF, CHUNK, D), jnp.float32),
            pltpu.VMEM_SHARED((AGG_ROWS, D), jnp.float32),
            pltpu.SemaphoreType.DMA,
            pltpu.SemaphoreType.DMA((NBUF,)),
            pltpu.SemaphoreType.DMA((NBUF,)),
            pltpu.SemaphoreType.DMA,
        ],
    )(x, src2d, dst2d, zeros_chunk)


def _mlp_body(eps_ref, x_ref, agg_ref, w1_ref, b1_ref, w2_ref, b2_ref, o_ref):
    eps = eps_ref[0]
    h = (1.0 + eps) * x_ref[...] + agg_ref[0] + agg_ref[1]
    h1 = lax.dot_general(h, w1_ref[...], (((1,), (1,)), ((), ())),
                         preferred_element_type=jnp.float32) + b1_ref[...]
    h1 = jnp.maximum(h1, 0.0)
    o_ref[...] = lax.dot_general(h1, w2_ref[...], (((1,), (1,)), ((), ())),
                                 preferred_element_type=jnp.float32) + b2_ref[...]


def _mlp(x, agg2, W1, b1, W2, b2, eps):
    blk = 2000
    grid = (N_NODES // blk,)
    return pl.pallas_call(
        _mlp_body,
        grid=grid,
        in_specs=[
            pl.BlockSpec(memory_space=pltpu.SMEM),
            pl.BlockSpec((blk, D), lambda i: (i, 0)),
            pl.BlockSpec((NC, blk, D), lambda i: (0, i, 0)),
            pl.BlockSpec((D, D), lambda i: (0, 0)),
            pl.BlockSpec((1, D), lambda i: (0, 0)),
            pl.BlockSpec((D, D), lambda i: (0, 0)),
            pl.BlockSpec((1, D), lambda i: (0, 0)),
        ],
        out_specs=pl.BlockSpec((blk, D), lambda i: (i, 0)),
        out_shape=jax.ShapeDtypeStruct((N_NODES, D), jnp.float32),
    )(eps.reshape(1), x, agg2, W1, b1.reshape(1, D), W2, b2.reshape(1, D))


def kernel(x, edge_index, W1, b1, W2, b2, eps):
    ei = edge_index.astype(jnp.int32)
    pad = E_PER_T_PAD - E_PER_T
    src2d = jnp.concatenate(
        [ei[0].reshape(NW, E_PER_T),
         jnp.zeros((NW, pad), jnp.int32)], axis=1).reshape(NW * NCHUNK, CHUNK)
    dst2d = jnp.concatenate(
        [ei[1].reshape(NW, E_PER_T),
         jnp.full((NW, pad), DUMMY_DST, jnp.int32)],
        axis=1).reshape(NW * NCHUNK, CHUNK)
    zeros_chunk = jnp.zeros((CHUNK, D), jnp.float32)
    agg2 = _sc_aggregate(x, src2d, dst2d, zeros_chunk)
    return _mlp(x, agg2, W1, b1, W2, b2, eps)

# --- scband reference (transcript-rebuilt; emitter-appended) ---
"""Pipeline reference for scband-ginwrapper-86870008529629 (READ-ONLY COPY).

The authoritative reference and input builder live on the scoring server;
editing this copy changes nothing except your own understanding.
"""

import jax, jax.numpy as jnp
import numpy as np

N_NODES = 10000
N_EDGES = 320000
D_IN = 128
D_OUT = 128


def setup_inputs(seed: int = 0) -> dict:
    key = jax.random.key(seed)
    k_x, k_e, k_w1, k_b1, k_w2, k_b2 = jax.random.split(key, 6)
    x = jax.random.normal(k_x, (N_NODES, D_IN), dtype=jnp.float32)
    edge_index = jax.random.randint(k_e, (2, N_EDGES), 0, N_NODES, dtype=jnp.int64)
    # MLP params (Linear(in,out) -> ReLU -> Linear(out,out)), torch-style W[out,in]
    lim1 = 1.0 / np.sqrt(D_IN)
    lim2 = 1.0 / np.sqrt(D_OUT)
    W1 = jax.random.uniform(k_w1, (D_OUT, D_IN), minval=-lim1, maxval=lim1, dtype=jnp.float32)
    b1 = jax.random.uniform(k_b1, (D_OUT,), minval=-lim1, maxval=lim1, dtype=jnp.float32)
    W2 = jax.random.uniform(k_w2, (D_OUT, D_OUT), minval=-lim2, maxval=lim2, dtype=jnp.float32)
    b2 = jax.random.uniform(k_b2, (D_OUT,), minval=-lim2, maxval=lim2, dtype=jnp.float32)
    eps = jnp.asarray(0.0, dtype=jnp.float32)  # learnable eps (train_eps=True)
    return {"x": x, "edge_index": edge_index, "W1": W1, "b1": b1, "W2": W2, "b2": b2, "eps": eps}


def reference(x, edge_index, W1, b1, W2, b2, eps):
    # GINConv: out_i = MLP((1 + eps) * x_i + sum_{j in N(i)} x_j)
    src = edge_index[0]
    dst = edge_index[1]
    msgs = jnp.take(x, src, axis=0)                     # gather source features [E, d]
    agg = jax.ops.segment_sum(msgs, dst, num_segments=x.shape[0])  # scatter-add to dst
    h = (1.0 + eps) * x + agg
    h = h @ W1.T + b1
    h = jnp.maximum(h, 0.0)
    out = h @ W2.T + b2
    # dropout_value = 0.0 -> no dropout applied
    return out

if __name__ == "__main__":
    import jax
    _d = setup_inputs()
    print(jax.jit(kernel)(*tuple(_d.values())))

</pallas_src>

<mosaic_0001>
#map = affine_map<(d0, d1) -> (0, 0)>
#map1 = affine_map<(d0, d1) -> (0, 0, 0)>
module attributes {stable_mosaic.version = 14 : i64} {
  func.func @_sc_agg_body(%arg0: i32, %arg1: i32, %arg2: memref<10000x128xf32, #tpu.memory_space<hbm>>, %arg3: memref<5120x64xi32, #tpu.memory_space<hbm>>, %arg4: memref<5120x64xi32, #tpu.memory_space<hbm>>, %arg5: memref<64x128xf32, #tpu.memory_space<hbm>>, %arg6: memref<2x10240x128xf32, #tpu.memory_space<hbm>>, %arg7: memref<5x8x64xi32, #tpu.memory_space<vmem>>, %arg8: memref<5x8x64xi32, #tpu.memory_space<vmem>>, %arg9: memref<4x64x128xf32, #tpu.memory_space<vmem>>, %arg10: memref<10240x128xf32, #tpu.memory_space<vmem_shared>>, %arg11: memref<!tpu.dma_semaphore, #tpu.memory_space<semaphore_mem>>, %arg12: memref<4x!tpu.dma_semaphore, #tpu.memory_space<semaphore_mem>>, %arg13: memref<4x!tpu.dma_semaphore, #tpu.memory_space<semaphore_mem>>, %arg14: memref<!tpu.dma_semaphore, #tpu.memory_space<semaphore_mem>>) attributes {dimension_semantics = [#tpu.dimension_semantics<core_parallel>, #tpu.dimension_semantics<subcore_parallel>], iteration_bounds = array<i64: 2, 16>, scalar_prefetch = 0 : i64, scratch_operands = 8 : i64, tpu.core_type = #tpu.core_type<sc_vector_subcore>, window_params = [{transform_indices = #map}, {transform_indices = #map}, {transform_indices = #map}, {transform_indices = #map}, {transform_indices = #map1}]} {
    %mul3A = arith.constant 2 : i32
    %mul3A_0 = arith.muli %arg1, %mul3A : i32
    %add3A = arith.addi %mul3A_0, %arg0 : i32
    %mul3A_1 = arith.constant 160 : i32
    %mul3A_2 = arith.muli %add3A, %mul3A_1 : i32
    %run_scoped3A = arith.constant 0 : i32
    "tpu.region"() ({
      %run_scoped3A_535 = tpu.sem_alloc : memref<!tpu.dma_semaphore, #tpu.memory_space<semaphore_mem>>
      %dma_start3A_536 = arith.constant 0 : i32
      %dma_start3A_537 = arith.constant 0 : i32
      %dma_start3A_538 = tpu.memref_slice %arg9[%run_scoped3A, %dma_start3A_536, %dma_start3A_537] : memref<4x64x128xf32, #tpu.memory_space<vmem>> -> memref<1x64x128xf32, #tpu.memory_space<vmem>>
      %dma_start3A_539 = tpu.memref_squeeze %dma_start3A_538 : memref<1x64x128xf32, #tpu.memory_space<vmem>> -> memref<64x128xf32, #tpu.memory_space<vmem>>
      %dma_start3A_540 = arith.constant 0 : i32
      %dma_start3A_541 = arith.constant 0 : i32
      %dma_start3A_542 = tpu.memref_slice %arg9[%run_scoped3A, %dma_start3A_540, %dma_start3A_541] : memref<4x64x128xf32, #tpu.memory_space<vmem>> -> memref<1x64x128xf32, #tpu.memory_space<vmem>>
      %dma_start3A_543 = tpu.memref_squeeze %dma_start3A_542 : memref<1x64x128xf32, #tpu.memory_space<vmem>> -> memref<64x128xf32, #tpu.memory_space<vmem>>
      tpu.enqueue_dma source(%arg5 : memref<64x128xf32, #tpu.memory_space<hbm>>) target(%dma_start3A_543 : memref<64x128xf32, #tpu.memory_space<vmem>>) target_semaphore(%run_scoped3A_535 : memref<!tpu.dma_semaphore, #tpu.memory_space<semaphore_mem>>)
      %dma_wait3A_544 = arith.constant 0 : i32
      %dma_wait3A_545 = arith.constant 0 : i32
      %dma_wait3A_546 = tpu.memref_slice %arg9[%run_scoped3A, %dma_wait3A_544, %dma_wait3A_545] : memref<4x64x128xf32, #tpu.memory_space<vmem>> -> memref<1x64x128xf32, #tpu.memory_space<vmem>>
      %dma_wait3A_547 = tpu.memref_squeeze %dma_wait3A_546 : memref<1x64x128xf32, #tpu.memory_space<vmem>> -> memref<64x128xf32, #tpu.memory_space<vmem>>
      %dma_wait3A_548 = arith.constant 0 : i32
      %dma_wait3A_549 = arith.constant 0 : i32
      %dma_wait3A_550 = tpu.memref_slice %arg9[%run_scoped3A, %dma_wait3A_548, %dma_wait3A_549] : memref<4x64x128xf32, #tpu.memory_space<vmem>> -> memref<1x64x128xf32, #tpu.memory_space<vmem>>
      %dma_wait3A_551 = tpu.memref_squeeze %dma_wait3A_550 : memref<1x64x128xf32, #tpu.memory_space<vmem>> -> memref<64x128xf32, #tpu.memory_space<vmem>>
      tpu.wait_dma2 semaphore(%run_scoped3A_535 : memref<!tpu.dma_semaphore, #tpu.memory_space<semaphore_mem>>) src(%arg5 : memref<64x128xf32, #tpu.memory_space<hbm>>) dst(%dma_wait3A_551 : memref<64x128xf32, #tpu.memory_space<vmem>>)
      tpu.yield
    }) : () -> ()
    %mul3A_3 = arith.constant 640 : i32
    %mul3A_4 = arith.muli %arg1, %mul3A_3 : i32
    %add3A_5 = arith.constant 0 : i32
    %add3A_6 = arith.addi %mul3A_4, %add3A_5 : i32
    %dma_start3A = arith.constant 0 : i32
    %dma_start3A_7 = arith.constant 0 : i32
    %dma_start3A_8 = arith.constant 0 : i32
    %dma_start3A_9 = tpu.memref_slice %arg9[%dma_start3A, %dma_start3A_7, %dma_start3A_8] : memref<4x64x128xf32, #tpu.memory_space<vmem>> -> memref<1x64x128xf32, #tpu.memory_space<vmem>>
    %dma_start3A_10 = tpu.memref_squeeze %dma_start3A_9 : memref<1x64x128xf32, #tpu.memory_space<vmem>> -> memref<64x128xf32, #tpu.memory_space<vmem>>
    %dma_start3A_11 = arith.constant 0 : i32
    %dma_start3A_12 = tpu.memref_slice %arg10[%add3A_6, %dma_start3A_11] : memref<10240x128xf32, #tpu.memory_space<vmem_shared>> -> memref<64x128xf32, #tpu.memory_space<vmem_shared>>
    %dma_start3A_13 = arith.constant 0 : i32
    %dma_start3A_14 = tpu.memref_slice %arg10[%add3A_6, %dma_start3A_13] : memref<10240x128xf32, #tpu.memory_space<vmem_shared>> -> memref<64x128xf32, #tpu.memory_space<vmem_shared>>
    %dma_start3A_15 = arith.constant 0 : i32
    %dma_start3A_16 = arith.constant 0 : i32
    %dma_start3A_17 = tpu.memref_slice %arg9[%dma_start3A, %dma_start3A_15, %dma_start3A_16] : memref<4x64x128xf32, #tpu.memory_space<vmem>> -> memref<1x64x128xf32, #tpu.memory_space<vmem>>
    %dma_start3A_18 = tpu.memref_squeeze %dma_start3A_17 : memref<1x64x128xf32, #tpu.memory_space<vmem>> -> memref<64x128xf32, #tpu.memory_space<vmem>>
    tpu.enqueue_dma source(%dma_start3A_18 : memref<64x128xf32, #tpu.memory_space<vmem>>) target(%dma_start3A_14 : memref<64x128xf32, #tpu.memory_space<vmem_shared>>) target_semaphore(%arg14 : memref<!tpu.dma_semaphore, #tpu.memory_space<semaphore_mem>>)
    %mul3A_19 = arith.constant 640 : i32
    %mul3A_20 = arith.muli %arg1, %mul3A_19 : i32
    %add3A_21 = arith.constant 64 : i32
    %add3A_22 = arith.addi %mul3A_20, %add3A_21 : i32
    %dma_start3A_23 = arith.constant 0 : i32
    %dma_start3A_24 = arith.constant 0 : i32
    %dma_start3A_25 = arith.constant 0 : i32
    %dma_start3A_26 = tpu.memref_slice %arg9[%dma_start3A_23, %dma_start3A_24, %dma_start3A_25] : memref<4x64x128xf32, #tpu.memory_space<vmem>> -> memref<1x64x128xf32, #tpu.memory_space<vmem>>
    %dma_start3A_27 = tpu.memref_squeeze %dma_start3A_26 : memref<1x64x128xf32, #tpu.memory_space<vmem>> -> memref<64x128xf32, #tpu.memory_space<vmem>>
    %dma_start3A_28 = arith.constant 0 : i32
    %dma_start3A_29 = tpu.memref_slice %arg10[%add3A_22, %dma_start3A_28] : memref<10240x128xf32, #tpu.memory_space<vmem_shared>> -> memref<64x128xf32, #tpu.memory_space<vmem_shared>>
    %dma_start3A_30 = arith.constant 0 : i32
    %dma_start3A_31 = tpu.memref_slice %arg10[%add3A_22, %dma_start3A_30] : memref<10240x128xf32, #tpu.memory_space<vmem_shared>> -> memref<64x128xf32, #tpu.memory_space<vmem_shared>>
    %dma_start3A_32 = arith.constant 0 : i32
    %dma_start3A_33 = arith.constant 0 : i32
    %dma_start3A_34 = tpu.memref_slice %arg9[%dma_start3A_23, %dma_start3A_32, %dma_start3A_33] : memref<4x64x128xf32, #tpu.memory_space<vmem>> -> memref<1x64x128xf32, #tpu.memory_space<vmem>>
    %dma_start3A_35 = tpu.memref_squeeze %dma_start3A_34 : memref<1x64x128xf32, #tpu.memory_space<vmem>> -> memref<64x128xf32, #tpu.memory_space<vmem>>
    tpu.enqueue_dma source(%dma_start3A_35 : memref<64x128xf32, #tpu.memory_space<vmem>>) target(%dma_start3A_31 : memref<64x128xf32, #tpu.memory_space<vmem_shared>>) target_semaphore(%arg14 : memref<!tpu.dma_semaphore, #tpu.memory_space<semaphore_mem>>)
    %mul3A_36 = arith.constant 640 : i32
    %mul3A_37 = arith.muli %arg1, %mul3A_36 : i32
    %add3A_38 = arith.constant 128 : i32
    %add3A_39 = arith.addi %mul3A_37, %add3A_38 : i32
    %dma_start3A_40 = arith.constant 0 : i32
    %dma_start3A_41 = arith.constant 0 : i32
    %dma_start3A_42 = arith.constant 0 : i32
    %dma_start3A_43 = tpu.memref_slice %arg9[%dma_start3A_40, %dma_start3A_41, %dma_start3A_42] : memref<4x64x128xf32, #tpu.memory_space<vmem>> -> memref<1x64x128xf32, #tpu.memory_space<vmem>>
    %dma_start3A_44 = tpu.memref_squeeze %dma_start3A_43 : memref<1x64x128xf32, #tpu.memory_space<vmem>> -> memref<64x128xf32, #tpu.memory_space<vmem>>
    %dma_start3A_45 = arith.constant 0 : i32
    %dma_start3A_46 = tpu.memref_slice %arg10[%add3A_39, %dma_start3A_45] : memref<10240x128xf32, #tpu.memory_space<vmem_shared>> -> memref<64x128xf32, #tpu.memory_space<vmem_shared>>
    %dma_start3A_47 = arith.constant 0 : i32
    %dma_start3A_48 = tpu.memref_slice %arg10[%add3A_39, %dma_start3A_47] : memref<10240x128xf32, #tpu.memory_space<vmem_shared>> -> memref<64x128xf32, #tpu.memory_space<vmem_shared>>
    %dma_start3A_49 = arith.constant 0 : i32
    %dma_start3A_50 = arith.constant 0 : i32
    %dma_start3A_51 = tpu.memref_slice %arg9[%dma_start3A_40, %dma_start3A_49, %dma_start3A_50] : memref<4x64x128xf32, #tpu.memory_space<vmem>> -> memref<1x64x128xf32, #tpu.memory_space<vmem>>
    %dma_start3A_52 = tpu.memref_squeeze %dma_start3A_51 : memref<1x64x128xf32, #tpu.memory_space<vmem>> -> memref<64x128xf32, #tpu.memory_space<vmem>>
    tpu.enqueue_dma source(%dma_start3A_52 : memref<64x128xf32, #tpu.memory_space<vmem>>) target(%dma_start3A_48 : memref<64x128xf32, #tpu.memory_space<vmem_shared>>) target_semaphore(%arg14 : memref<!tpu.dma_semaphore, #tpu.memory_space<semaphore_mem>>)
    %mul3A_53 = arith.constant 640 : i32
    %mul3A_54 = arith.muli %arg1, %mul3A_53 : i32
    %add3A_55 = arith.constant 192 : i32
    %add3A_56 = arith.addi %mul3A_54, %add3A_55 : i32
    %dma_start3A_57 = arith.constant 0 : i32
    %dma_start3A_58 = arith.constant 0 : i32
    %dma_start3A_59 = arith.constant 0 : i32
    %dma_start3A_60 = tpu.memref_slice %arg9[%dma_start3A_57, %dma_start3A_58, %dma_start3A_59] : memref<4x64x128xf32, #tpu.memory_space<vmem>> -> memref<1x64x128xf32, #tpu.memory_space<vmem>>
    %dma_start3A_61 = tpu.memref_squeeze %dma_start3A_60 : memref<1x64x128xf32, #tpu.memory_space<vmem>> -> memref<64x128xf32, #tpu.memory_space<vmem>>
    %dma_start3A_62 = arith.constant 0 : i32
    %dma_start3A_63 = tpu.memref_slice %arg10[%add3A_56, %dma_start3A_62] : memref<10240x128xf32, #tpu.memory_space<vmem_shared>> -> memref<64x128xf32, #tpu.memory_space<vmem_shared>>
    %dma_start3A_64 = arith.constant 0 : i32
    %dma_start3A_65 = tpu.memref_slice %arg10[%add3A_56, %dma_start3A_64] : memref<10240x128xf32, #tpu.memory_space<vmem_shared>> -> memref<64x128xf32, #tpu.memory_space<vmem_shared>>
    %dma_start3A_66 = arith.constant 0 : i32
    %dma_start3A_67 = arith.constant 0 : i32
    %dma_start3A_68 = tpu.memref_slice %arg9[%dma_start3A_57, %dma_start3A_66, %dma_start3A_67] : memref<4x64x128xf32, #tpu.memory_space<vmem>> -> memref<1x64x128xf32, #tpu.memory_space<vmem>>
    %dma_start3A_69 = tpu.memref_squeeze %dma_start3A_68 : memref<1x64x128xf32, #tpu.memory_space<vmem>> -> memref<64x128xf32, #tpu.memory_space<vmem>>
    tpu.enqueue_dma source(%dma_start3A_69 : memref<64x128xf32, #tpu.memory_space<vmem>>) target(%dma_start3A_65 : memref<64x128xf32, #tpu.memory_space<vmem_shared>>) target_semaphore(%arg14 : memref<!tpu.dma_semaphore, #tpu.memory_space<semaphore_mem>>)
    %mul3A_70 = arith.constant 640 : i32
    %mul3A_71 = arith.muli %arg1, %mul3A_70 : i32
    %add3A_72 = arith.constant 256 : i32
    %add3A_73 = arith.addi %mul3A_71, %add3A_72 : i32
    %dma_start3A_74 = arith.constant 0 : i32
    %dma_start3A_75 = arith.constant 0 : i32
    %dma_start3A_76 = arith.constant 0 : i32
    %dma_start3A_77 = tpu.memref_slice %arg9[%dma_start3A_74, %dma_start3A_75, %dma_start3A_76] : memref<4x64x128xf32, #tpu.memory_space<vmem>> -> memref<1x64x128xf32, #tpu.memory_space<vmem>>
    %dma_start3A_78 = tpu.memref_squeeze %dma_start3A_77 : memref<1x64x128xf32, #tpu.memory_space<vmem>> -> memref<64x128xf32, #tpu.memory_space<vmem>>
    %dma_start3A_79 = arith.constant 0 : i32
    %dma_start3A_80 = tpu.memref_slice %arg10[%add3A_73, %dma_start3A_79] : memref<10240x128xf32, #tpu.memory_space<vmem_shared>> -> memref<64x128xf32, #tpu.memory_space<vmem_shared>>
    %dma_start3A_81 = arith.constant 0 : i32
    %dma_start3A_82 = tpu.memref_slice %arg10[%add3A_73, %dma_start3A_81] : memref<10240x128xf32, #tpu.memory_space<vmem_shared>> -> memref<64x128xf32, #tpu.memory_space<vmem_shared>>
    %dma_start3A_83 = arith.constant 0 : i32
    %dma_start3A_84 = arith.constant 0 : i32
    %dma_start3A_85 = tpu.memref_slice %arg9[%dma_start3A_74, %dma_start3A_83, %dma_start3A_84] : memref<4x64x128xf32, #tpu.memory_space<vmem>> -> memref<1x64x128xf32, #tpu.memory_space<vmem>>
    %dma_start3A_86 = tpu.memref_squeeze %dma_start3A_85 : memref<1x64x128xf32, #tpu.memory_space<vmem>> -> memref<64x128xf32, #tpu.memory_space<vmem>>
    tpu.enqueue_dma source(%dma_start3A_86 : memref<64x128xf32, #tpu.memory_space<vmem>>) target(%dma_start3A_82 : memref<64x128xf32, #tpu.memory_space<vmem_shared>>) target_semaphore(%arg14 : memref<!tpu.dma_semaphore, #tpu.memory_space<semaphore_mem>>)
    %mul3A_87 = arith.constant 640 : i32
    %mul3A_88 = arith.muli %arg1, %mul3A_87 : i32
    %add3A_89 = arith.constant 320 : i32
    %add3A_90 = arith.addi %mul3A_88, %add3A_89 : i32
    %dma_start3A_91 = arith.constant 0 : i32
    %dma_start3A_92 = arith.constant 0 : i32
    %dma_start3A_93 = arith.constant 0 : i32
    %dma_start3A_94 = tpu.memref_slice %arg9[%dma_start3A_91, %dma_start3A_92, %dma_start3A_93] : memref<4x64x128xf32, #tpu.memory_space<vmem>> -> memref<1x64x128xf32, #tpu.memory_space<vmem>>
    %dma_start3A_95 = tpu.memref_squeeze %dma_start3A_94 : memref<1x64x128xf32, #tpu.memory_space<vmem>> -> memref<64x128xf32, #tpu.memory_space<vmem>>
    %dma_start3A_96 = arith.constant 0 : i32
    %dma_start3A_97 = tpu.memref_slice %arg10[%add3A_90, %dma_start3A_96] : memref<10240x128xf32, #tpu.memory_space<vmem_shared>> -> memref<64x128xf32, #tpu.memory_space<vmem_shared>>
    %dma_start3A_98 = arith.constant 0 : i32
    %dma_start3A_99 = tpu.memref_slice %arg10[%add3A_90, %dma_start3A_98] : memref<10240x128xf32, #tpu.memory_space<vmem_shared>> -> memref<64x128xf32, #tpu.memory_space<vmem_shared>>
    %dma_start3A_100 = arith.constant 0 : i32
    %dma_start3A_101 = arith.constant 0 : i32
    %dma_start3A_102 = tpu.memref_slice %arg9[%dma_start3A_91, %dma_start3A_100, %dma_start3A_101] : memref<4x64x128xf32, #tpu.memory_space<vmem>> -> memref<1x64x128xf32, #tpu.memory_space<vmem>>
    %dma_start3A_103 = tpu.memref_squeeze %dma_start3A_102 : memref<1x64x128xf32, #tpu.memory_space<vmem>> -> memref<64x128xf32, #tpu.memory_space<vmem>>
    tpu.enqueue_dma source(%dma_start3A_103 : memref<64x128xf32, #tpu.memory_space<vmem>>) target(%dma_start3A_99 : memref<64x128xf32, #tpu.memory_space<vmem_shared>>) target_semaphore(%arg14 : memref<!tpu.dma_semaphore, #tpu.memory_space<semaphore_mem>>)
    %mul3A_104 = arith.constant 640 : i32
    %mul3A_105 = arith.muli %arg1, %mul3A_104 : i32
    %add3A_106 = arith.constant 384 : i32
    %add3A_107 = arith.addi %mul3A_105, %add3A_106 : i32
    %dma_start3A_108 = arith.constant 0 : i32
    %dma_start3A_109 = arith.constant 0 : i32
    %dma_start3A_110 = arith.constant 0 : i32
    %dma_start3A_111 = tpu.memref_slice %arg9[%dma_start3A_108, %dma_start3A_109, %dma_start3A_110] : memref<4x64x128xf32, #tpu.memory_space<vmem>> -> memref<1x64x128xf32, #tpu.memory_space<vmem>>
    %dma_start3A_112 = tpu.memref_squeeze %dma_start3A_111 : memref<1x64x128xf32, #tpu.memory_space<vmem>> -> memref<64x128xf32, #tpu.memory_space<vmem>>
    %dma_start3A_113 = arith.constant 0 : i32
    %dma_start3A_114 = tpu.memref_slice %arg10[%add3A_107, %dma_start3A_113] : memref<10240x128xf32, #tpu.memory_space<vmem_shared>> -> memref<64x128xf32, #tpu.memory_space<vmem_shared>>
    %dma_start3A_115 = arith.constant 0 : i32
    %dma_start3A_116 = tpu.memref_slice %arg10[%add3A_107, %dma_start3A_115] : memref<10240x128xf32, #tpu.memory_space<vmem_shared>> -> memref<64x128xf32, #tpu.memory_space<vmem_shared>>
    %dma_start3A_117 = arith.constant 0 : i32
    %dma_start3A_118 = arith.constant 0 : i32
    %dma_start3A_119 = tpu.memref_slice %arg9[%dma_start3A_108, %dma_start3A_117, %dma_start3A_118] : memref<4x64x128xf32, #tpu.memory_space<vmem>> -> memref<1x64x128xf32, #tpu.memory_space<vmem>>
    %dma_start3A_120 = tpu.memref_squeeze %dma_start3A_119 : memref<1x64x128xf32, #tpu.memory_space<vmem>> -> memref<64x128xf32, #tpu.memory_space<vmem>>
    tpu.enqueue_dma source(%dma_start3A_120 : memref<64x128xf32, #tpu.memory_space<vmem>>) target(%dma_start3A_116 : memref<64x128xf32, #tpu.memory_space<vmem_shared>>) target_semaphore(%arg14 : memref<!tpu.dma_semaphore, #tpu.memory_space<semaphore_mem>>)
    %mul3A_121 = arith.constant 640 : i32
    %mul3A_122 = arith.muli %arg1, %mul3A_121 : i32
    %add3A_123 = arith.constant 448 : i32
    %add3A_124 = arith.addi %mul3A_122, %add3A_123 : i32
    %dma_start3A_125 = arith.constant 0 : i32
    %dma_start3A_126 = arith.constant 0 : i32
    %dma_start3A_127 = arith.constant 0 : i32
    %dma_start3A_128 = tpu.memref_slice %arg9[%dma_start3A_125, %dma_start3A_126, %dma_start3A_127] : memref<4x64x128xf32, #tpu.memory_space<vmem>> -> memref<1x64x128xf32, #tpu.memory_space<vmem>>
    %dma_start3A_129 = tpu.memref_squeeze %dma_start3A_128 : memref<1x64x128xf32, #tpu.memory_space<vmem>> -> memref<64x128xf32, #tpu.memory_space<vmem>>
    %dma_start3A_130 = arith.constant 0 : i32
    %dma_start3A_131 = tpu.memref_slice %arg10[%add3A_124, %dma_start3A_130] : memref<10240x128xf32, #tpu.memory_space<vmem_shared>> -> memref<64x128xf32, #tpu.memory_space<vmem_shared>>
    %dma_start3A_132 = arith.constant 0 : i32
    %dma_start3A_133 = tpu.memref_slice %arg10[%add3A_124, %dma_start3A_132] : memref<10240x128xf32, #tpu.memory_space<vmem_shared>> -> memref<64x128xf32, #tpu.memory_space<vmem_shared>>
    %dma_start3A_134 = arith.constant 0 : i32
    %dma_start3A_135 = arith.constant 0 : i32
    %dma_start3A_136 = tpu.memref_slice %arg9[%dma_start3A_125, %dma_start3A_134, %dma_start3A_135] : memref<4x64x128xf32, #tpu.memory_space<vmem>> -> memref<1x64x128xf32, #tpu.memory_space<vmem>>
    %dma_start3A_137 = tpu.memref_squeeze %dma_start3A_136 : memref<1x64x128xf32, #tpu.memory_space<vmem>> -> memref<64x128xf32, #tpu.memory_space<vmem>>
    tpu.enqueue_dma source(%dma_start3A_137 : memref<64x128xf32, #tpu.memory_space<vmem>>) target(%dma_start3A_133 : memref<64x128xf32, #tpu.memory_space<vmem_shared>>) target_semaphore(%arg14 : memref<!tpu.dma_semaphore, #tpu.memory_space<semaphore_mem>>)
    %mul3A_138 = arith.constant 640 : i32
    %mul3A_139 = arith.muli %arg1, %mul3A_138 : i32
    %add3A_140 = arith.constant 512 : i32
    %add3A_141 = arith.addi %mul3A_139, %add3A_140 : i32
    %dma_start3A_142 = arith.constant 0 : i32
    %dma_start3A_143 = arith.constant 0 : i32
    %dma_start3A_144 = arith.constant 0 : i32
    %dma_start3A_145 = tpu.memref_slice %arg9[%dma_start3A_142, %dma_start3A_143, %dma_start3A_144] : memref<4x64x128xf32, #tpu.memory_space<vmem>> -> memref<1x64x128xf32, #tpu.memory_space<vmem>>
    %dma_start3A_146 = tpu.memref_squeeze %dma_start3A_145 : memref<1x64x128xf32, #tpu.memory_space<vmem>> -> memref<64x128xf32, #tpu.memory_space<vmem>>
    %dma_start3A_147 = arith.constant 0 : i32
    %dma_start3A_148 = tpu.memref_slice %arg10[%add3A_141, %dma_start3A_147] : memref<10240x128xf32, #tpu.memory_space<vmem_shared>> -> memref<64x128xf32, #tpu.memory_space<vmem_shared>>
    %dma_start3A_149 = arith.constant 0 : i32
    %dma_start3A_150 = tpu.memref_slice %arg10[%add3A_141, %dma_start3A_149] : memref<10240x128xf32, #tpu.memory_space<vmem_shared>> -> memref<64x128xf32, #tpu.memory_space<vmem_shared>>
    %dma_start3A_151 = arith.constant 0 : i32
    %dma_start3A_152 = arith.constant 0 : i32
    %dma_start3A_153 = tpu.memref_slice %arg9[%dma_start3A_142, %dma_start3A_151, %dma_start3A_152] : memref<4x64x128xf32, #tpu.memory_space<vmem>> -> memref<1x64x128xf32, #tpu.memory_space<vmem>>
    %dma_start3A_154 = tpu.memref_squeeze %dma_start3A_153 : memref<1x64x128xf32, #tpu.memory_space<vmem>> -> memref<64x128xf32, #tpu.memory_space<vmem>>
    tpu.enqueue_dma source(%dma_start3A_154 : memref<64x128xf32, #tpu.memory_space<vmem>>) target(%dma_start3A_150 : memref<64x128xf32, #tpu.memory_space<vmem_shared>>) target_semaphore(%arg14 : memref<!tpu.dma_semaphore, #tpu.memory_space<semaphore_mem>>)
    %mul3A_155 = arith.constant 640 : i32
    %mul3A_156 = arith.muli %arg1, %mul3A_155 : i32
    %add3A_157 = arith.constant 576 : i32
    %add3A_158 = arith.addi %mul3A_156, %add3A_157 : i32
    %dma_start3A_159 = arith.constant 0 : i32
    %dma_start3A_160 = arith.constant 0 : i32
    %dma_start3A_161 = arith.constant 0 : i32
    %dma_start3A_162 = tpu.memref_slice %arg9[%dma_start3A_159, %dma_start3A_160, %dma_start3A_161] : memref<4x64x128xf32, #tpu.memory_space<vmem>> -> memref<1x64x128xf32, #tpu.memory_space<vmem>>
    %dma_start3A_163 = tpu.memref_squeeze %dma_start3A_162 : memref<1x64x128xf32, #tpu.memory_space<vmem>> -> memref<64x128xf32, #tpu.memory_space<vmem>>
    %dma_start3A_164 = arith.constant 0 : i32
    %dma_start3A_165 = tpu.memref_slice %arg10[%add3A_158, %dma_start3A_164] : memref<10240x128xf32, #tpu.memory_space<vmem_shared>> -> memref<64x128xf32, #tpu.memory_space<vmem_shared>>
    %dma_start3A_166 = arith.constant 0 : i32
    %dma_start3A_167 = tpu.memref_slice %arg10[%add3A_158, %dma_start3A_166] : memref<10240x128xf32, #tpu.memory_space<vmem_shared>> -> memref<64x128xf32, #tpu.memory_space<vmem_shared>>
    %dma_start3A_168 = arith.constant 0 : i32
    %dma_start3A_169 = arith.constant 0 : i32
    %dma_start3A_170 = tpu.memref_slice %arg9[%dma_start3A_159, %dma_start3A_168, %dma_start3A_169] : memref<4x64x128xf32, #tpu.memory_space<vmem>> -> memref<1x64x128xf32, #tpu.memory_space<vmem>>
    %dma_start3A_171 = tpu.memref_squeeze %dma_start3A_170 : memref<1x64x128xf32, #tpu.memory_space<vmem>> -> memref<64x128xf32, #tpu.memory_space<vmem>>
    tpu.enqueue_dma source(%dma_start3A_171 : memref<64x128xf32, #tpu.memory_space<vmem>>) target(%dma_start3A_167 : memref<64x128xf32, #tpu.memory_space<vmem_shared>>) target_semaphore(%arg14 : memref<!tpu.dma_semaphore, #tpu.memory_space<semaphore_mem>>)
    %run_scoped3A_172 = arith.constant 0 : i32
    "tpu.region"() ({
      %run_scoped3A_535 = tpu.sem_alloc : memref<!tpu.dma_semaphore, #tpu.memory_space<semaphore_mem>>
      %dma_start3A_536 = arith.constant 0 : i32
      %dma_start3A_537 = arith.constant 0 : i32
      %dma_start3A_538 = tpu.memref_slice %arg7[%run_scoped3A_172, %dma_start3A_536, %dma_start3A_537] : memref<5x8x64xi32, #tpu.memory_space<vmem>> -> memref<1x8x64xi32, #tpu.memory_space<vmem>>
      %dma_start3A_539 = tpu.memref_squeeze %dma_start3A_538 : memref<1x8x64xi32, #tpu.memory_space<vmem>> -> memref<8x64xi32, #tpu.memory_space<vmem>>
      %dma_start3A_540 = arith.constant 0 : i32
      %dma_start3A_541 = tpu.memref_slice %arg3[%mul3A_2, %dma_start3A_540] : memref<5120x64xi32, #tpu.memory_space<hbm>> -> memref<8x64xi32, #tpu.memory_space<hbm>>
      %dma_start3A_542 = arith.constant 0 : i32
      %dma_start3A_543 = arith.constant 0 : i32
      %dma_start3A_544 = tpu.memref_slice %arg7[%run_scoped3A_172, %dma_start3A_542, %dma_start3A_543] : memref<5x8x64xi32, #tpu.memory_space<vmem>> -> memref<1x8x64xi32, #tpu.memory_space<vmem>>
      %dma_start3A_545 = tpu.memref_squeeze %dma_start3A_544 : memref<1x8x64xi32, #tpu.memory_space<vmem>> -> memref<8x64xi32, #tpu.memory_space<vmem>>
      %dma_start3A_546 = arith.constant 0 : i32
      %dma_start3A_547 = tpu.memref_slice %arg3[%mul3A_2, %dma_start3A_546] : memref<5120x64xi32, #tpu.memory_space<hbm>> -> memref<8x64xi32, #tpu.memory_space<hbm>>
      tpu.enqueue_dma source(%dma_start3A_547 : memref<8x64xi32, #tpu.memory_space<hbm>>) target(%dma_start3A_545 : memref<8x64xi32, #tpu.memory_space<vmem>>) target_semaphore(%run_scoped3A_535 : memref<!tpu.dma_semaphore, #tpu.memory_space<semaphore_mem>>)
      %dma_wait3A_548 = arith.constant 0 : i32
      %dma_wait3A_549 = arith.constant 0 : i32
      %dma_wait3A_550 = tpu.memref_slice %arg7[%run_scoped3A_172, %dma_wait3A_548, %dma_wait3A_549] : memref<5x8x64xi32, #tpu.memory_space<vmem>> -> memref<1x8x64xi32, #tpu.memory_space<vmem>>
      %dma_wait3A_551 = tpu.memref_squeeze %dma_wait3A_550 : memref<1x8x64xi32, #tpu.memory_space<vmem>> -> memref<8x64xi32, #tpu.memory_space<vmem>>
      %dma_wait3A_552 = arith.constant 0 : i32
      %dma_wait3A_553 = tpu.memref_slice %arg3[%mul3A_2, %dma_wait3A_552] : memref<5120x64xi32, #tpu.memory_space<hbm>> -> memref<8x64xi32, #tpu.memory_space<hbm>>
      %dma_wait3A_554 = arith.constant 0 : i32
      %dma_wait3A_555 = arith.constant 0 : i32
      %dma_wait3A_556 = tpu.memref_slice %arg7[%run_scoped3A_172, %dma_wait3A_554, %dma_wait3A_555] : memref<5x8x64xi32, #tpu.memory_space<vmem>> -> memref<1x8x64xi32, #tpu.memory_space<vmem>>
      %dma_wait3A_557 = tpu.memref_squeeze %dma_wait3A_556 : memref<1x8x64xi32, #tpu.memory_space<vmem>> -> memref<8x64xi32, #tpu.memory_space<vmem>>
      %dma_wait3A_558 = arith.constant 0 : i32
      %dma_wait3A_559 = tpu.memref_slice %arg3[%mul3A_2, %dma_wait3A_558] : memref<5120x64xi32, #tpu.memory_space<hbm>> -> memref<8x64xi32, #tpu.memory_space<hbm>>
      tpu.wait_dma2 semaphore(%run_scoped3A_535 : memref<!tpu.dma_semaphore, #tpu.memory_space<semaphore_mem>>) src(%dma_wait3A_559 : memref<8x64xi32, #tpu.memory_space<hbm>>) dst(%dma_wait3A_557 : memref<8x64xi32, #tpu.memory_space<vmem>>)
      tpu.yield
    }) : () -> ()
    %run_scoped3A_173 = arith.constant 0 : i32
    "tpu.region"() ({
      %run_scoped3A_535 = tpu.sem_alloc : memref<!tpu.dma_semaphore, #tpu.memory_space<semaphore_mem>>
      %dma_start3A_536 = arith.constant 0 : i32
      %dma_start3A_537 = arith.constant 0 : i32
      %dma_start3A_538 = tpu.memref_slice %arg8[%run_scoped3A_173, %dma_start3A_536, %dma_start3A_537] : memref<5x8x64xi32, #tpu.memory_space<vmem>> -> memref<1x8x64xi32, #tpu.memory_space<vmem>>
      %dma_start3A_539 = tpu.memref_squeeze %dma_start3A_538 : memref<1x8x64xi32, #tpu.memory_space<vmem>> -> memref<8x64xi32, #tpu.memory_space<vmem>>
      %dma_start3A_540 = arith.constant 0 : i32
      %dma_start3A_541 = tpu.memref_slice %arg4[%mul3A_2, %dma_start3A_540] : memref<5120x64xi32, #tpu.memory_space<hbm>> -> memref<8x64xi32, #tpu.memory_space<hbm>>
      %dma_start3A_542 = arith.constant 0 : i32
      %dma_start3A_543 = arith.constant 0 : i32
      %dma_start3A_544 = tpu.memref_slice %arg8[%run_scoped3A_173, %dma_start3A_542, %dma_start3A_543] : memref<5x8x64xi32, #tpu.memory_space<vmem>> -> memref<1x8x64xi32, #tpu.memory_space<vmem>>
      %dma_start3A_545 = tpu.memref_squeeze %dma_start3A_544 : memref<1x8x64xi32, #tpu.memory_space<vmem>> -> memref<8x64xi32, #tpu.memory_space<vmem>>
      %dma_start3A_546 = arith.constant 0 : i32
      %dma_start3A_547 = tpu.memref_slice %arg4[%mul3A_2, %dma_start3A_546] : memref<5120x64xi32, #tpu.memory_space<hbm>> -> memref<8x64xi32, #tpu.memory_space<hbm>>
      tpu.enqueue_dma source(%dma_start3A_547 : memref<8x64xi32, #tpu.memory_space<hbm>>) target(%dma_start3A_545 : memref<8x64xi32, #tpu.memory_space<vmem>>) target_semaphore(%run_scoped3A_535 : memref<!tpu.dma_semaphore, #tpu.memory_space<semaphore_mem>>)
      %dma_wait3A_548 = arith.constant 0 : i32
      %dma_wait3A_549 = arith.constant 0 : i32
      %dma_wait3A_550 = tpu.memref_slice %arg8[%run_scoped3A_173, %dma_wait3A_548, %dma_wait3A_549] : memref<5x8x64xi32, #tpu.memory_space<vmem>> -> memref<1x8x64xi32, #tpu.memory_space<vmem>>
      %dma_wait3A_551 = tpu.memref_squeeze %dma_wait3A_550 : memref<1x8x64xi32, #tpu.memory_space<vmem>> -> memref<8x64xi32, #tpu.memory_space<vmem>>
      %dma_wait3A_552 = arith.constant 0 : i32
      %dma_wait3A_553 = tpu.memref_slice %arg4[%mul3A_2, %dma_wait3A_552] : memref<5120x64xi32, #tpu.memory_space<hbm>> -> memref<8x64xi32, #tpu.memory_space<hbm>>
      %dma_wait3A_554 = arith.constant 0 : i32
      %dma_wait3A_555 = arith.constant 0 : i32
      %dma_wait3A_556 = tpu.memref_slice %arg8[%run_scoped3A_173, %dma_wait3A_554, %dma_wait3A_555] : memref<5x8x64xi32, #tpu.memory_space<vmem>> -> memref<1x8x64xi32, #tpu.memory_space<vmem>>
      %dma_wait3A_557 = tpu.memref_squeeze %dma_wait3A_556 : memref<1x8x64xi32, #tpu.memory_space<vmem>> -> memref<8x64xi32, #tpu.memory_space<vmem>>
      %dma_wait3A_558 = arith.constant 0 : i32
      %dma_wait3A_559 = tpu.memref_slice %arg4[%mul3A_2, %dma_wait3A_558] : memref<5120x64xi32, #tpu.memory_space<hbm>> -> memref<8x64xi32, #tpu.memory_space<hbm>>
      tpu.wait_dma2 semaphore(%run_scoped3A_535 : memref<!tpu.dma_semaphore, #tpu.memory_space<semaphore_mem>>) src(%dma_wait3A_559 : memref<8x64xi32, #tpu.memory_space<hbm>>) dst(%dma_wait3A_557 : memref<8x64xi32, #tpu.memory_space<vmem>>)
      tpu.yield
    }) : () -> ()
    %add3A_174 = arith.constant 8 : i32
    %add3A_175 = arith.addi %mul3A_2, %add3A_174 : i32
    %dma_start3A_176 = arith.constant 1 : i32
    %dma_start3A_177 = arith.constant 0 : i32
    %dma_start3A_178 = arith.constant 0 : i32
    %dma_start3A_179 = tpu.memref_slice %arg7[%dma_start3A_176, %dma_start3A_177, %dma_start3A_178] : memref<5x8x64xi32, #tpu.memory_space<vmem>> -> memref<1x8x64xi32, #tpu.memory_space<vmem>>
    %dma_start3A_180 = tpu.memref_squeeze %dma_start3A_179 : memref<1x8x64xi32, #tpu.memory_space<vmem>> -> memref<8x64xi32, #tpu.memory_space<vmem>>
    %dma_start3A_181 = arith.constant 0 : i32
    %dma_start3A_182 = tpu.memref_slice %arg3[%add3A_175, %dma_start3A_181] : memref<5120x64xi32, #tpu.memory_space<hbm>> -> memref<8x64xi32, #tpu.memory_space<hbm>>
    %dma_start3A_183 = arith.constant 0 : i32
    %dma_start3A_184 = arith.constant 0 : i32
    %dma_start3A_185 = tpu.memref_slice %arg7[%dma_start3A_176, %dma_start3A_183, %dma_start3A_184] : memref<5x8x64xi32, #tpu.memory_space<vmem>> -> memref<1x8x64xi32, #tpu.memory_space<vmem>>
    %dma_start3A_186 = tpu.memref_squeeze %dma_start3A_185 : memref<1x8x64xi32, #tpu.memory_space<vmem>> -> memref<8x64xi32, #tpu.memory_space<vmem>>
    %dma_start3A_187 = arith.constant 0 : i32
    %dma_start3A_188 = tpu.memref_slice %arg3[%add3A_175, %dma_start3A_187] : memref<5120x64xi32, #tpu.memory_space<hbm>> -> memref<8x64xi32, #tpu.memory_space<hbm>>
    tpu.enqueue_dma source(%dma_start3A_188 : memref<8x64xi32, #tpu.memory_space<hbm>>) target(%dma_start3A_186 : memref<8x64xi32, #tpu.memory_space<vmem>>) target_semaphore(%arg11 : memref<!tpu.dma_semaphore, #tpu.memory_space<semaphore_mem>>)
    %add3A_189 = arith.constant 8 : i32
    %add3A_190 = arith.addi %mul3A_2, %add3A_189 : i32
    %dma_start3A_191 = arith.constant 1 : i32
    %dma_start3A_192 = arith.constant 0 : i32
    %dma_start3A_193 = arith.constant 0 : i32
    %dma_start3A_194 = tpu.memref_slice %arg8[%dma_start3A_191, %dma_start3A_192, %dma_start3A_193] : memref<5x8x64xi32, #tpu.memory_space<vmem>> -> memref<1x8x64xi32, #tpu.memory_space<vmem>>
    %dma_start3A_195 = tpu.memref_squeeze %dma_start3A_194 : memref<1x8x64xi32, #tpu.memory_space<vmem>> -> memref<8x64xi32, #tpu.memory_space<vmem>>
    %dma_start3A_196 = arith.constant 0 : i32
    %dma_start3A_197 = tpu.memref_slice %arg4[%add3A_190, %dma_start3A_196] : memref<5120x64xi32, #tpu.memory_space<hbm>> -> memref<8x64xi32, #tpu.memory_space<hbm>>
    %dma_start3A_198 = arith.constant 0 : i32
    %dma_start3A_199 = arith.constant 0 : i32
    %dma_start3A_200 = tpu.memref_slice %arg8[%dma_start3A_191, %dma_start3A_198, %dma_start3A_199] : memref<5x8x64xi32, #tpu.memory_space<vmem>> -> memref<1x8x64xi32, #tpu.memory_space<vmem>>
    %dma_start3A_201 = tpu.memref_squeeze %dma_start3A_200 : memref<1x8x64xi32, #tpu.memory_space<vmem>> -> memref<8x64xi32, #tpu.memory_space<vmem>>
    %dma_start3A_202 = arith.constant 0 : i32
    %dma_start3A_203 = tpu.memref_slice %arg4[%add3A_190, %dma_start3A_202] : memref<5120x64xi32, #tpu.memory_space<hbm>> -> memref<8x64xi32, #tpu.memory_space<hbm>>
    tpu.enqueue_dma source(%dma_start3A_203 : memref<8x64xi32, #tpu.memory_space<hbm>>) target(%dma_start3A_201 : memref<8x64xi32, #tpu.memory_space<vmem>>) target_semaphore(%arg11 : memref<!tpu.dma_semaphore, #tpu.memory_space<semaphore_mem>>)
    %add3A_204 = arith.constant 16 : i32
    %add3A_205 = arith.addi %mul3A_2, %add3A_204 : i32
    %dma_start3A_206 = arith.constant 2 : i32
    %dma_start3A_207 = arith.constant 0 : i32
    %dma_start3A_208 = arith.constant 0 : i32
    %dma_start3A_209 = tpu.memref_slice %arg7[%dma_start3A_206, %dma_start3A_207, %dma_start3A_208] : memref<5x8x64xi32, #tpu.memory_space<vmem>> -> memref<1x8x64xi32, #tpu.memory_space<vmem>>
    %dma_start3A_210 = tpu.memref_squeeze %dma_start3A_209 : memref<1x8x64xi32, #tpu.memory_space<vmem>> -> memref<8x64xi32, #tpu.memory_space<vmem>>
    %dma_start3A_211 = arith.constant 0 : i32
    %dma_start3A_212 = tpu.memref_slice %arg3[%add3A_205, %dma_start3A_211] : memref<5120x64xi32, #tpu.memory_space<hbm>> -> memref<8x64xi32, #tpu.memory_space<hbm>>
    %dma_start3A_213 = arith.constant 0 : i32
    %dma_start3A_214 = arith.constant 0 : i32
    %dma_start3A_215 = tpu.memref_slice %arg7[%dma_start3A_206, %dma_start3A_213, %dma_start3A_214] : memref<5x8x64xi32, #tpu.memory_space<vmem>> -> memref<1x8x64xi32, #tpu.memory_space<vmem>>
    %dma_start3A_216 = tpu.memref_squeeze %dma_start3A_215 : memref<1x8x64xi32, #tpu.memory_space<vmem>> -> memref<8x64xi32, #tpu.memory_space<vmem>>
    %dma_start3A_217 = arith.constant 0 : i32
    %dma_start3A_218 = tpu.memref_slice %arg3[%add3A_205, %dma_start3A_217] : memref<5120x64xi32, #tpu.memory_space<hbm>> -> memref<8x64xi32, #tpu.memory_space<hbm>>
    tpu.enqueue_dma source(%dma_start3A_218 : memref<8x64xi32, #tpu.memory_space<hbm>>) target(%dma_start3A_216 : memref<8x64xi32, #tpu.memory_space<vmem>>) target_semaphore(%arg11 : memref<!tpu.dma_semaphore, #tpu.memory_space<semaphore_mem>>)
    %add3A_219 = arith.constant 16 : i32
    %add3A_220 = arith.addi %mul3A_2, %add3A_219 : i32
    %dma_start3A_221 = arith.constant 2 : i32
    %dma_start3A_222 = arith.constant 0 : i32
    %dma_start3A_223 = arith.constant 0 : i32
    %dma_start3A_224 = tpu.memref_slice %arg8[%dma_start3A_221, %dma_start3A_222, %dma_start3A_223] : memref<5x8x64xi32, #tpu.memory_space<vmem>> -> memref<1x8x64xi32, #tpu.memory_space<vmem>>
    %dma_start3A_225 = tpu.memref_squeeze %dma_start3A_224 : memref<1x8x64xi32, #tpu.memory_space<vmem>> -> memref<8x64xi32, #tpu.memory_space<vmem>>
    %dma_start3A_226 = arith.constant 0 : i32
    %dma_start3A_227 = tpu.memref_slice %arg4[%add3A_220, %dma_start3A_226] : memref<5120x64xi32, #tpu.memory_space<hbm>> -> memref<8x64xi32, #tpu.memory_space<hbm>>
    %dma_start3A_228 = arith.constant 0 : i32
    %dma_start3A_229 = arith.constant 0 : i32
    %dma_start3A_230 = tpu.memref_slice %arg8[%dma_start3A_221, %dma_start3A_228, %dma_start3A_229] : memref<5x8x64xi32, #tpu.memory_space<vmem>> -> memref<1x8x64xi32, #tpu.memory_space<vmem>>
    %dma_start3A_231 = tpu.memref_squeeze %dma_start3A_230 : memref<1x8x64xi32, #tpu.memory_space<vmem>> -> memref<8x64xi32, #tpu.memory_space<vmem>>
    %dma_start3A_232 = arith.constant 0 : i32
    %dma_start3A_233 = tpu.memref_slice %arg4[%add3A_220, %dma_start3A_232] : memref<5120x64xi32, #tpu.memory_space<hbm>> -> memref<8x64xi32, #tpu.memory_space<hbm>>
    tpu.enqueue_dma source(%dma_start3A_233 : memref<8x64xi32, #tpu.memory_space<hbm>>) target(%dma_start3A_231 : memref<8x64xi32, #tpu.memory_space<vmem>>) target_semaphore(%arg11 : memref<!tpu.dma_semaphore, #tpu.memory_space<semaphore_mem>>)
    %add3A_234 = arith.constant 24 : i32
    %add3A_235 = arith.addi %mul3A_2, %add3A_234 : i32
    %dma_start3A_236 = arith.constant 3 : i32
    %dma_start3A_237 = arith.constant 0 : i32
    %dma_start3A_238 = arith.constant 0 : i32
    %dma_start3A_239 = tpu.memref_slice %arg7[%dma_start3A_236, %dma_start3A_237, %dma_start3A_238] : memref<5x8x64xi32, #tpu.memory_space<vmem>> -> memref<1x8x64xi32, #tpu.memory_space<vmem>>
    %dma_start3A_240 = tpu.memref_squeeze %dma_start3A_239 : memref<1x8x64xi32, #tpu.memory_space<vmem>> -> memref<8x64xi32, #tpu.memory_space<vmem>>
    %dma_start3A_241 = arith.constant 0 : i32
    %dma_start3A_242 = tpu.memref_slice %arg3[%add3A_235, %dma_start3A_241] : memref<5120x64xi32, #tpu.memory_space<hbm>> -> memref<8x64xi32, #tpu.memory_space<hbm>>
    %dma_start3A_243 = arith.constant 0 : i32
    %dma_start3A_244 = arith.constant 0 : i32
    %dma_start3A_245 = tpu.memref_slice %arg7[%dma_start3A_236, %dma_start3A_243, %dma_start3A_244] : memref<5x8x64xi32, #tpu.memory_space<vmem>> -> memref<1x8x64xi32, #tpu.memory_space<vmem>>
    %dma_start3A_246 = tpu.memref_squeeze %dma_start3A_245 : memref<1x8x64xi32, #tpu.memory_space<vmem>> -> memref<8x64xi32, #tpu.memory_space<vmem>>
    %dma_start3A_247 = arith.constant 0 : i32
    %dma_start3A_248 = tpu.memref_slice %arg3[%add3A_235, %dma_start3A_247] : memref<5120x64xi32, #tpu.memory_space<hbm>> -> memref<8x64xi32, #tpu.memory_space<hbm>>
    tpu.enqueue_dma source(%dma_start3A_248 : memref<8x64xi32, #tpu.memory_space<hbm>>) target(%dma_start3A_246 : memref<8x64xi32, #tpu.memory_space<vmem>>) target_semaphore(%arg11 : memref<!tpu.dma_semaphore, #tpu.memory_space<semaphore_mem>>)
    %add3A_249 = arith.constant 24 : i32
    %add3A_250 = arith.addi %mul3A_2, %add3A_249 : i32
    %dma_start3A_251 = arith.constant 3 : i32
    %dma_start3A_252 = arith.constant 0 : i32
    %dma_start3A_253 = arith.constant 0 : i32
    %dma_start3A_254 = tpu.memref_slice %arg8[%dma_start3A_251, %dma_start3A_252, %dma_start3A_253] : memref<5x8x64xi32, #tpu.memory_space<vmem>> -> memref<1x8x64xi32, #tpu.memory_space<vmem>>
    %dma_start3A_255 = tpu.memref_squeeze %dma_start3A_254 : memref<1x8x64xi32, #tpu.memory_space<vmem>> -> memref<8x64xi32, #tpu.memory_space<vmem>>
    %dma_start3A_256 = arith.constant 0 : i32
    %dma_start3A_257 = tpu.memref_slice %arg4[%add3A_250, %dma_start3A_256] : memref<5120x64xi32, #tpu.memory_space<hbm>> -> memref<8x64xi32, #tpu.memory_space<hbm>>
    %dma_start3A_258 = arith.constant 0 : i32
    %dma_start3A_259 = arith.constant 0 : i32
    %dma_start3A_260 = tpu.memref_slice %arg8[%dma_start3A_251, %dma_start3A_258, %dma_start3A_259] : memref<5x8x64xi32, #tpu.memory_space<vmem>> -> memref<1x8x64xi32, #tpu.memory_space<vmem>>
    %dma_start3A_261 = tpu.memref_squeeze %dma_start3A_260 : memref<1x8x64xi32, #tpu.memory_space<vmem>> -> memref<8x64xi32, #tpu.memory_space<vmem>>
    %dma_start3A_262 = arith.constant 0 : i32
    %dma_start3A_263 = tpu.memref_slice %arg4[%add3A_250, %dma_start3A_262] : memref<5120x64xi32, #tpu.memory_space<hbm>> -> memref<8x64xi32, #tpu.memory_space<hbm>>
    tpu.enqueue_dma source(%dma_start3A_263 : memref<8x64xi32, #tpu.memory_space<hbm>>) target(%dma_start3A_261 : memref<8x64xi32, #tpu.memory_space<vmem>>) target_semaphore(%arg11 : memref<!tpu.dma_semaphore, #tpu.memory_space<semaphore_mem>>)
    %dma_start3A_264 = arith.constant 0 : i32
    %dma_start3A_265 = arith.constant 1 : i32
    %dma_start3A_266 = arith.constant 1 : i32
    %dma_start3A_267 = arith.constant 1 : i32
    %dma_start3A_268 = arith.constant 0 : i32
    %dma_start3A_269 = arith.constant 0 : i32
    %dma_start3A_270 = tpu.memref_slice %arg9[%dma_start3A_266, %dma_start3A_268, %dma_start3A_269] : memref<4x64x128xf32, #tpu.memory_space<vmem>> -> memref<1x64x128xf32, #tpu.memory_space<vmem>>
    %dma_start3A_271 = tpu.memref_squeeze %dma_start3A_270 : memref<1x64x128xf32, #tpu.memory_space<vmem>> -> memref<64x128xf32, #tpu.memory_space<vmem>>
    %dma_start3A_272 = arith.constant 0 : i32
    %dma_start3A_273 = tpu.memref_slice %arg7[%dma_start3A_264, %dma_start3A_265, %dma_start3A_272] : memref<5x8x64xi32, #tpu.memory_space<vmem>> -> memref<1x1x64xi32, #tpu.memory_space<vmem>>
    %dma_start3A_274 = tpu.memref_squeeze %dma_start3A_273 : memref<1x1x64xi32, #tpu.memory_space<vmem>> -> memref<64xi32, #tpu.memory_space<vmem>>
    %dma_start3A_275 = arith.constant 0 : i32
    %dma_start3A_276 = arith.constant 0 : i32
    %dma_start3A_277 = tpu.memref_slice %arg2[%dma_start3A_275, %dma_start3A_276] : memref<10000x128xf32, #tpu.memory_space<hbm>> -> memref<10000x128xf32, #tpu.memory_space<hbm>>
    %dma_start3A_278 = tpu.memref_slice %arg12[%dma_start3A_267] : memref<4x!tpu.dma_semaphore, #tpu.memory_space<semaphore_mem>> -> memref<1x!tpu.dma_semaphore, #tpu.memory_space<semaphore_mem>>
    %dma_start3A_279 = tpu.memref_squeeze %dma_start3A_278 : memref<1x!tpu.dma_semaphore, #tpu.memory_space<semaphore_mem>> -> memref<!tpu.dma_semaphore, #tpu.memory_space<semaphore_mem>>
    tpu.enqueue_indirect_dma source(%dma_start3A_277 : memref<10000x128xf32, #tpu.memory_space<hbm>>) target(%dma_start3A_271 : memref<64x128xf32, #tpu.memory_space<vmem>>) offsets(%dma_start3A_274 : memref<64xi32, #tpu.memory_space<vmem>>) semaphore(%dma_start3A_279 : memref<!tpu.dma_semaphore, #tpu.memory_space<semaphore_mem>>)
    %dma_start3A_280 = arith.constant 0 : i32
    %dma_start3A_281 = arith.constant 2 : i32
    %dma_start3A_282 = arith.constant 2 : i32
    %dma_start3A_283 = arith.constant 2 : i32
    %dma_start3A_284 = arith.constant 0 : i32
    %dma_start3A_285 = arith.constant 0 : i32
    %dma_start3A_286 = tpu.memref_slice %arg9[%dma_start3A_282, %dma_start3A_284, %dma_start3A_285] : memref<4x64x128xf32, #tpu.memory_space<vmem>> -> memref<1x64x128xf32, #tpu.memory_space<vmem>>
    %dma_start3A_287 = tpu.memref_squeeze %dma_start3A_286 : memref<1x64x128xf32, #tpu.memory_space<vmem>> -> memref<64x128xf32, #tpu.memory_space<vmem>>
    %dma_start3A_288 = arith.constant 0 : i32
    %dma_start3A_289 = tpu.memref_slice %arg7[%dma_start3A_280, %dma_start3A_281, %dma_start3A_288] : memref<5x8x64xi32, #tpu.memory_space<vmem>> -> memref<1x1x64xi32, #tpu.memory_space<vmem>>
    %dma_start3A_290 = tpu.memref_squeeze %dma_start3A_289 : memref<1x1x64xi32, #tpu.memory_space<vmem>> -> memref<64xi32, #tpu.memory_space<vmem>>
    %dma_start3A_291 = arith.constant 0 : i32
    %dma_start3A_292 = arith.constant 0 : i32
    %dma_start3A_293 = tpu.memref_slice %arg2[%dma_start3A_291, %dma_start3A_292] : memref<10000x128xf32, #tpu.memory_space<hbm>> -> memref<10000x128xf32, #tpu.memory_space<hbm>>
    %dma_start3A_294 = tpu.memref_slice %arg12[%dma_start3A_283] : memref<4x!tpu.dma_semaphore, #tpu.memory_space<semaphore_mem>> -> memref<1x!tpu.dma_semaphore, #tpu.memory_space<semaphore_mem>>
    %dma_start3A_295 = tpu.memref_squeeze %dma_start3A_294 : memref<1x!tpu.dma_semaphore, #tpu.memory_space<semaphore_mem>> -> memref<!tpu.dma_semaphore, #tpu.memory_space<semaphore_mem>>
    tpu.enqueue_indirect_dma source(%dma_start3A_293 : memref<10000x128xf32, #tpu.memory_space<hbm>>) target(%dma_start3A_287 : memref<64x128xf32, #tpu.memory_space<vmem>>) offsets(%dma_start3A_290 : memref<64xi32, #tpu.memory_space<vmem>>) semaphore(%dma_start3A_295 : memref<!tpu.dma_semaphore, #tpu.memory_space<semaphore_mem>>)
    %mul3A_296 = arith.constant 640 : i32
    %mul3A_297 = arith.muli %arg1, %mul3A_296 : i32
    %dma_wait3A = arith.constant 0 : i32
    %dma_wait3A_298 = arith.constant 0 : i32
    %dma_wait3A_299 = arith.constant 0 : i32
    %dma_wait3A_300 = tpu.memref_slice %arg9[%dma_wait3A, %dma_wait3A_298, %dma_wait3A_299] : memref<4x64x128xf32, #tpu.memory_space<vmem>> -> memref<1x64x128xf32, #tpu.memory_space<vmem>>
    %dma_wait3A_301 = tpu.memref_squeeze %dma_wait3A_300 : memref<1x64x128xf32, #tpu.memory_space<vmem>> -> memref<64x128xf32, #tpu.memory_space<vmem>>
    %dma_wait3A_302 = arith.constant 0 : i32
    %dma_wait3A_303 = tpu.memref_slice %arg10[%mul3A_297, %dma_wait3A_302] : memref<10240x128xf32, #tpu.memory_space<vmem_shared>> -> memref<64x128xf32, #tpu.memory_space<vmem_shared>>
    %dma_wait3A_304 = arith.constant 0 : i32
    %dma_wait3A_305 = tpu.memref_slice %arg10[%mul3A_297, %dma_wait3A_304] : memref<10240x128xf32, #tpu.memory_space<vmem_shared>> -> memref<64x128xf32, #tpu.memory_space<vmem_shared>>
    %dma_wait3A_306 = arith.constant 0 : i32
    %dma_wait3A_307 = arith.constant 0 : i32
    %dma_wait3A_308 = tpu.memref_slice %arg9[%dma_wait3A, %dma_wait3A_306, %dma_wait3A_307] : memref<4x64x128xf32, #tpu.memory_space<vmem>> -> memref<1x64x128xf32, #tpu.memory_space<vmem>>
    %dma_wait3A_309 = tpu.memref_squeeze %dma_wait3A_308 : memref<1x64x128xf32, #tpu.memory_space<vmem>> -> memref<64x128xf32, #tpu.memory_space<vmem>>
    tpu.wait_dma2 semaphore(%arg14 : memref<!tpu.dma_semaphore, #tpu.memory_space<semaphore_mem>>) src(%dma_wait3A_309 : memref<64x128xf32, #tpu.memory_space<vmem>>) dst(%dma_wait3A_305 : memref<64x128xf32, #tpu.memory_space<vmem_shared>>)
    %mul3A_310 = arith.constant 640 : i32
    %mul3A_311 = arith.muli %arg1, %mul3A_310 : i32
    %dma_wait3A_312 = arith.constant 0 : i32
    %dma_wait3A_313 = arith.constant 0 : i32
    %dma_wait3A_314 = arith.constant 0 : i32
    %dma_wait3A_315 = tpu.memref_slice %arg9[%dma_wait3A_312, %dma_wait3A_313, %dma_wait3A_314] : memref<4x64x128xf32, #tpu.memory_space<vmem>> -> memref<1x64x128xf32, #tpu.memory_space<vmem>>
    %dma_wait3A_316 = tpu.memref_squeeze %dma_wait3A_315 : memref<1x64x128xf32, #tpu.memory_space<vmem>> -> memref<64x128xf32, #tpu.memory_space<vmem>>
    %dma_wait3A_317 = arith.constant 0 : i32
    %dma_wait3A_318 = tpu.memref_slice %arg10[%mul3A_311, %dma_wait3A_317] : memref<10240x128xf32, #tpu.memory_space<vmem_shared>> -> memref<64x128xf32, #tpu.memory_space<vmem_shared>>
    %dma_wait3A_319 = arith.constant 0 : i32
    %dma_wait3A_320 = tpu.memref_slice %arg10[%mul3A_311, %dma_wait3A_319] : memref<10240x128xf32, #tpu.memory_space<vmem_shared>> -> memref<64x128xf32, #tpu.memory_space<vmem_shared>>
    %dma_wait3A_321 = arith.constant 0 : i32
    %dma_wait3A_322 = arith.constant 0 : i32
    %dma_wait3A_323 = tpu.memref_slice %arg9[%dma_wait3A_312, %dma_wait3A_321, %dma_wait3A_322] : memref<4x64x128xf32, #tpu.memory_space<vmem>> -> memref<1x64x128xf32, #tpu.memory_space<vmem>>
    %dma_wait3A_324 = tpu.memref_squeeze %dma_wait3A_323 : memref<1x64x128xf32, #tpu.memory_space<vmem>> -> memref<64x128xf32, #tpu.memory_space<vmem>>
    tpu.wait_dma2 semaphore(%arg14 : memref<!tpu.dma_semaphore, #tpu.memory_space<semaphore_mem>>) src(%dma_wait3A_324 : memref<64x128xf32, #tpu.memory_space<vmem>>) dst(%dma_wait3A_320 : memref<64x128xf32, #tpu.memory_space<vmem_shared>>)
    %mul3A_325 = arith.constant 640 : i32
    %mul3A_326 = arith.muli %arg1, %mul3A_325 : i32
    %dma_wait3A_327 = arith.constant 0 : i32
    %dma_wait3A_328 = arith.constant 0 : i32
    %dma_wait3A_329 = arith.constant 0 : i32
    %dma_wait3A_330 = tpu.memref_slice %arg9[%dma_wait3A_327, %dma_wait3A_328, %dma_wait3A_329] : memref<4x64x128xf32, #tpu.memory_space<vmem>> -> memref<1x64x128xf32, #tpu.memory_space<vmem>>
    %dma_wait3A_331 = tpu.memref_squeeze %dma_wait3A_330 : memref<1x64x128xf32, #tpu.memory_space<vmem>> -> memref<64x128xf32, #tpu.memory_space<vmem>>
    %dma_wait3A_332 = arith.constant 0 : i32
    %dma_wait3A_333 = tpu.memref_slice %arg10[%mul3A_326, %dma_wait3A_332] : memref<10240x128xf32, #tpu.memory_space<vmem_shared>> -> memref<64x128xf32, #tpu.memory_space<vmem_shared>>
    %dma_wait3A_334 = arith.constant 0 : i32
    %dma_wait3A_335 = tpu.memref_slice %arg10[%mul3A_326, %dma_wait3A_334] : memref<10240x128xf32, #tpu.memory_space<vmem_shared>> -> memref<64x128xf32, #tpu.memory_space<vmem_shared>>
    %dma_wait3A_336 = arith.constant 0 : i32
    %dma_wait3A_337 = arith.constant 0 : i32
    %dma_wait3A_338 = tpu.memref_slice %arg9[%dma_wait3A_327, %dma_wait3A_336, %dma_wait3A_337] : memref<4x64x128xf32, #tpu.memory_space<vmem>> -> memref<1x64x128xf32, #tpu.memory_space<vmem>>
    %dma_wait3A_339 = tpu.memref_squeeze %dma_wait3A_338 : memref<1x64x128xf32, #tpu.memory_space<vmem>> -> memref<64x128xf32, #tpu.memory_space<vmem>>
    tpu.wait_dma2 semaphore(%arg14 : memref<!tpu.dma_semaphore, #tpu.memory_space<semaphore_mem>>) src(%dma_wait3A_339 : memref<64x128xf32, #tpu.memory_space<vmem>>) dst(%dma_wait3A_335 : memref<64x128xf32, #tpu.memory_space<vmem_shared>>)
    %mul3A_340 = arith.constant 640 : i32
    %mul3A_341 = arith.muli %arg1, %mul3A_340 : i32
    %dma_wait3A_342 = arith.constant 0 : i32
    %dma_wait3A_343 = arith.constant 0 : i32
    %dma_wait3A_344 = arith.constant 0 : i32
    %dma_wait3A_345 = tpu.memref_slice %arg9[%dma_wait3A_342, %dma_wait3A_343, %dma_wait3A_344] : memref<4x64x128xf32, #tpu.memory_space<vmem>> -> memref<1x64x128xf32, #tpu.memory_space<vmem>>
    %dma_wait3A_346 = tpu.memref_squeeze %dma_wait3A_345 : memref<1x64x128xf32, #tpu.memory_space<vmem>> -> memref<64x128xf32, #tpu.memory_space<vmem>>
    %dma_wait3A_347 = arith.constant 0 : i32
    %dma_wait3A_348 = tpu.memref_slice %arg10[%mul3A_341, %dma_wait3A_347] : memref<10240x128xf32, #tpu.memory_space<vmem_shared>> -> memref<64x128xf32, #tpu.memory_space<vmem_shared>>
    %dma_wait3A_349 = arith.constant 0 : i32
    %dma_wait3A_350 = tpu.memref_slice %arg10[%mul3A_341, %dma_wait3A_349] : memref<10240x128xf32, #tpu.memory_space<vmem_shared>> -> memref<64x128xf32, #tpu.memory_space<vmem_shared>>
    %dma_wait3A_351 = arith.constant 0 : i32
    %dma_wait3A_352 = arith.constant 0 : i32
    %dma_wait3A_353 = tpu.memref_slice %arg9[%dma_wait3A_342, %dma_wait3A_351, %dma_wait3A_352] : memref<4x64x128xf32, #tpu.memory_space<vmem>> -> memref<1x64x128xf32, #tpu.memory_space<vmem>>
    %dma_wait3A_354 = tpu.memref_squeeze %dma_wait3A_353 : memref<1x64x128xf32, #tpu.memory_space<vmem>> -> memref<64x128xf32, #tpu.memory_space<vmem>>
    tpu.wait_dma2 semaphore(%arg14 : memref<!tpu.dma_semaphore, #tpu.memory_space<semaphore_mem>>) src(%dma_wait3A_354 : memref<64x128xf32, #tpu.memory_space<vmem>>) dst(%dma_wait3A_350 : memref<64x128xf32, #tpu.memory_space<vmem_shared>>)
    %mul3A_355 = arith.constant 640 : i32
    %mul3A_356 = arith.muli %arg1, %mul3A_355 : i32
    %dma_wait3A_357 = arith.constant 0 : i32
    %dma_wait3A_358 = arith.constant 0 : i32
    %dma_wait3A_359 = arith.constant 0 : i32
    %dma_wait3A_360 = tpu.memref_slice %arg9[%dma_wait3A_357, %dma_wait3A_358, %dma_wait3A_359] : memref<4x64x128xf32, #tpu.memory_space<vmem>> -> memref<1x64x128xf32, #tpu.memory_space<vmem>>
    %dma_wait3A_361 = tpu.memref_squeeze %dma_wait3A_360 : memref<1x64x128xf32, #tpu.memory_space<vmem>> -> memref<64x128xf32, #tpu.memory_space<vmem>>
    %dma_wait3A_362 = arith.constant 0 : i32
    %dma_wait3A_363 = tpu.memref_slice %arg10[%mul3A_356, %dma_wait3A_362] : memref<10240x128xf32, #tpu.memory_space<vmem_shared>> -> memref<64x128xf32, #tpu.memory_space<vmem_shared>>
    %dma_wait3A_364 = arith.constant 0 : i32
    %dma_wait3A_365 = tpu.memref_slice %arg10[%mul3A_356, %dma_wait3A_364] : memref<10240x128xf32, #tpu.memory_space<vmem_shared>> -> memref<64x128xf32, #tpu.memory_space<vmem_shared>>
    %dma_wait3A_366 = arith.constant 0 : i32
    %dma_wait3A_367 = arith.constant 0 : i32
    %dma_wait3A_368 = tpu.memref_slice %arg9[%dma_wait3A_357, %dma_wait3A_366, %dma_wait3A_367] : memref<4x64x128xf32, #tpu.memory_space<vmem>> -> memref<1x64x128xf32, #tpu.memory_space<vmem>>
    %dma_wait3A_369 = tpu.memref_squeeze %dma_wait3A_368 : memref<1x64x128xf32, #tpu.memory_space<vmem>> -> memref<64x128xf32, #tpu.memory_space<vmem>>
    tpu.wait_dma2 semaphore(%arg14 : memref<!tpu.dma_semaphore, #tpu.memory_space<semaphore_mem>>) src(%dma_wait3A_369 : memref<64x128xf32, #tpu.memory_space<vmem>>) dst(%dma_wait3A_365 : memref<64x128xf32, #tpu.memory_space<vmem_shared>>)
    %mul3A_370 = arith.constant 640 : i32
    %mul3A_371 = arith.muli %arg1, %mul3A_370 : i32
    %dma_wait3A_372 = arith.constant 0 : i32
    %dma_wait3A_373 = arith.constant 0 : i32
    %dma_wait3A_374 = arith.constant 0 : i32
    %dma_wait3A_375 = tpu.memref_slice %arg9[%dma_wait3A_372, %dma_wait3A_373, %dma_wait3A_374] : memref<4x64x128xf32, #tpu.memory_space<vmem>> -> memref<1x64x128xf32, #tpu.memory_space<vmem>>
    %dma_wait3A_376 = tpu.memref_squeeze %dma_wait3A_375 : memref<1x64x128xf32, #tpu.memory_space<vmem>> -> memref<64x128xf32, #tpu.memory_space<vmem>>
    %dma_wait3A_377 = arith.constant 0 : i32
    %dma_wait3A_378 = tpu.memref_slice %arg10[%mul3A_371, %dma_wait3A_377] : memref<10240x128xf32, #tpu.memory_space<vmem_shared>> -> memref<64x128xf32, #tpu.memory_space<vmem_shared>>
    %dma_wait3A_379 = arith.constant 0 : i32
    %dma_wait3A_380 = tpu.memref_slice %arg10[%mul3A_371, %dma_wait3A_379] : memref<10240x128xf32, #tpu.memory_space<vmem_shared>> -> memref<64x128xf32, #tpu.memory_space<vmem_shared>>
    %dma_wait3A_381 = arith.constant 0 : i32
    %dma_wait3A_382 = arith.constant 0 : i32
    %dma_wait3A_383 = tpu.memref_slice %arg9[%dma_wait3A_372, %dma_wait3A_381, %dma_wait3A_382] : memref<4x64x128xf32, #tpu.memory_space<vmem>> -> memref<1x64x128xf32, #tpu.memory_space<vmem>>
    %dma_wait3A_384 = tpu.memref_squeeze %dma_wait3A_383 : memref<1x64x128xf32, #tpu.memory_space<vmem>> -> memref<64x128xf32, #tpu.memory_space<vmem>>
    tpu.wait_dma2 semaphore(%arg14 : memref<!tpu.dma_semaphore, #tpu.memory_space<semaphore_mem>>) src(%dma_wait3A_384 : memref<64x128xf32, #tpu.memory_space<vmem>>) dst(%dma_wait3A_380 : memref<64x128xf32, #tpu.memory_space<vmem_shared>>)
    %mul3A_385 = arith.constant 640 : i32
    %mul3A_386 = arith.muli %arg1, %mul3A_385 : i32
    %dma_wait3A_387 = arith.constant 0 : i32
    %dma_wait3A_388 = arith.constant 0 : i32
    %dma_wait3A_389 = arith.constant 0 : i32
    %dma_wait3A_390 = tpu.memref_slice %arg9[%dma_wait3A_387, %dma_wait3A_388, %dma_wait3A_389] : memref<4x64x128xf32, #tpu.memory_space<vmem>> -> memref<1x64x128xf32, #tpu.memory_space<vmem>>
    %dma_wait3A_391 = tpu.memref_squeeze %dma_wait3A_390 : memref<1x64x128xf32, #tpu.memory_space<vmem>> -> memref<64x128xf32, #tpu.memory_space<vmem>>
    %dma_wait3A_392 = arith.constant 0 : i32
    %dma_wait3A_393 = tpu.memref_slice %arg10[%mul3A_386, %dma_wait3A_392] : memref<10240x128xf32, #tpu.memory_space<vmem_shared>> -> memref<64x128xf32, #tpu.memory_space<vmem_shared>>
    %dma_wait3A_394 = arith.constant 0 : i32
    %dma_wait3A_395 = tpu.memref_slice %arg10[%mul3A_386, %dma_wait3A_394] : memref<10240x128xf32, #tpu.memory_space<vmem_shared>> -> memref<64x128xf32, #tpu.memory_space<vmem_shared>>
    %dma_wait3A_396 = arith.constant 0 : i32
    %dma_wait3A_397 = arith.constant 0 : i32
    %dma_wait3A_398 = tpu.memref_slice %arg9[%dma_wait3A_387, %dma_wait3A_396, %dma_wait3A_397] : memref<4x64x128xf32, #tpu.memory_space<vmem>> -> memref<1x64x128xf32, #tpu.memory_space<vmem>>
    %dma_wait3A_399 = tpu.memref_squeeze %dma_wait3A_398 : memref<1x64x128xf32, #tpu.memory_space<vmem>> -> memref<64x128xf32, #tpu.memory_space<vmem>>
    tpu.wait_dma2 semaphore(%arg14 : memref<!tpu.dma_semaphore, #tpu.memory_space<semaphore_mem>>) src(%dma_wait3A_399 : memref<64x128xf32, #tpu.memory_space<vmem>>) dst(%dma_wait3A_395 : memref<64x128xf32, #tpu.memory_space<vmem_shared>>)
    %mul3A_400 = arith.constant 640 : i32
    %mul3A_401 = arith.muli %arg1, %mul3A_400 : i32
    %dma_wait3A_402 = arith.constant 0 : i32
    %dma_wait3A_403 = arith.constant 0 : i32
    %dma_wait3A_404 = arith.constant 0 : i32
    %dma_wait3A_405 = tpu.memref_slice %arg9[%dma_wait3A_402, %dma_wait3A_403, %dma_wait3A_404] : memref<4x64x128xf32, #tpu.memory_space<vmem>> -> memref<1x64x128xf32, #tpu.memory_space<vmem>>
    %dma_wait3A_406 = tpu.memref_squeeze %dma_wait3A_405 : memref<1x64x128xf32, #tpu.memory_space<vmem>> -> memref<64x128xf32, #tpu.memory_space<vmem>>
    %dma_wait3A_407 = arith.constant 0 : i32
    %dma_wait3A_408 = tpu.memref_slice %arg10[%mul3A_401, %dma_wait3A_407] : memref<10240x128xf32, #tpu.memory_space<vmem_shared>> -> memref<64x128xf32, #tpu.memory_space<vmem_shared>>
    %dma_wait3A_409 = arith.constant 0 : i32
    %dma_wait3A_410 = tpu.memref_slice %arg10[%mul3A_401, %dma_wait3A_409] : memref<10240x128xf32, #tpu.memory_space<vmem_shared>> -> memref<64x128xf32, #tpu.memory_space<vmem_shared>>
    %dma_wait3A_411 = arith.constant 0 : i32
    %dma_wait3A_412 = arith.constant 0 : i32
    %dma_wait3A_413 = tpu.memref_slice %arg9[%dma_wait3A_402, %dma_wait3A_411, %dma_wait3A_412] : memref<4x64x128xf32, #tpu.memory_space<vmem>> -> memref<1x64x128xf32, #tpu.memory_space<vmem>>
    %dma_wait3A_414 = tpu.memref_squeeze %dma_wait3A_413 : memref<1x64x128xf32, #tpu.memory_space<vmem>> -> memref<64x128xf32, #tpu.memory_space<vmem>>
    tpu.wait_dma2 semaphore(%arg14 : memref<!tpu.dma_semaphore, #tpu.memory_space<semaphore_mem>>) src(%dma_wait3A_414 : memref<64x128xf32, #tpu.memory_space<vmem>>) dst(%dma_wait3A_410 : memref<64x128xf32, #tpu.memory_space<vmem_shared>>)
    %mul3A_415 = arith.constant 640 : i32
    %mul3A_416 = arith.muli %arg1, %mul3A_415 : i32
    %dma_wait3A_417 = arith.constant 0 : i32
    %dma_wait3A_418 = arith.constant 0 : i32
    %dma_wait3A_419 = arith.constant 0 : i32
    %dma_wait3A_420 = tpu.memref_slice %arg9[%dma_wait3A_417, %dma_wait3A_418, %dma_wait3A_419] : memref<4x64x128xf32, #tpu.memory_space<vmem>> -> memref<1x64x128xf32, #tpu.memory_space<vmem>>
    %dma_wait3A_421 = tpu.memref_squeeze %dma_wait3A_420 : memref<1x64x128xf32, #tpu.memory_space<vmem>> -> memref<64x128xf32, #tpu.memory_space<vmem>>
    %dma_wait3A_422 = arith.constant 0 : i32
    %dma_wait3A_423 = tpu.memref_slice %arg10[%mul3A_416, %dma_wait3A_422] : memref<10240x128xf32, #tpu.memory_space<vmem_shared>> -> memref<64x128xf32, #tpu.memory_space<vmem_shared>>
    %dma_wait3A_424 = arith.constant 0 : i32
    %dma_wait3A_425 = tpu.memref_slice %arg10[%mul3A_416, %dma_wait3A_424] : memref<10240x128xf32, #tpu.memory_space<vmem_shared>> -> memref<64x128xf32, #tpu.memory_space<vmem_shared>>
    %dma_wait3A_426 = arith.constant 0 : i32
    %dma_wait3A_427 = arith.constant 0 : i32
    %dma_wait3A_428 = tpu.memref_slice %arg9[%dma_wait3A_417, %dma_wait3A_426, %dma_wait3A_427] : memref<4x64x128xf32, #tpu.memory_space<vmem>> -> memref<1x64x128xf32, #tpu.memory_space<vmem>>
    %dma_wait3A_429 = tpu.memref_squeeze %dma_wait3A_428 : memref<1x64x128xf32, #tpu.memory_space<vmem>> -> memref<64x128xf32, #tpu.memory_space<vmem>>
    tpu.wait_dma2 semaphore(%arg14 : memref<!tpu.dma_semaphore, #tpu.memory_space<semaphore_mem>>) src(%dma_wait3A_429 : memref<64x128xf32, #tpu.memory_space<vmem>>) dst(%dma_wait3A_425 : memref<64x128xf32, #tpu.memory_space<vmem_shared>>)
    %mul3A_430 = arith.constant 640 : i32
    %mul3A_431 = arith.muli %arg1, %mul3A_430 : i32
    %dma_wait3A_432 = arith.constant 0 : i32
    %dma_wait3A_433 = arith.constant 0 : i32
    %dma_wait3A_434 = arith.constant 0 : i32
    %dma_wait3A_435 = tpu.memref_slice %arg9[%dma_wait3A_432, %dma_wait3A_433, %dma_wait3A_434] : memref<4x64x128xf32, #tpu.memory_space<vmem>> -> memref<1x64x128xf32, #tpu.memory_space<vmem>>
    %dma_wait3A_436 = tpu.memref_squeeze %dma_wait3A_435 : memref<1x64x128xf32, #tpu.memory_space<vmem>> -> memref<64x128xf32, #tpu.memory_space<vmem>>
    %dma_wait3A_437 = arith.constant 0 : i32
    %dma_wait3A_438 = tpu.memref_slice %arg10[%mul3A_431, %dma_wait3A_437] : memref<10240x128xf32, #tpu.memory_space<vmem_shared>> -> memref<64x128xf32, #tpu.memory_space<vmem_shared>>
    %dma_wait3A_439 = arith.constant 0 : i32
    %dma_wait3A_440 = tpu.memref_slice %arg10[%mul3A_431, %dma_wait3A_439] : memref<10240x128xf32, #tpu.memory_space<vmem_shared>> -> memref<64x128xf32, #tpu.memory_space<vmem_shared>>
    %dma_wait3A_441 = arith.constant 0 : i32
    %dma_wait3A_442 = arith.constant 0 : i32
    %dma_wait3A_443 = tpu.memref_slice %arg9[%dma_wait3A_432, %dma_wait3A_441, %dma_wait3A_442] : memref<4x64x128xf32, #tpu.memory_space<vmem>> -> memref<1x64x128xf32, #tpu.memory_space<vmem>>
    %dma_wait3A_444 = tpu.memref_squeeze %dma_wait3A_443 : memref<1x64x128xf32, #tpu.memory_space<vmem>> -> memref<64x128xf32, #tpu.memory_space<vmem>>
    tpu.wait_dma2 semaphore(%arg14 : memref<!tpu.dma_semaphore, #tpu.memory_space<semaphore_mem>>) src(%dma_wait3A_444 : memref<64x128xf32, #tpu.memory_space<vmem>>) dst(%dma_wait3A_440 : memref<64x128xf32, #tpu.memory_space<vmem_shared>>)
    %dma_start3A_445 = arith.constant 0 : i32
    %dma_start3A_446 = arith.constant 0 : i32
    %dma_start3A_447 = arith.constant 0 : i32
    %dma_start3A_448 = arith.constant 0 : i32
    %dma_start3A_449 = arith.constant 0 : i32
    %dma_start3A_450 = arith.constant 0 : i32
    %dma_start3A_451 = tpu.memref_slice %arg9[%dma_start3A_447, %dma_start3A_449, %dma_start3A_450] : memref<4x64x128xf32, #tpu.memory_space<vmem>> -> memref<1x64x128xf32, #tpu.memory_space<vmem>>
    %dma_start3A_452 = tpu.memref_squeeze %dma_start3A_451 : memref<1x64x128xf32, #tpu.memory_space<vmem>> -> memref<64x128xf32, #tpu.memory_space<vmem>>
    %dma_start3A_453 = arith.constant 0 : i32
    %dma_start3A_454 = tpu.memref_slice %arg7[%dma_start3A_445, %dma_start3A_446, %dma_start3A_453] : memref<5x8x64xi32, #tpu.memory_space<vmem>> -> memref<1x1x64xi32, #tpu.memory_space<vmem>>
    %dma_start3A_455 = tpu.memref_squeeze %dma_start3A_454 : memref<1x1x64xi32, #tpu.memory_space<vmem>> -> memref<64xi32, #tpu.memory_space<vmem>>
    %dma_start3A_456 = arith.constant 0 : i32
    %dma_start3A_457 = arith.constant 0 : i32
    %dma_start3A_458 = tpu.memref_slice %arg2[%dma_start3A_456, %dma_start3A_457] : memref<10000x128xf32, #tpu.memory_space<hbm>> -> memref<10000x128xf32, #tpu.memory_space<hbm>>
    %dma_start3A_459 = tpu.memref_slice %arg12[%dma_start3A_448] : memref<4x!tpu.dma_semaphore, #tpu.memory_space<semaphore_mem>> -> memref<1x!tpu.dma_semaphore, #tpu.memory_space<semaphore_mem>>
    %dma_start3A_460 = tpu.memref_squeeze %dma_start3A_459 : memref<1x!tpu.dma_semaphore, #tpu.memory_space<semaphore_mem>> -> memref<!tpu.dma_semaphore, #tpu.memory_space<semaphore_mem>>
    tpu.enqueue_indirect_dma source(%dma_start3A_458 : memref<10000x128xf32, #tpu.memory_space<hbm>>) target(%dma_start3A_452 : memref<64x128xf32, #tpu.memory_space<vmem>>) offsets(%dma_start3A_455 : memref<64xi32, #tpu.memory_space<vmem>>) semaphore(%dma_start3A_460 : memref<!tpu.dma_semaphore, #tpu.memory_space<semaphore_mem>>)
    %barrier3A = arith.constant 0 : index
    tpu.barrier barrier_id(%barrier3A)
    %scan3A = arith.constant 0 : i32
    %scan3A_461 = arith.constant 0 : i32
    %scan3A_462 = arith.constant 20 : i32
    %scan3A_463 = arith.addi %scan3A_461, %scan3A_462 : i32
    %scan3A_464 = arith.constant 1 : i32
    scf.for %scan3A_535 = %scan3A_461 to %scan3A_463 step %scan3A_464  : i32 {
      %jit3A = arith.constant 5 : i32
      %eq3A = arith.constant 0 : i32
      %eq3A_536 = arith.cmpi eq, %jit3A, %eq3A : i32
      %jit3A_537 = arith.constant 1 : i32
      %select_n3A = arith.select %eq3A_536, %jit3A_537, %jit3A : i32
      %rem3A = arith.remsi %scan3A_535, %select_n3A : i32
      %ne3A = arith.constant 0 : i32
      %ne3A_538 = arith.cmpi ne, %rem3A, %ne3A : i32
      %lt3A = arith.constant 0 : i32
      %lt3A_539 = arith.cmpi slt, %rem3A, %lt3A : i32
      %lt3A_540 = arith.constant 0 : i32
      %lt3A_541 = arith.cmpi slt, %select_n3A, %lt3A_540 : i32
      %ne3A_542 = arith.xori %lt3A_539, %lt3A_541 : i1
      %and3A = arith.andi %ne3A_542, %ne3A_538 : i1
      %add3A_543 = arith.addi %rem3A, %select_n3A : i32
      %select_n3A_544 = arith.select %and3A, %add3A_543, %rem3A : i32
      %add3A_545 = arith.constant 1 : i32
      %add3A_546 = arith.addi %scan3A_535, %add3A_545 : i32
      %jit3A_547 = arith.constant 5 : i32
      %eq3A_548 = arith.constant 0 : i32
      %eq3A_549 = arith.cmpi eq, %jit3A_547, %eq3A_548 : i32
      %jit3A_550 = arith.constant 1 : i32
      %select_n3A_551 = arith.select %eq3A_549, %jit3A_550, %jit3A_547 : i32
      %rem3A_552 = arith.remsi %add3A_546, %select_n3A_551 : i32
      %ne3A_553 = arith.constant 0 : i32
      %ne3A_554 = arith.cmpi ne, %rem3A_552, %ne3A_553 : i32
      %lt3A_555 = arith.constant 0 : i32
      %lt3A_556 = arith.cmpi slt, %rem3A_552, %lt3A_555 : i32
      %lt3A_557 = arith.constant 0 : i32
      %lt3A_558 = arith.cmpi slt, %select_n3A_551, %lt3A_557 : i32
      %ne3A_559 = arith.xori %lt3A_556, %lt3A_558 : i1
      %and3A_560 = arith.andi %ne3A_559, %ne3A_554 : i1
      %add3A_561 = arith.addi %rem3A_552, %select_n3A_551 : i32
      %select_n3A_562 = arith.select %and3A_560, %add3A_561, %rem3A_552 : i32
      %gt3A = arith.constant 0 : i32
      %gt3A_563 = arith.cmpi sgt, %scan3A_535, %gt3A : i32
      %convert_element_type3A = arith.extui %gt3A_563 : i1 to i32
      %cond3A = arith.constant 0 : i32
      %cond3A_564 = arith.cmpi ne, %convert_element_type3A, %cond3A : i32
      scf.if %cond3A_564 {
        %dma_wait3A_976 = arith.constant 3 : i32
        %dma_wait3A_977 = arith.constant 0 : i32
        %dma_wait3A_978 = arith.constant 3 : i32
        %dma_wait3A_979 = arith.constant 0 : i32
        %dma_wait3A_980 = arith.constant 0 : i32
        %dma_wait3A_981 = tpu.memref_slice %arg9[%dma_wait3A_976, %dma_wait3A_979, %dma_wait3A_980] : memref<4x64x128xf32, #tpu.memory_space<vmem>> -> memref<1x64x128xf32, #tpu.memory_space<vmem>>
        %dma_wait3A_982 = tpu.memref_squeeze %dma_wait3A_981 : memref<1x64x128xf32, #tpu.memory_space<vmem>> -> memref<64x128xf32, #tpu.memory_space<vmem>>
        %dma_wait3A_983 = arith.constant 0 : i32
        %dma_wait3A_984 = tpu.memref_slice %arg8[%select_n3A_544, %dma_wait3A_977, %dma_wait3A_983] : memref<5x8x64xi32, #tpu.memory_space<vmem>> -> memref<1x1x64xi32, #tpu.memory_space<vmem>>
        %dma_wait3A_985 = tpu.memref_squeeze %dma_wait3A_984 : memref<1x1x64xi32, #tpu.memory_space<vmem>> -> memref<64xi32, #tpu.memory_space<vmem>>
        %dma_wait3A_986 = arith.constant 0 : i32
        %dma_wait3A_987 = arith.constant 0 : i32
        %dma_wait3A_988 = tpu.memref_slice %arg10[%dma_wait3A_986, %dma_wait3A_987] : memref<10240x128xf32, #tpu.memory_space<vmem_shared>> -> memref<10240x128xf32, #tpu.memory_space<vmem_shared>>
        %dma_wait3A_989 = tpu.memref_slice %arg13[%dma_wait3A_978] : memref<4x!tpu.dma_semaphore, #tpu.memory_space<semaphore_mem>> -> memref<1x!tpu.dma_semaphore, #tpu.memory_space<semaphore_mem>>
        %dma_wait3A_990 = tpu.memref_squeeze %dma_wait3A_989 : memref<1x!tpu.dma_semaphore, #tpu.memory_space<semaphore_mem>> -> memref<!tpu.dma_semaphore, #tpu.memory_space<semaphore_mem>>
        tpu.wait_indirect_dma semaphore(%dma_wait3A_990 : memref<!tpu.dma_semaphore, #tpu.memory_space<semaphore_mem>>) src(%dma_wait3A_982 : memref<64x128xf32, #tpu.memory_space<vmem>>) dst(%dma_wait3A_988 : memref<10240x128xf32, #tpu.memory_space<vmem_shared>>)
      } else {
      }
      %dma_start3A_565 = arith.constant 3 : i32
      %dma_start3A_566 = arith.constant 3 : i32
      %dma_start3A_567 = arith.constant 3 : i32
      %dma_start3A_568 = arith.constant 0 : i32
      %dma_start3A_569 = arith.constant 0 : i32
      %dma_start3A_570 = tpu.memref_slice %arg9[%dma_start3A_566, %dma_start3A_568, %dma_start3A_569] : memref<4x64x128xf32, #tpu.memory_space<vmem>> -> memref<1x64x128xf32, #tpu.memory_space<vmem>>
      %dma_start3A_571 = tpu.memref_squeeze %dma_start3A_570 : memref<1x64x128xf32, #tpu.memory_space<vmem>> -> memref<64x128xf32, #tpu.memory_space<vmem>>
      %dma_start3A_572 = arith.constant 0 : i32
      %dma_start3A_573 = tpu.memref_slice %arg7[%select_n3A_544, %dma_start3A_565, %dma_start3A_572] : memref<5x8x64xi32, #tpu.memory_space<vmem>> -> memref<1x1x64xi32, #tpu.memory_space<vmem>>
      %dma_start3A_574 = tpu.memref_squeeze %dma_start3A_573 : memref<1x1x64xi32, #tpu.memory_space<vmem>> -> memref<64xi32, #tpu.memory_space<vmem>>
      %dma_start3A_575 = arith.constant 0 : i32
      %dma_start3A_576 = arith.constant 0 : i32
      %dma_start3A_577 = tpu.memref_slice %arg2[%dma_start3A_575, %dma_start3A_576] : memref<10000x128xf32, #tpu.memory_space<hbm>> -> memref<10000x128xf32, #tpu.memory_space<hbm>>
      %dma_start3A_578 = tpu.memref_slice %arg12[%dma_start3A_567] : memref<4x!tpu.dma_semaphore, #tpu.memory_space<semaphore_mem>> -> memref<1x!tpu.dma_semaphore, #tpu.memory_space<semaphore_mem>>
      %dma_start3A_579 = tpu.memref_squeeze %dma_start3A_578 : memref<1x!tpu.dma_semaphore, #tpu.memory_space<semaphore_mem>> -> memref<!tpu.dma_semaphore, #tpu.memory_space<semaphore_mem>>
      tpu.enqueue_indirect_dma source(%dma_start3A_577 : memref<10000x128xf32, #tpu.memory_space<hbm>>) target(%dma_start3A_571 : memref<64x128xf32, #tpu.memory_space<vmem>>) offsets(%dma_start3A_574 : memref<64xi32, #tpu.memory_space<vmem>>) semaphore(%dma_start3A_579 : memref<!tpu.dma_semaphore, #tpu.memory_space<semaphore_mem>>)
      %dma_wait3A_580 = arith.constant 0 : i32
      %dma_wait3A_581 = arith.constant 0 : i32
      %dma_wait3A_582 = arith.constant 0 : i32
      %dma_wait3A_583 = arith.constant 0 : i32
      %dma_wait3A_584 = arith.constant 0 : i32
      %dma_wait3A_585 = arith.constant 0 : i32
      %dma_wait3A_586 = tpu.memref_slice %arg9[%dma_wait3A_582, %dma_wait3A_584, %dma_wait3A_585] : memref<4x64x128xf32, #tpu.memory_space<vmem>> -> memref<1x64x128xf32, #tpu.memory_space<vmem>>
      %dma_wait3A_587 = tpu.memref_squeeze %dma_wait3A_586 : memref<1x64x128xf32, #tpu.memory_space<vmem>> -> memref<64x128xf32, #tpu.memory_space<vmem>>
      %dma_wait3A_588 = arith.constant 0 : i32
      %dma_wait3A_589 = tpu.memref_slice %arg7[%dma_wait3A_580, %dma_wait3A_581, %dma_wait3A_588] : memref<5x8x64xi32, #tpu.memory_space<vmem>> -> memref<1x1x64xi32, #tpu.memory_space<vmem>>
      %dma_wait3A_590 = tpu.memref_squeeze %dma_wait3A_589 : memref<1x1x64xi32, #tpu.memory_space<vmem>> -> memref<64xi32, #tpu.memory_space<vmem>>
      %dma_wait3A_591 = arith.constant 0 : i32
      %dma_wait3A_592 = arith.constant 0 : i32
      %dma_wait3A_593 = tpu.memref_slice %arg2[%dma_wait3A_591, %dma_wait3A_592] : memref<10000x128xf32, #tpu.memory_space<hbm>> -> memref<10000x128xf32, #tpu.memory_space<hbm>>
      %dma_wait3A_594 = tpu.memref_slice %arg12[%dma_wait3A_583] : memref<4x!tpu.dma_semaphore, #tpu.memory_space<semaphore_mem>> -> memref<1x!tpu.dma_semaphore, #tpu.memory_space<semaphore_mem>>
      %dma_wait3A_595 = tpu.memref_squeeze %dma_wait3A_594 : memref<1x!tpu.dma_semaphore, #tpu.memory_space<semaphore_mem>> -> memref<!tpu.dma_semaphore, #tpu.memory_space<semaphore_mem>>
      tpu.wait_indirect_dma semaphore(%dma_wait3A_595 : memref<!tpu.dma_semaphore, #tpu.memory_space<semaphore_mem>>) src(%dma_wait3A_593 : memref<10000x128xf32, #tpu.memory_space<hbm>>) dst(%dma_wait3A_587 : memref<64x128xf32, #tpu.memory_space<vmem>>)
      %dma_start3A_596 = arith.constant 0 : i32
      %dma_start3A_597 = arith.constant 0 : i32
      %dma_start3A_598 = arith.constant 0 : i32
      %dma_start3A_599 = arith.constant 0 : i32
      %dma_start3A_600 = arith.constant 0 : i32
      %dma_start3A_601 = tpu.memref_slice %arg9[%dma_start3A_596, %dma_start3A_599, %dma_start3A_600] : memref<4x64x128xf32, #tpu.memory_space<vmem>> -> memref<1x64x128xf32, #tpu.memory_space<vmem>>
      %dma_start3A_602 = tpu.memref_squeeze %dma_start3A_601 : memref<1x64x128xf32, #tpu.memory_space<vmem>> -> memref<64x128xf32, #tpu.memory_space<vmem>>
      %dma_start3A_603 = arith.constant 0 : i32
      %dma_start3A_604 = tpu.memref_slice %arg8[%select_n3A_544, %dma_start3A_597, %dma_start3A_603] : memref<5x8x64xi32, #tpu.memory_space<vmem>> -> memref<1x1x64xi32, #tpu.memory_space<vmem>>
      %dma_start3A_605 = tpu.memref_squeeze %dma_start3A_604 : memref<1x1x64xi32, #tpu.memory_space<vmem>> -> memref<64xi32, #tpu.memory_space<vmem>>
      %dma_start3A_606 = arith.constant 0 : i32
      %dma_start3A_607 = arith.constant 0 : i32
      %dma_start3A_608 = tpu.memref_slice %arg10[%dma_start3A_606, %dma_start3A_607] : memref<10240x128xf32, #tpu.memory_space<vmem_shared>> -> memref<10240x128xf32, #tpu.memory_space<vmem_shared>>
      %dma_start3A_609 = tpu.memref_slice %arg13[%dma_start3A_598] : memref<4x!tpu.dma_semaphore, #tpu.memory_space<semaphore_mem>> -> memref<1x!tpu.dma_semaphore, #tpu.memory_space<semaphore_mem>>
      %dma_start3A_610 = tpu.memref_squeeze %dma_start3A_609 : memref<1x!tpu.dma_semaphore, #tpu.memory_space<semaphore_mem>> -> memref<!tpu.dma_semaphore, #tpu.memory_space<semaphore_mem>>
      tpu.enqueue_indirect_dma source(%dma_start3A_602 : memref<64x128xf32, #tpu.memory_space<vmem>>) target(%dma_start3A_608 : memref<10240x128xf32, #tpu.memory_space<vmem_shared>>) offsets(%dma_start3A_605 : memref<64xi32, #tpu.memory_space<vmem>>) semaphore(%dma_start3A_610 : memref<!tpu.dma_semaphore, #tpu.memory_space<semaphore_mem>>) {add = true}
      %dma_wait3A_611 = arith.constant 0 : i32
      %dma_wait3A_612 = arith.constant 0 : i32
      %dma_wait3A_613 = arith.constant 0 : i32
      %dma_wait3A_614 = arith.constant 0 : i32
      %dma_wait3A_615 = arith.constant 0 : i32
      %dma_wait3A_616 = tpu.memref_slice %arg9[%dma_wait3A_611, %dma_wait3A_614, %dma_wait3A_615] : memref<4x64x128xf32, #tpu.memory_space<vmem>> -> memref<1x64x128xf32, #tpu.memory_space<vmem>>
      %dma_wait3A_617 = tpu.memref_squeeze %dma_wait3A_616 : memref<1x64x128xf32, #tpu.memory_space<vmem>> -> memref<64x128xf32, #tpu.memory_space<vmem>>
      %dma_wait3A_618 = arith.constant 0 : i32
      %dma_wait3A_619 = tpu.memref_slice %arg8[%select_n3A_544, %dma_wait3A_612, %dma_wait3A_618] : memref<5x8x64xi32, #tpu.memory_space<vmem>> -> memref<1x1x64xi32, #tpu.memory_space<vmem>>
      %dma_wait3A_620 = tpu.memref_squeeze %dma_wait3A_619 : memref<1x1x64xi32, #tpu.memory_space<vmem>> -> memref<64xi32, #tpu.memory_space<vmem>>
      %dma_wait3A_621 = arith.constant 0 : i32
      %dma_wait3A_622 = arith.constant 0 : i32
      %dma_wait3A_623 = tpu.memref_slice %arg10[%dma_wait3A_621, %dma_wait3A_622] : memref<10240x128xf32, #tpu.memory_space<vmem_shared>> -> memref<10240x128xf32, #tpu.memory_space<vmem_shared>>
      %dma_wait3A_624 = tpu.memref_slice %arg13[%dma_wait3A_613] : memref<4x!tpu.dma_semaphore, #tpu.memory_space<semaphore_mem>> -> memref<1x!tpu.dma_semaphore, #tpu.memory_space<semaphore_mem>>
      %dma_wait3A_625 = tpu.memref_squeeze %dma_wait3A_624 : memref<1x!tpu.dma_semaphore, #tpu.memory_space<semaphore_mem>> -> memref<!tpu.dma_semaphore, #tpu.memory_space<semaphore_mem>>
      tpu.wait_indirect_dma semaphore(%dma_wait3A_625 : memref<!tpu.dma_semaphore, #tpu.memory_space<semaphore_mem>>) src(%dma_wait3A_617 : memref<64x128xf32, #tpu.memory_space<vmem>>) dst(%dma_wait3A_623 : memref<10240x128xf32, #tpu.memory_space<vmem_shared>>)
      %dma_start3A_626 = arith.constant 4 : i32
      %dma_start3A_627 = arith.constant 0 : i32
      %dma_start3A_628 = arith.constant 0 : i32
      %dma_start3A_629 = arith.constant 0 : i32
      %dma_start3A_630 = arith.constant 0 : i32
      %dma_start3A_631 = tpu.memref_slice %arg9[%dma_start3A_627, %dma_start3A_629, %dma_start3A_630] : memref<4x64x128xf32, #tpu.memory_space<vmem>> -> memref<1x64x128xf32, #tpu.memory_space<vmem>>
      %dma_start3A_632 = tpu.memref_squeeze %dma_start3A_631 : memref<1x64x128xf32, #tpu.memory_space<vmem>> -> memref<64x128xf32, #tpu.memory_space<vmem>>
      %dma_start3A_633 = arith.constant 0 : i32
      %dma_start3A_634 = tpu.memref_slice %arg7[%select_n3A_544, %dma_start3A_626, %dma_start3A_633] : memref<5x8x64xi32, #tpu.memory_space<vmem>> -> memref<1x1x64xi32, #tpu.memory_space<vmem>>
      %dma_start3A_635 = tpu.memref_squeeze %dma_start3A_634 : memref<1x1x64xi32, #tpu.memory_space<vmem>> -> memref<64xi32, #tpu.memory_space<vmem>>
      %dma_start3A_636 = arith.constant 0 : i32
      %dma_start3A_637 = arith.constant 0 : i32
      %dma_start3A_638 = tpu.memref_slice %arg2[%dma_start3A_636, %dma_start3A_637] : memref<10000x128xf32, #tpu.memory_space<hbm>> -> memref<10000x128xf32, #tpu.memory_space<hbm>>
      %dma_start3A_639 = tpu.memref_slice %arg12[%dma_start3A_628] : memref<4x!tpu.dma_semaphore, #tpu.memory_space<semaphore_mem>> -> memref<1x!tpu.dma_semaphore, #tpu.memory_space<semaphore_mem>>
      %dma_start3A_640 = tpu.memref_squeeze %dma_start3A_639 : memref<1x!tpu.dma_semaphore, #tpu.memory_space<semaphore_mem>> -> memref<!tpu.dma_semaphore, #tpu.memory_space<semaphore_mem>>
      tpu.enqueue_indirect_dma source(%dma_start3A_638 : memref<10000x128xf32, #tpu.memory_space<hbm>>) target(%dma_start3A_632 : memref<64x128xf32, #tpu.memory_space<vmem>>) offsets(%dma_start3A_635 : memref<64xi32, #tpu.memory_space<vmem>>) semaphore(%dma_start3A_640 : memref<!tpu.dma_semaphore, #tpu.memory_space<semaphore_mem>>)
      %dma_wait3A_641 = arith.constant 0 : i32
      %dma_wait3A_642 = arith.constant 0 : i32
      %dma_wait3A_643 = arith.constant 1 : i32
      %dma_wait3A_644 = arith.constant 1 : i32
      %dma_wait3A_645 = arith.constant 0 : i32
      %dma_wait3A_646 = arith.constant 0 : i32
      %dma_wait3A_647 = tpu.memref_slice %arg9[%dma_wait3A_643, %dma_wait3A_645, %dma_wait3A_646] : memref<4x64x128xf32, #tpu.memory_space<vmem>> -> memref<1x64x128xf32, #tpu.memory_space<vmem>>
      %dma_wait3A_648 = tpu.memref_squeeze %dma_wait3A_647 : memref<1x64x128xf32, #tpu.memory_space<vmem>> -> memref<64x128xf32, #tpu.memory_space<vmem>>
      %dma_wait3A_649 = arith.constant 0 : i32
      %dma_wait3A_650 = tpu.memref_slice %arg7[%dma_wait3A_641, %dma_wait3A_642, %dma_wait3A_649] : memref<5x8x64xi32, #tpu.memory_space<vmem>> -> memref<1x1x64xi32, #tpu.memory_space<vmem>>
      %dma_wait3A_651 = tpu.memref_squeeze %dma_wait3A_650 : memref<1x1x64xi32, #tpu.memory_space<vmem>> -> memref<64xi32, #tpu.memory_space<vmem>>
      %dma_wait3A_652 = arith.constant 0 : i32
      %dma_wait3A_653 = arith.constant 0 : i32
      %dma_wait3A_654 = tpu.memref_slice %arg2[%dma_wait3A_652, %dma_wait3A_653] : memref<10000x128xf32, #tpu.memory_space<hbm>> -> memref<10000x128xf32, #tpu.memory_space<hbm>>
      %dma_wait3A_655 = tpu.memref_slice %arg12[%dma_wait3A_644] : memref<4x!tpu.dma_semaphore, #tpu.memory_space<semaphore_mem>> -> memref<1x!tpu.dma_semaphore, #tpu.memory_space<semaphore_mem>>
      %dma_wait3A_656 = tpu.memref_squeeze %dma_wait3A_655 : memref<1x!tpu.dma_semaphore, #tpu.memory_space<semaphore_mem>> -> memref<!tpu.dma_semaphore, #tpu.memory_space<semaphore_mem>>
      tpu.wait_indirect_dma semaphore(%dma_wait3A_656 : memref<!tpu.dma_semaphore, #tpu.memory_space<semaphore_mem>>) src(%dma_wait3A_654 : memref<10000x128xf32, #tpu.memory_space<hbm>>) dst(%dma_wait3A_648 : memref<64x128xf32, #tpu.memory_space<vmem>>)
      %dma_start3A_657 = arith.constant 1 : i32
      %dma_start3A_658 = arith.constant 1 : i32
      %dma_start3A_659 = arith.constant 1 : i32
      %dma_start3A_660 = arith.constant 0 : i32
      %dma_start3A_661 = arith.constant 0 : i32
      %dma_start3A_662 = tpu.memref_slice %arg9[%dma_start3A_657, %dma_start3A_660, %dma_start3A_661] : memref<4x64x128xf32, #tpu.memory_space<vmem>> -> memref<1x64x128xf32, #tpu.memory_space<vmem>>
      %dma_start3A_663 = tpu.memref_squeeze %dma_start3A_662 : memref<1x64x128xf32, #tpu.memory_space<vmem>> -> memref<64x128xf32, #tpu.memory_space<vmem>>
      %dma_start3A_664 = arith.constant 0 : i32
      %dma_start3A_665 = tpu.memref_slice %arg8[%select_n3A_544, %dma_start3A_658, %dma_start3A_664] : memref<5x8x64xi32, #tpu.memory_space<vmem>> -> memref<1x1x64xi32, #tpu.memory_space<vmem>>
      %dma_start3A_666 = tpu.memref_squeeze %dma_start3A_665 : memref<1x1x64xi32, #tpu.memory_space<vmem>> -> memref<64xi32, #tpu.memory_space<vmem>>
      %dma_start3A_667 = arith.constant 0 : i32
      %dma_start3A_668 = arith.constant 0 : i32
      %dma_start3A_669 = tpu.memref_slice %arg10[%dma_start3A_667, %dma_start3A_668] : memref<10240x128xf32, #tpu.memory_space<vmem_shared>> -> memref<10240x128xf32, #tpu.memory_space<vmem_shared>>
      %dma_start3A_670 = tpu.memref_slice %arg13[%dma_start3A_659] : memref<4x!tpu.dma_semaphore, #tpu.memory_space<semaphore_mem>> -> memref<1x!tpu.dma_semaphore, #tpu.memory_space<semaphore_mem>>
      %dma_start3A_671 = tpu.memref_squeeze %dma_start3A_670 : memref<1x!tpu.dma_semaphore, #tpu.memory_space<semaphore_mem>> -> memref<!tpu.dma_semaphore, #tpu.memory_space<semaphore_mem>>
      tpu.enqueue_indirect_dma source(%dma_start3A_663 : memref<64x128xf32, #tpu.memory_space<vmem>>) target(%dma_start3A_669 : memref<10240x128xf32, #tpu.memory_space<vmem_shared>>) offsets(%dma_start3A_666 : memref<64xi32, #tpu.memory_space<vmem>>) semaphore(%dma_start3A_671 : memref<!tpu.dma_semaphore, #tpu.memory_space<semaphore_mem>>) {add = true}
      %dma_wait3A_672 = arith.constant 1 : i32
      %dma_wait3A_673 = arith.constant 0 : i32
      %dma_wait3A_674 = arith.constant 1 : i32
      %dma_wait3A_675 = arith.constant 0 : i32
      %dma_wait3A_676 = arith.constant 0 : i32
      %dma_wait3A_677 = tpu.memref_slice %arg9[%dma_wait3A_672, %dma_wait3A_675, %dma_wait3A_676] : memref<4x64x128xf32, #tpu.memory_space<vmem>> -> memref<1x64x128xf32, #tpu.memory_space<vmem>>
      %dma_wait3A_678 = tpu.memref_squeeze %dma_wait3A_677 : memref<1x64x128xf32, #tpu.memory_space<vmem>> -> memref<64x128xf32, #tpu.memory_space<vmem>>
      %dma_wait3A_679 = arith.constant 0 : i32
      %dma_wait3A_680 = tpu.memref_slice %arg8[%select_n3A_544, %dma_wait3A_673, %dma_wait3A_679] : memref<5x8x64xi32, #tpu.memory_space<vmem>> -> memref<1x1x64xi32, #tpu.memory_space<vmem>>
      %dma_wait3A_681 = tpu.memref_squeeze %dma_wait3A_680 : memref<1x1x64xi32, #tpu.memory_space<vmem>> -> memref<64xi32, #tpu.memory_space<vmem>>
      %dma_wait3A_682 = arith.constant 0 : i32
      %dma_wait3A_683 = arith.constant 0 : i32
      %dma_wait3A_684 = tpu.memref_slice %arg10[%dma_wait3A_682, %dma_wait3A_683] : memref<10240x128xf32, #tpu.memory_space<vmem_shared>> -> memref<10240x128xf32, #tpu.memory_space<vmem_shared>>
      %dma_wait3A_685 = tpu.memref_slice %arg13[%dma_wait3A_674] : memref<4x!tpu.dma_semaphore, #tpu.memory_space<semaphore_mem>> -> memref<1x!tpu.dma_semaphore, #tpu.memory_space<semaphore_mem>>
      %dma_wait3A_686 = tpu.memref_squeeze %dma_wait3A_685 : memref<1x!tpu.dma_semaphore, #tpu.memory_space<semaphore_mem>> -> memref<!tpu.dma_semaphore, #tpu.memory_space<semaphore_mem>>
      tpu.wait_indirect_dma semaphore(%dma_wait3A_686 : memref<!tpu.dma_semaphore, #tpu.memory_space<semaphore_mem>>) src(%dma_wait3A_678 : memref<64x128xf32, #tpu.memory_space<vmem>>) dst(%dma_wait3A_684 : memref<10240x128xf32, #tpu.memory_space<vmem_shared>>)
      %dma_start3A_687 = arith.constant 5 : i32
      %dma_start3A_688 = arith.constant 1 : i32
      %dma_start3A_689 = arith.constant 1 : i32
      %dma_start3A_690 = arith.constant 0 : i32
      %dma_start3A_691 = arith.constant 0 : i32
      %dma_start3A_692 = tpu.memref_slice %arg9[%dma_start3A_688, %dma_start3A_690, %dma_start3A_691] : memref<4x64x128xf32, #tpu.memory_space<vmem>> -> memref<1x64x128xf32, #tpu.memory_space<vmem>>
      %dma_start3A_693 = tpu.memref_squeeze %dma_start3A_692 : memref<1x64x128xf32, #tpu.memory_space<vmem>> -> memref<64x128xf32, #tpu.memory_space<vmem>>
      %dma_start3A_694 = arith.constant 0 : i32
      %dma_start3A_695 = tpu.memref_slice %arg7[%select_n3A_544, %dma_start3A_687, %dma_start3A_694] : memref<5x8x64xi32, #tpu.memory_space<vmem>> -> memref<1x1x64xi32, #tpu.memory_space<vmem>>
      %dma_start3A_696 = tpu.memref_squeeze %dma_start3A_695 : memref<1x1x64xi32, #tpu.memory_space<vmem>> -> memref<64xi32, #tpu.memory_space<vmem>>
      %dma_start3A_697 = arith.constant 0 : i32
      %dma_start3A_698 = arith.constant 0 : i32
      %dma_start3A_699 = tpu.memref_slice %arg2[%dma_start3A_697, %dma_start3A_698] : memref<10000x128xf32, #tpu.memory_space<hbm>> -> memref<10000x128xf32, #tpu.memory_space<hbm>>
      %dma_start3A_700 = tpu.memref_slice %arg12[%dma_start3A_689] : memref<4x!tpu.dma_semaphore, #tpu.memory_space<semaphore_mem>> -> memref<1x!tpu.dma_semaphore, #tpu.memory_space<semaphore_mem>>
      %dma_start3A_701 = tpu.memref_squeeze %dma_start3A_700 : memref<1x!tpu.dma_semaphore, #tpu.memory_space<semaphore_mem>> -> memref<!tpu.dma_semaphore, #tpu.memory_space<semaphore_mem>>
      tpu.enqueue_indirect_dma source(%dma_start3A_699 : memref<10000x128xf32, #tpu.memory_space<hbm>>) target(%dma_start3A_693 : memref<64x128xf32, #tpu.memory_space<vmem>>) offsets(%dma_start3A_696 : memref<64xi32, #tpu.memory_space<vmem>>) semaphore(%dma_start3A_701 : memref<!tpu.dma_semaphore, #tpu.memory_space<semaphore_mem>>)
      %dma_wait3A_702 = arith.constant 0 : i32
      %dma_wait3A_703 = arith.constant 0 : i32
      %dma_wait3A_704 = arith.constant 2 : i32
      %dma_wait3A_705 = arith.constant 2 : i32
      %dma_wait3A_706 = arith.constant 0 : i32
      %dma_wait3A_707 = arith.constant 0 : i32
      %dma_wait3A_708 = tpu.memref_slice %arg9[%dma_wait3A_704, %dma_wait3A_706, %dma_wait3A_707] : memref<4x64x128xf32, #tpu.memory_space<vmem>> -> memref<1x64x128xf32, #tpu.memory_space<vmem>>
      %dma_wait3A_709 = tpu.memref_squeeze %dma_wait3A_708 : memref<1x64x128xf32, #tpu.memory_space<vmem>> -> memref<64x128xf32, #tpu.memory_space<vmem>>
      %dma_wait3A_710 = arith.constant 0 : i32
      %dma_wait3A_711 = tpu.memref_slice %arg7[%dma_wait3A_702, %dma_wait3A_703, %dma_wait3A_710] : memref<5x8x64xi32, #tpu.memory_space<vmem>> -> memref<1x1x64xi32, #tpu.memory_space<vmem>>
      %dma_wait3A_712 = tpu.memref_squeeze %dma_wait3A_711 : memref<1x1x64xi32, #tpu.memory_space<vmem>> -> memref<64xi32, #tpu.memory_space<vmem>>
      %dma_wait3A_713 = arith.constant 0 : i32
      %dma_wait3A_714 = arith.constant 0 : i32
      %dma_wait3A_715 = tpu.memref_slice %arg2[%dma_wait3A_713, %dma_wait3A_714] : memref<10000x128xf32, #tpu.memory_space<hbm>> -> memref<10000x128xf32, #tpu.memory_space<hbm>>
      %dma_wait3A_716 = tpu.memref_slice %arg12[%dma_wait3A_705] : memref<4x!tpu.dma_semaphore, #tpu.memory_space<semaphore_mem>> -> memref<1x!tpu.dma_semaphore, #tpu.memory_space<semaphore_mem>>
      %dma_wait3A_717 = tpu.memref_squeeze %dma_wait3A_716 : memref<1x!tpu.dma_semaphore, #tpu.memory_space<semaphore_mem>> -> memref<!tpu.dma_semaphore, #tpu.memory_space<semaphore_mem>>
      tpu.wait_indirect_dma semaphore(%dma_wait3A_717 : memref<!tpu.dma_semaphore, #tpu.memory_space<semaphore_mem>>) src(%dma_wait3A_715 : memref<10000x128xf32, #tpu.memory_space<hbm>>) dst(%dma_wait3A_709 : memref<64x128xf32, #tpu.memory_space<vmem>>)
      %dma_start3A_718 = arith.constant 2 : i32
      %dma_start3A_719 = arith.constant 2 : i32
      %dma_start3A_720 = arith.constant 2 : i32
      %dma_start3A_721 = arith.constant 0 : i32
      %dma_start3A_722 = arith.constant 0 : i32
      %dma_start3A_723 = tpu.memref_slice %arg9[%dma_start3A_718, %dma_start3A_721, %dma_start3A_722] : memref<4x64x128xf32, #tpu.memory_space<vmem>> -> memref<1x64x128xf32, #tpu.memory_space<vmem>>
      %dma_start3A_724 = tpu.memref_squeeze %dma_start3A_723 : memref<1x64x128xf32, #tpu.memory_space<vmem>> -> memref<64x128xf32, #tpu.memory_space<vmem>>
      %dma_start3A_725 = arith.constant 0 : i32
      %dma_start3A_726 = tpu.memref_slice %arg8[%select_n3A_544, %dma_start3A_719, %dma_start3A_725] : memref<5x8x64xi32, #tpu.memory_space<vmem>> -> memref<1x1x64xi32, #tpu.memory_space<vmem>>
      %dma_start3A_727 = tpu.memref_squeeze %dma_start3A_726 : memref<1x1x64xi32, #tpu.memory_space<vmem>> -> memref<64xi32, #tpu.memory_space<vmem>>
      %dma_start3A_728 = arith.constant 0 : i32
      %dma_start3A_729 = arith.constant 0 : i32
      %dma_start3A_730 = tpu.memref_slice %arg10[%dma_start3A_728, %dma_start3A_729] : memref<10240x128xf32, #tpu.memory_space<vmem_shared>> -> memref<10240x128xf32, #tpu.memory_space<vmem_shared>>
      %dma_start3A_731 = tpu.memref_slice %arg13[%dma_start3A_720] : memref<4x!tpu.dma_semaphore, #tpu.memory_space<semaphore_mem>> -> memref<1x!tpu.dma_semaphore, #tpu.memory_space<semaphore_mem>>
      %dma_start3A_732 = tpu.memref_squeeze %dma_start3A_731 : memref<1x!tpu.dma_semaphore, #tpu.memory_space<semaphore_mem>> -> memref<!tpu.dma_semaphore, #tpu.memory_space<semaphore_mem>>
      tpu.enqueue_indirect_dma source(%dma_start3A_724 : memref<64x128xf32, #tpu.memory_space<vmem>>) target(%dma_start3A_730 : memref<10240x128xf32, #tpu.memory_space<vmem_shared>>) offsets(%dma_start3A_727 : memref<64xi32, #tpu.memory_space<vmem>>) semaphore(%dma_start3A_732 : memref<!tpu.dma_semaphore, #tpu.memory_space<semaphore_mem>>) {add = true}
      %dma_wait3A_733 = arith.constant 2 : i32
      %dma_wait3A_734 = arith.constant 0 : i32
      %dma_wait3A_735 = arith.constant 2 : i32
      %dma_wait3A_736 = arith.constant 0 : i32
      %dma_wait3A_737 = arith.constant 0 : i32
      %dma_wait3A_738 = tpu.memref_slice %arg9[%dma_wait3A_733, %dma_wait3A_736, %dma_wait3A_737] : memref<4x64x128xf32, #tpu.memory_space<vmem>> -> memref<1x64x128xf32, #tpu.memory_space<vmem>>
      %dma_wait3A_739 = tpu.memref_squeeze %dma_wait3A_738 : memref<1x64x128xf32, #tpu.memory_space<vmem>> -> memref<64x128xf32, #tpu.memory_space<vmem>>
      %dma_wait3A_740 = arith.constant 0 : i32
      %dma_wait3A_741 = tpu.memref_slice %arg8[%select_n3A_544, %dma_wait3A_734, %dma_wait3A_740] : memref<5x8x64xi32, #tpu.memory_space<vmem>> -> memref<1x1x64xi32, #tpu.memory_space<vmem>>
      %dma_wait3A_742 = tpu.memref_squeeze %dma_wait3A_741 : memref<1x1x64xi32, #tpu.memory_space<vmem>> -> memref<64xi32, #tpu.memory_space<vmem>>
      %dma_wait3A_743 = arith.constant 0 : i32
      %dma_wait3A_744 = arith.constant 0 : i32
      %dma_wait3A_745 = tpu.memref_slice %arg10[%dma_wait3A_743, %dma_wait3A_744] : memref<10240x128xf32, #tpu.memory_space<vmem_shared>> -> memref<10240x128xf32, #tpu.memory_space<vmem_shared>>
      %dma_wait3A_746 = tpu.memref_slice %arg13[%dma_wait3A_735] : memref<4x!tpu.dma_semaphore, #tpu.memory_space<semaphore_mem>> -> memref<1x!tpu.dma_semaphore, #tpu.memory_space<semaphore_mem>>
      %dma_wait3A_747 = tpu.memref_squeeze %dma_wait3A_746 : memref<1x!tpu.dma_semaphore, #tpu.memory_space<semaphore_mem>> -> memref<!tpu.dma_semaphore, #tpu.memory_space<semaphore_mem>>
      tpu.wait_indirect_dma semaphore(%dma_wait3A_747 : memref<!tpu.dma_semaphore, #tpu.memory_space<semaphore_mem>>) src(%dma_wait3A_739 : memref<64x128xf32, #tpu.memory_space<vmem>>) dst(%dma_wait3A_745 : memref<10240x128xf32, #tpu.memory_space<vmem_shared>>)
      %dma_start3A_748 = arith.constant 6 : i32
      %dma_start3A_749 = arith.constant 2 : i32
      %dma_start3A_750 = arith.constant 2 : i32
      %dma_start3A_751 = arith.constant 0 : i32
      %dma_start3A_752 = arith.constant 0 : i32
      %dma_start3A_753 = tpu.memref_slice %arg9[%dma_start3A_749, %dma_start3A_751, %dma_start3A_752] : memref<4x64x128xf32, #tpu.memory_space<vmem>> -> memref<1x64x128xf32, #tpu.memory_space<vmem>>
      %dma_start3A_754 = tpu.memref_squeeze %dma_start3A_753 : memref<1x64x128xf32, #tpu.memory_space<vmem>> -> memref<64x128xf32, #tpu.memory_space<vmem>>
      %dma_start3A_755 = arith.constant 0 : i32
      %dma_start3A_756 = tpu.memref_slice %arg7[%select_n3A_544, %dma_start3A_748, %dma_start3A_755] : memref<5x8x64xi32, #tpu.memory_space<vmem>> -> memref<1x1x64xi32, #tpu.memory_space<vmem>>
      %dma_start3A_757 = tpu.memref_squeeze %dma_start3A_756 : memref<1x1x64xi32, #tpu.memory_space<vmem>> -> memref<64xi32, #tpu.memory_space<vmem>>
      %dma_start3A_758 = arith.constant 0 : i32
      %dma_start3A_759 = arith.constant 0 : i32
      %dma_start3A_760 = tpu.memref_slice %arg2[%dma_start3A_758, %dma_start3A_759] : memref<10000x128xf32, #tpu.memory_space<hbm>> -> memref<10000x128xf32, #tpu.memory_space<hbm>>
      %dma_start3A_761 = tpu.memref_slice %arg12[%dma_start3A_750] : memref<4x!tpu.dma_semaphore, #tpu.memory_space<semaphore_mem>> -> memref<1x!tpu.dma_semaphore, #tpu.memory_space<semaphore_mem>>
      %dma_start3A_762 = tpu.memref_squeeze %dma_start3A_761 : memref<1x!tpu.dma_semaphore, #tpu.memory_space<semaphore_mem>> -> memref<!tpu.dma_semaphore, #tpu.memory_space<semaphore_mem>>
      tpu.enqueue_indirect_dma source(%dma_start3A_760 : memref<10000x128xf32, #tpu.memory_space<hbm>>) target(%dma_start3A_754 : memref<64x128xf32, #tpu.memory_space<vmem>>) offsets(%dma_start3A_757 : memref<64xi32, #tpu.memory_space<vmem>>) semaphore(%dma_start3A_762 : memref<!tpu.dma_semaphore, #tpu.memory_space<semaphore_mem>>)
      %dma_wait3A_763 = arith.constant 0 : i32
      %dma_wait3A_764 = arith.constant 0 : i32
      %dma_wait3A_765 = arith.constant 3 : i32
      %dma_wait3A_766 = arith.constant 3 : i32
      %dma_wait3A_767 = arith.constant 0 : i32
      %dma_wait3A_768 = arith.constant 0 : i32
      %dma_wait3A_769 = tpu.memref_slice %arg9[%dma_wait3A_765, %dma_wait3A_767, %dma_wait3A_768] : memref<4x64x128xf32, #tpu.memory_space<vmem>> -> memref<1x64x128xf32, #tpu.memory_space<vmem>>
      %dma_wait3A_770 = tpu.memref_squeeze %dma_wait3A_769 : memref<1x64x128xf32, #tpu.memory_space<vmem>> -> memref<64x128xf32, #tpu.memory_space<vmem>>
      %dma_wait3A_771 = arith.constant 0 : i32
      %dma_wait3A_772 = tpu.memref_slice %arg7[%dma_wait3A_763, %dma_wait3A_764, %dma_wait3A_771] : memref<5x8x64xi32, #tpu.memory_space<vmem>> -> memref<1x1x64xi32, #tpu.memory_space<vmem>>
      %dma_wait3A_773 = tpu.memref_squeeze %dma_wait3A_772 : memref<1x1x64xi32, #tpu.memory_space<vmem>> -> memref<64xi32, #tpu.memory_space<vmem>>
      %dma_wait3A_774 = arith.constant 0 : i32
      %dma_wait3A_775 = arith.constant 0 : i32
      %dma_wait3A_776 = tpu.memref_slice %arg2[%dma_wait3A_774, %dma_wait3A_775] : memref<10000x128xf32, #tpu.memory_space<hbm>> -> memref<10000x128xf32, #tpu.memory_space<hbm>>
      %dma_wait3A_777 = tpu.memref_slice %arg12[%dma_wait3A_766] : memref<4x!tpu.dma_semaphore, #tpu.memory_space<semaphore_mem>> -> memref<1x!tpu.dma_semaphore, #tpu.memory_space<semaphore_mem>>
      %dma_wait3A_778 = tpu.memref_squeeze %dma_wait3A_777 : memref<1x!tpu.dma_semaphore, #tpu.memory_space<semaphore_mem>> -> memref<!tpu.dma_semaphore, #tpu.memory_space<semaphore_mem>>
      tpu.wait_indirect_dma semaphore(%dma_wait3A_778 : memref<!tpu.dma_semaphore, #tpu.memory_space<semaphore_mem>>) src(%dma_wait3A_776 : memref<10000x128xf32, #tpu.memory_space<hbm>>) dst(%dma_wait3A_770 : memref<64x128xf32, #tpu.memory_space<vmem>>)
      %dma_start3A_779 = arith.constant 3 : i32
      %dma_start3A_780 = arith.constant 3 : i32
      %dma_start3A_781 = arith.constant 3 : i32
      %dma_start3A_782 = arith.constant 0 : i32
      %dma_start3A_783 = arith.constant 0 : i32
      %dma_start3A_784 = tpu.memref_slice %arg9[%dma_start3A_779, %dma_start3A_782, %dma_start3A_783] : memref<4x64x128xf32, #tpu.memory_space<vmem>> -> memref<1x64x128xf32, #tpu.memory_space<vmem>>
      %dma_start3A_785 = tpu.memref_squeeze %dma_start3A_784 : memref<1x64x128xf32, #tpu.memory_space<vmem>> -> memref<64x128xf32, #tpu.memory_space<vmem>>
      %dma_start3A_786 = arith.constant 0 : i32
      %dma_start3A_787 = tpu.memref_slice %arg8[%select_n3A_544, %dma_start3A_780, %dma_start3A_786] : memref<5x8x64xi32, #tpu.memory_space<vmem>> -> memref<1x1x64xi32, #tpu.memory_space<vmem>>
      %dma_start3A_788 = tpu.memref_squeeze %dma_start3A_787 : memref<1x1x64xi32, #tpu.memory_space<vmem>> -> memref<64xi32, #tpu.memory_space<vmem>>
      %dma_start3A_789 = arith.constant 0 : i32
      %dma_start3A_790 = arith.constant 0 : i32
      %dma_start3A_791 = tpu.memref_slice %arg10[%dma_start3A_789, %dma_start3A_790] : memref<10240x128xf32, #tpu.memory_space<vmem_shared>> -> memref<10240x128xf32, #tpu.memory_space<vmem_shared>>
      %dma_start3A_792 = tpu.memref_slice %arg13[%dma_start3A_781] : memref<4x!tpu.dma_semaphore, #tpu.memory_space<semaphore_mem>> -> memref<1x!tpu.dma_semaphore, #tpu.memory_space<semaphore_mem>>
      %dma_start3A_793 = tpu.memref_squeeze %dma_start3A_792 : memref<1x!tpu.dma_semaphore, #tpu.memory_space<semaphore_mem>> -> memref<!tpu.dma_semaphore, #tpu.memory_space<semaphore_mem>>
      tpu.enqueue_indirect_dma source(%dma_start3A_785 : memref<64x128xf32, #tpu.memory_space<vmem>>) target(%dma_start3A_791 : memref<10240x128xf32, #tpu.memory_space<vmem_shared>>) offsets(%dma_start3A_788 : memref<64xi32, #tpu.memory_space<vmem>>) semaphore(%dma_start3A_793 : memref<!tpu.dma_semaphore, #tpu.memory_space<semaphore_mem>>) {add = true}
      %dma_wait3A_794 = arith.constant 3 : i32
      %dma_wait3A_795 = arith.constant 0 : i32
      %dma_wait3A_796 = arith.constant 3 : i32
      %dma_wait3A_797 = arith.constant 0 : i32
      %dma_wait3A_798 = arith.constant 0 : i32
      %dma_wait3A_799 = tpu.memref_slice %arg9[%dma_wait3A_794, %dma_wait3A_797, %dma_wait3A_798] : memref<4x64x128xf32, #tpu.memory_space<vmem>> -> memref<1x64x128xf32, #tpu.memory_space<vmem>>
      %dma_wait3A_800 = tpu.memref_squeeze %dma_wait3A_799 : memref<1x64x128xf32, #tpu.memory_space<vmem>> -> memref<64x128xf32, #tpu.memory_space<vmem>>
      %dma_wait3A_801 = arith.constant 0 : i32
      %dma_wait3A_802 = tpu.memref_slice %arg8[%select_n3A_544, %dma_wait3A_795, %dma_wait3A_801] : memref<5x8x64xi32, #tpu.memory_space<vmem>> -> memref<1x1x64xi32, #tpu.memory_space<vmem>>
      %dma_wait3A_803 = tpu.memref_squeeze %dma_wait3A_802 : memref<1x1x64xi32, #tpu.memory_space<vmem>> -> memref<64xi32, #tpu.memory_space<vmem>>
      %dma_wait3A_804 = arith.constant 0 : i32
      %dma_wait3A_805 = arith.constant 0 : i32
      %dma_wait3A_806 = tpu.memref_slice %arg10[%dma_wait3A_804, %dma_wait3A_805] : memref<10240x128xf32, #tpu.memory_space<vmem_shared>> -> memref<10240x128xf32, #tpu.memory_space<vmem_shared>>
      %dma_wait3A_807 = tpu.memref_slice %arg13[%dma_wait3A_796] : memref<4x!tpu.dma_semaphore, #tpu.memory_space<semaphore_mem>> -> memref<1x!tpu.dma_semaphore, #tpu.memory_space<semaphore_mem>>
      %dma_wait3A_808 = tpu.memref_squeeze %dma_wait3A_807 : memref<1x!tpu.dma_semaphore, #tpu.memory_space<semaphore_mem>> -> memref<!tpu.dma_semaphore, #tpu.memory_space<semaphore_mem>>
      tpu.wait_indirect_dma semaphore(%dma_wait3A_808 : memref<!tpu.dma_semaphore, #tpu.memory_space<semaphore_mem>>) src(%dma_wait3A_800 : memref<64x128xf32, #tpu.memory_space<vmem>>) dst(%dma_wait3A_806 : memref<10240x128xf32, #tpu.memory_space<vmem_shared>>)
      %dma_start3A_809 = arith.constant 7 : i32
      %dma_start3A_810 = arith.constant 3 : i32
      %dma_start3A_811 = arith.constant 3 : i32
      %dma_start3A_812 = arith.constant 0 : i32
      %dma_start3A_813 = arith.constant 0 : i32
      %dma_start3A_814 = tpu.memref_slice %arg9[%dma_start3A_810, %dma_start3A_812, %dma_start3A_813] : memref<4x64x128xf32, #tpu.memory_space<vmem>> -> memref<1x64x128xf32, #tpu.memory_space<vmem>>
      %dma_start3A_815 = tpu.memref_squeeze %dma_start3A_814 : memref<1x64x128xf32, #tpu.memory_space<vmem>> -> memref<64x128xf32, #tpu.memory_space<vmem>>
      %dma_start3A_816 = arith.constant 0 : i32
      %dma_start3A_817 = tpu.memref_slice %arg7[%select_n3A_544, %dma_start3A_809, %dma_start3A_816] : memref<5x8x64xi32, #tpu.memory_space<vmem>> -> memref<1x1x64xi32, #tpu.memory_space<vmem>>
      %dma_start3A_818 = tpu.memref_squeeze %dma_start3A_817 : memref<1x1x64xi32, #tpu.memory_space<vmem>> -> memref<64xi32, #tpu.memory_space<vmem>>
      %dma_start3A_819 = arith.constant 0 : i32
      %dma_start3A_820 = arith.constant 0 : i32
      %dma_start3A_821 = tpu.memref_slice %arg2[%dma_start3A_819, %dma_start3A_820] : memref<10000x128xf32, #tpu.memory_space<hbm>> -> memref<10000x128xf32, #tpu.memory_space<hbm>>
      %dma_start3A_822 = tpu.memref_slice %arg12[%dma_start3A_811] : memref<4x!tpu.dma_semaphore, #tpu.memory_space<semaphore_mem>> -> memref<1x!tpu.dma_semaphore, #tpu.memory_space<semaphore_mem>>
      %dma_start3A_823 = tpu.memref_squeeze %dma_start3A_822 : memref<1x!tpu.dma_semaphore, #tpu.memory_space<semaphore_mem>> -> memref<!tpu.dma_semaphore, #tpu.memory_space<semaphore_mem>>
      tpu.enqueue_indirect_dma source(%dma_start3A_821 : memref<10000x128xf32, #tpu.memory_space<hbm>>) target(%dma_start3A_815 : memref<64x128xf32, #tpu.memory_space<vmem>>) offsets(%dma_start3A_818 : memref<64xi32, #tpu.memory_space<vmem>>) semaphore(%dma_start3A_823 : memref<!tpu.dma_semaphore, #tpu.memory_space<semaphore_mem>>)
      %dma_wait3A_824 = arith.constant 0 : i32
      %dma_wait3A_825 = arith.constant 0 : i32
      %dma_wait3A_826 = arith.constant 0 : i32
      %dma_wait3A_827 = arith.constant 0 : i32
      %dma_wait3A_828 = arith.constant 0 : i32
      %dma_wait3A_829 = arith.constant 0 : i32
      %dma_wait3A_830 = tpu.memref_slice %arg9[%dma_wait3A_826, %dma_wait3A_828, %dma_wait3A_829] : memref<4x64x128xf32, #tpu.memory_space<vmem>> -> memref<1x64x128xf32, #tpu.memory_space<vmem>>
      %dma_wait3A_831 = tpu.memref_squeeze %dma_wait3A_830 : memref<1x64x128xf32, #tpu.memory_space<vmem>> -> memref<64x128xf32, #tpu.memory_space<vmem>>
      %dma_wait3A_832 = arith.constant 0 : i32
      %dma_wait3A_833 = tpu.memref_slice %arg7[%dma_wait3A_824, %dma_wait3A_825, %dma_wait3A_832] : memref<5x8x64xi32, #tpu.memory_space<vmem>> -> memref<1x1x64xi32, #tpu.memory_space<vmem>>
      %dma_wait3A_834 = tpu.memref_squeeze %dma_wait3A_833 : memref<1x1x64xi32, #tpu.memory_space<vmem>> -> memref<64xi32, #tpu.memory_space<vmem>>
      %dma_wait3A_835 = arith.constant 0 : i32
      %dma_wait3A_836 = arith.constant 0 : i32
      %dma_wait3A_837 = tpu.memref_slice %arg2[%dma_wait3A_835, %dma_wait3A_836] : memref<10000x128xf32, #tpu.memory_space<hbm>> -> memref<10000x128xf32, #tpu.memory_space<hbm>>
      %dma_wait3A_838 = tpu.memref_slice %arg12[%dma_wait3A_827] : memref<4x!tpu.dma_semaphore, #tpu.memory_space<semaphore_mem>> -> memref<1x!tpu.dma_semaphore, #tpu.memory_space<semaphore_mem>>
      %dma_wait3A_839 = tpu.memref_squeeze %dma_wait3A_838 : memref<1x!tpu.dma_semaphore, #tpu.memory_space<semaphore_mem>> -> memref<!tpu.dma_semaphore, #tpu.memory_space<semaphore_mem>>
      tpu.wait_indirect_dma semaphore(%dma_wait3A_839 : memref<!tpu.dma_semaphore, #tpu.memory_space<semaphore_mem>>) src(%dma_wait3A_837 : memref<10000x128xf32, #tpu.memory_space<hbm>>) dst(%dma_wait3A_831 : memref<64x128xf32, #tpu.memory_space<vmem>>)
      %dma_start3A_840 = arith.constant 0 : i32
      %dma_start3A_841 = arith.constant 4 : i32
      %dma_start3A_842 = arith.constant 0 : i32
      %dma_start3A_843 = arith.constant 0 : i32
      %dma_start3A_844 = arith.constant 0 : i32
      %dma_start3A_845 = tpu.memref_slice %arg9[%dma_start3A_840, %dma_start3A_843, %dma_start3A_844] : memref<4x64x128xf32, #tpu.memory_space<vmem>> -> memref<1x64x128xf32, #tpu.memory_space<vmem>>
      %dma_start3A_846 = tpu.memref_squeeze %dma_start3A_845 : memref<1x64x128xf32, #tpu.memory_space<vmem>> -> memref<64x128xf32, #tpu.memory_space<vmem>>
      %dma_start3A_847 = arith.constant 0 : i32
      %dma_start3A_848 = tpu.memref_slice %arg8[%select_n3A_544, %dma_start3A_841, %dma_start3A_847] : memref<5x8x64xi32, #tpu.memory_space<vmem>> -> memref<1x1x64xi32, #tpu.memory_space<vmem>>
      %dma_start3A_849 = tpu.memref_squeeze %dma_start3A_848 : memref<1x1x64xi32, #tpu.memory_space<vmem>> -> memref<64xi32, #tpu.memory_space<vmem>>
      %dma_start3A_850 = arith.constant 0 : i32
      %dma_start3A_851 = arith.constant 0 : i32
      %dma_start3A_852 = tpu.memref_slice %arg10[%dma_start3A_850, %dma_start3A_851] : memref<10240x128xf32, #tpu.memory_space<vmem_shared>> -> memref<10240x128xf32, #tpu.memory_space<vmem_shared>>
      %dma_start3A_853 = tpu.memref_slice %arg13[%dma_start3A_842] : memref<4x!tpu.dma_semaphore, #tpu.memory_space<semaphore_mem>> -> memref<1x!tpu.dma_semaphore, #tpu.memory_space<semaphore_mem>>
      %dma_start3A_854 = tpu.memref_squeeze %dma_start3A_853 : memref<1x!tpu.dma_semaphore, #tpu.memory_space<semaphore_mem>> -> memref<!tpu.dma_semaphore, #tpu.memory_space<semaphore_mem>>
      tpu.enqueue_indirect_dma source(%dma_start3A_846 : memref<64x128xf32, #tpu.memory_space<vmem>>) target(%dma_start3A_852 : memref<10240x128xf32, #tpu.memory_space<vmem_shared>>) offsets(%dma_start3A_849 : memref<64xi32, #tpu.memory_space<vmem>>) semaphore(%dma_start3A_854 : memref<!tpu.dma_semaphore, #tpu.memory_space<semaphore_mem>>) {add = true}
      %add3A_855 = arith.constant 1 : i32
      %add3A_856 = arith.addi %scan3A_535, %add3A_855 : i32
      %lt3A_857 = arith.constant 20 : i32
      %lt3A_858 = arith.cmpi slt, %add3A_856, %lt3A_857 : i32
      %convert_element_type3A_859 = arith.extui %lt3A_858 : i1 to i32
      %cond3A_860 = arith.constant 0 : i32
      %cond3A_861 = arith.cmpi ne, %convert_element_type3A_859, %cond3A_860 : i32
      scf.if %cond3A_861 {
        %dma_wait3A_976 = arith.constant 0 : i32
        %dma_wait3A_977 = arith.constant 0 : i32
        %dma_wait3A_978 = arith.constant 0 : i32
        %dma_wait3A_979 = arith.constant 0 : i32
        %dma_wait3A_980 = arith.constant 0 : i32
        %dma_wait3A_981 = tpu.memref_slice %arg9[%dma_wait3A_976, %dma_wait3A_979, %dma_wait3A_980] : memref<4x64x128xf32, #tpu.memory_space<vmem>> -> memref<1x64x128xf32, #tpu.memory_space<vmem>>
        %dma_wait3A_982 = tpu.memref_squeeze %dma_wait3A_981 : memref<1x64x128xf32, #tpu.memory_space<vmem>> -> memref<64x128xf32, #tpu.memory_space<vmem>>
        %dma_wait3A_983 = arith.constant 0 : i32
        %dma_wait3A_984 = tpu.memref_slice %arg8[%select_n3A_544, %dma_wait3A_977, %dma_wait3A_983] : memref<5x8x64xi32, #tpu.memory_space<vmem>> -> memref<1x1x64xi32, #tpu.memory_space<vmem>>
        %dma_wait3A_985 = tpu.memref_squeeze %dma_wait3A_984 : memref<1x1x64xi32, #tpu.memory_space<vmem>> -> memref<64xi32, #tpu.memory_space<vmem>>
        %dma_wait3A_986 = arith.constant 0 : i32
        %dma_wait3A_987 = arith.constant 0 : i32
        %dma_wait3A_988 = tpu.memref_slice %arg10[%dma_wait3A_986, %dma_wait3A_987] : memref<10240x128xf32, #tpu.memory_space<vmem_shared>> -> memref<10240x128xf32, #tpu.memory_space<vmem_shared>>
        %dma_wait3A_989 = tpu.memref_slice %arg13[%dma_wait3A_978] : memref<4x!tpu.dma_semaphore, #tpu.memory_space<semaphore_mem>> -> memref<1x!tpu.dma_semaphore, #tpu.memory_space<semaphore_mem>>
        %dma_wait3A_990 = tpu.memref_squeeze %dma_wait3A_989 : memref<1x!tpu.dma_semaphore, #tpu.memory_space<semaphore_mem>> -> memref<!tpu.dma_semaphore, #tpu.memory_space<semaphore_mem>>
        tpu.wait_indirect_dma semaphore(%dma_wait3A_990 : memref<!tpu.dma_semaphore, #tpu.memory_space<semaphore_mem>>) src(%dma_wait3A_982 : memref<64x128xf32, #tpu.memory_space<vmem>>) dst(%dma_wait3A_988 : memref<10240x128xf32, #tpu.memory_space<vmem_shared>>)
        %dma_wait3A_991 = arith.constant 0 : i32
        %dma_wait3A_992 = arith.constant 0 : i32
        %dma_wait3A_993 = tpu.memref_slice %arg7[%select_n3A_562, %dma_wait3A_991, %dma_wait3A_992] : memref<5x8x64xi32, #tpu.memory_space<vmem>> -> memref<1x8x64xi32, #tpu.memory_space<vmem>>
        %dma_wait3A_994 = tpu.memref_squeeze %dma_wait3A_993 : memref<1x8x64xi32, #tpu.memory_space<vmem>> -> memref<8x64xi32, #tpu.memory_space<vmem>>
        %dma_wait3A_995 = arith.constant 0 : i32
        %dma_wait3A_996 = tpu.memref_slice %arg3[%mul3A_2, %dma_wait3A_995] : memref<5120x64xi32, #tpu.memory_space<hbm>> -> memref<8x64xi32, #tpu.memory_space<hbm>>
        %dma_wait3A_997 = arith.constant 0 : i32
        %dma_wait3A_998 = arith.constant 0 : i32
        %dma_wait3A_999 = tpu.memref_slice %arg7[%select_n3A_562, %dma_wait3A_997, %dma_wait3A_998] : memref<5x8x64xi32, #tpu.memory_space<vmem>> -> memref<1x8x64xi32, #tpu.memory_space<vmem>>
        %dma_wait3A_1000 = tpu.memref_squeeze %dma_wait3A_999 : memref<1x8x64xi32, #tpu.memory_space<vmem>> -> memref<8x64xi32, #tpu.memory_space<vmem>>
        %dma_wait3A_1001 = arith.constant 0 : i32
        %dma_wait3A_1002 = tpu.memref_slice %arg3[%mul3A_2, %dma_wait3A_1001] : memref<5120x64xi32, #tpu.memory_space<hbm>> -> memref<8x64xi32, #tpu.memory_space<hbm>>
        tpu.wait_dma2 semaphore(%arg11 : memref<!tpu.dma_semaphore, #tpu.memory_space<semaphore_mem>>) src(%dma_wait3A_1002 : memref<8x64xi32, #tpu.memory_space<hbm>>) dst(%dma_wait3A_1000 : memref<8x64xi32, #tpu.memory_space<vmem>>)
        %dma_wait3A_1003 = arith.constant 0 : i32
        %dma_wait3A_1004 = arith.constant 0 : i32
        %dma_wait3A_1005 = tpu.memref_slice %arg8[%select_n3A_562, %dma_wait3A_1003, %dma_wait3A_1004] : memref<5x8x64xi32, #tpu.memory_space<vmem>> -> memref<1x8x64xi32, #tpu.memory_space<vmem>>
        %dma_wait3A_1006 = tpu.memref_squeeze %dma_wait3A_1005 : memref<1x8x64xi32, #tpu.memory_space<vmem>> -> memref<8x64xi32, #tpu.memory_space<vmem>>
        %dma_wait3A_1007 = arith.constant 0 : i32
        %dma_wait3A_1008 = tpu.memref_slice %arg4[%mul3A_2, %dma_wait3A_1007] : memref<5120x64xi32, #tpu.memory_space<hbm>> -> memref<8x64xi32, #tpu.memory_space<hbm>>
        %dma_wait3A_1009 = arith.constant 0 : i32
        %dma_wait3A_1010 = arith.constant 0 : i32
        %dma_wait3A_1011 = tpu.memref_slice %arg8[%select_n3A_562, %dma_wait3A_1009, %dma_wait3A_1010] : memref<5x8x64xi32, #tpu.memory_space<vmem>> -> memref<1x8x64xi32, #tpu.memory_space<vmem>>
        %dma_wait3A_1012 = tpu.memref_squeeze %dma_wait3A_1011 : memref<1x8x64xi32, #tpu.memory_space<vmem>> -> memref<8x64xi32, #tpu.memory_space<vmem>>
        %dma_wait3A_1013 = arith.constant 0 : i32
        %dma_wait3A_1014 = tpu.memref_slice %arg4[%mul3A_2, %dma_wait3A_1013] : memref<5120x64xi32, #tpu.memory_space<hbm>> -> memref<8x64xi32, #tpu.memory_space<hbm>>
        tpu.wait_dma2 semaphore(%arg11 : memref<!tpu.dma_semaphore, #tpu.memory_space<semaphore_mem>>) src(%dma_wait3A_1014 : memref<8x64xi32, #tpu.memory_space<hbm>>) dst(%dma_wait3A_1012 : memref<8x64xi32, #tpu.memory_space<vmem>>)
        %dma_start3A_1015 = arith.constant 0 : i32
        %dma_start3A_1016 = arith.constant 0 : i32
        %dma_start3A_1017 = arith.constant 0 : i32
        %dma_start3A_1018 = arith.constant 0 : i32
        %dma_start3A_1019 = arith.constant 0 : i32
        %dma_start3A_1020 = tpu.memref_slice %arg9[%dma_start3A_1016, %dma_start3A_1018, %dma_start3A_1019] : memref<4x64x128xf32, #tpu.memory_space<vmem>> -> memref<1x64x128xf32, #tpu.memory_space<vmem>>
        %dma_start3A_1021 = tpu.memref_squeeze %dma_start3A_1020 : memref<1x64x128xf32, #tpu.memory_space<vmem>> -> memref<64x128xf32, #tpu.memory_space<vmem>>
        %dma_start3A_1022 = arith.constant 0 : i32
        %dma_start3A_1023 = tpu.memref_slice %arg7[%select_n3A_562, %dma_start3A_1015, %dma_start3A_1022] : memref<5x8x64xi32, #tpu.memory_space<vmem>> -> memref<1x1x64xi32, #tpu.memory_space<vmem>>
        %dma_start3A_1024 = tpu.memref_squeeze %dma_start3A_1023 : memref<1x1x64xi32, #tpu.memory_space<vmem>> -> memref<64xi32, #tpu.memory_space<vmem>>
        %dma_start3A_1025 = arith.constant 0 : i32
        %dma_start3A_1026 = arith.constant 0 : i32
        %dma_start3A_1027 = tpu.memref_slice %arg2[%dma_start3A_1025, %dma_start3A_1026] : memref<10000x128xf32, #tpu.memory_space<hbm>> -> memref<10000x128xf32, #tpu.memory_space<hbm>>
        %dma_start3A_1028 = tpu.memref_slice %arg12[%dma_start3A_1017] : memref<4x!tpu.dma_semaphore, #tpu.memory_space<semaphore_mem>> -> memref<1x!tpu.dma_semaphore, #tpu.memory_space<semaphore_mem>>
        %dma_start3A_1029 = tpu.memref_squeeze %dma_start3A_1028 : memref<1x!tpu.dma_semaphore, #tpu.memory_space<semaphore_mem>> -> memref<!tpu.dma_semaphore, #tpu.memory_space<semaphore_mem>>
        tpu.enqueue_indirect_dma source(%dma_start3A_1027 : memref<10000x128xf32, #tpu.memory_space<hbm>>) target(%dma_start3A_1021 : memref<64x128xf32, #tpu.memory_space<vmem>>) offsets(%dma_start3A_1024 : memref<64xi32, #tpu.memory_space<vmem>>) semaphore(%dma_start3A_1029 : memref<!tpu.dma_semaphore, #tpu.memory_space<semaphore_mem>>)
      } else {
      }
      %dma_wait3A_862 = arith.constant 0 : i32
      %dma_wait3A_863 = arith.constant 0 : i32
      %dma_wait3A_864 = arith.constant 1 : i32
      %dma_wait3A_865 = arith.constant 1 : i32
      %dma_wait3A_866 = arith.constant 0 : i32
      %dma_wait3A_867 = arith.constant 0 : i32
      %dma_wait3A_868 = tpu.memref_slice %arg9[%dma_wait3A_864, %dma_wait3A_866, %dma_wait3A_867] : memref<4x64x128xf32, #tpu.memory_space<vmem>> -> memref<1x64x128xf32, #tpu.memory_space<vmem>>
      %dma_wait3A_869 = tpu.memref_squeeze %dma_wait3A_868 : memref<1x64x128xf32, #tpu.memory_space<vmem>> -> memref<64x128xf32, #tpu.memory_space<vmem>>
      %dma_wait3A_870 = arith.constant 0 : i32
      %dma_wait3A_871 = tpu.memref_slice %arg7[%dma_wait3A_862, %dma_wait3A_863, %dma_wait3A_870] : memref<5x8x64xi32, #tpu.memory_space<vmem>> -> memref<1x1x64xi32, #tpu.memory_space<vmem>>
      %dma_wait3A_872 = tpu.memref_squeeze %dma_wait3A_871 : memref<1x1x64xi32, #tpu.memory_space<vmem>> -> memref<64xi32, #tpu.memory_space<vmem>>
      %dma_wait3A_873 = arith.constant 0 : i32
      %dma_wait3A_874 = arith.constant 0 : i32
      %dma_wait3A_875 = tpu.memref_slice %arg2[%dma_wait3A_873, %dma_wait3A_874] : memref<10000x128xf32, #tpu.memory_space<hbm>> -> memref<10000x128xf32, #tpu.memory_space<hbm>>
      %dma_wait3A_876 = tpu.memref_slice %arg12[%dma_wait3A_865] : memref<4x!tpu.dma_semaphore, #tpu.memory_space<semaphore_mem>> -> memref<1x!tpu.dma_semaphore, #tpu.memory_space<semaphore_mem>>
      %dma_wait3A_877 = tpu.memref_squeeze %dma_wait3A_876 : memref<1x!tpu.dma_semaphore, #tpu.memory_space<semaphore_mem>> -> memref<!tpu.dma_semaphore, #tpu.memory_space<semaphore_mem>>
      tpu.wait_indirect_dma semaphore(%dma_wait3A_877 : memref<!tpu.dma_semaphore, #tpu.memory_space<semaphore_mem>>) src(%dma_wait3A_875 : memref<10000x128xf32, #tpu.memory_space<hbm>>) dst(%dma_wait3A_869 : memref<64x128xf32, #tpu.memory_space<vmem>>)
      %dma_start3A_878 = arith.constant 1 : i32
      %dma_start3A_879 = arith.constant 5 : i32
      %dma_start3A_880 = arith.constant 1 : i32
      %dma_start3A_881 = arith.constant 0 : i32
      %dma_start3A_882 = arith.constant 0 : i32
      %dma_start3A_883 = tpu.memref_slice %arg9[%dma_start3A_878, %dma_start3A_881, %dma_start3A_882] : memref<4x64x128xf32, #tpu.memory_space<vmem>> -> memref<1x64x128xf32, #tpu.memory_space<vmem>>
      %dma_start3A_884 = tpu.memref_squeeze %dma_start3A_883 : memref<1x64x128xf32, #tpu.memory_space<vmem>> -> memref<64x128xf32, #tpu.memory_space<vmem>>
      %dma_start3A_885 = arith.constant 0 : i32
      %dma_start3A_886 = tpu.memref_slice %arg8[%select_n3A_544, %dma_start3A_879, %dma_start3A_885] : memref<5x8x64xi32, #tpu.memory_space<vmem>> -> memref<1x1x64xi32, #tpu.memory_space<vmem>>
      %dma_start3A_887 = tpu.memref_squeeze %dma_start3A_886 : memref<1x1x64xi32, #tpu.memory_space<vmem>> -> memref<64xi32, #tpu.memory_space<vmem>>
      %dma_start3A_888 = arith.constant 0 : i32
      %dma_start3A_889 = arith.constant 0 : i32
      %dma_start3A_890 = tpu.memref_slice %arg10[%dma_start3A_888, %dma_start3A_889] : memref<10240x128xf32, #tpu.memory_space<vmem_shared>> -> memref<10240x128xf32, #tpu.memory_space<vmem_shared>>
      %dma_start3A_891 = tpu.memref_slice %arg13[%dma_start3A_880] : memref<4x!tpu.dma_semaphore, #tpu.memory_space<semaphore_mem>> -> memref<1x!tpu.dma_semaphore, #tpu.memory_space<semaphore_mem>>
      %dma_start3A_892 = tpu.memref_squeeze %dma_start3A_891 : memref<1x!tpu.dma_semaphore, #tpu.memory_space<semaphore_mem>> -> memref<!tpu.dma_semaphore, #tpu.memory_space<semaphore_mem>>
      tpu.enqueue_indirect_dma source(%dma_start3A_884 : memref<64x128xf32, #tpu.memory_space<vmem>>) target(%dma_start3A_890 : memref<10240x128xf32, #tpu.memory_space<vmem_shared>>) offsets(%dma_start3A_887 : memref<64xi32, #tpu.memory_space<vmem>>) semaphore(%dma_start3A_892 : memref<!tpu.dma_semaphore, #tpu.memory_space<semaphore_mem>>) {add = true}
      %add3A_893 = arith.constant 1 : i32
      %add3A_894 = arith.addi %scan3A_535, %add3A_893 : i32
      %lt3A_895 = arith.constant 20 : i32
      %lt3A_896 = arith.cmpi slt, %add3A_894, %lt3A_895 : i32
      %convert_element_type3A_897 = arith.extui %lt3A_896 : i1 to i32
      %cond3A_898 = arith.constant 0 : i32
      %cond3A_899 = arith.cmpi ne, %convert_element_type3A_897, %cond3A_898 : i32
      scf.if %cond3A_899 {
        %dma_wait3A_976 = arith.constant 1 : i32
        %dma_wait3A_977 = arith.constant 0 : i32
        %dma_wait3A_978 = arith.constant 1 : i32
        %dma_wait3A_979 = arith.constant 0 : i32
        %dma_wait3A_980 = arith.constant 0 : i32
        %dma_wait3A_981 = tpu.memref_slice %arg9[%dma_wait3A_976, %dma_wait3A_979, %dma_wait3A_980] : memref<4x64x128xf32, #tpu.memory_space<vmem>> -> memref<1x64x128xf32, #tpu.memory_space<vmem>>
        %dma_wait3A_982 = tpu.memref_squeeze %dma_wait3A_981 : memref<1x64x128xf32, #tpu.memory_space<vmem>> -> memref<64x128xf32, #tpu.memory_space<vmem>>
        %dma_wait3A_983 = arith.constant 0 : i32
        %dma_wait3A_984 = tpu.memref_slice %arg8[%select_n3A_544, %dma_wait3A_977, %dma_wait3A_983] : memref<5x8x64xi32, #tpu.memory_space<vmem>> -> memref<1x1x64xi32, #tpu.memory_space<vmem>>
        %dma_wait3A_985 = tpu.memref_squeeze %dma_wait3A_984 : memref<1x1x64xi32, #tpu.memory_space<vmem>> -> memref<64xi32, #tpu.memory_space<vmem>>
        %dma_wait3A_986 = arith.constant 0 : i32
        %dma_wait3A_987 = arith.constant 0 : i32
        %dma_wait3A_988 = tpu.memref_slice %arg10[%dma_wait3A_986, %dma_wait3A_987] : memref<10240x128xf32, #tpu.memory_space<vmem_shared>> -> memref<10240x128xf32, #tpu.memory_space<vmem_shared>>
        %dma_wait3A_989 = tpu.memref_slice %arg13[%dma_wait3A_978] : memref<4x!tpu.dma_semaphore, #tpu.memory_space<semaphore_mem>> -> memref<1x!tpu.dma_semaphore, #tpu.memory_space<semaphore_mem>>
        %dma_wait3A_990 = tpu.memref_squeeze %dma_wait3A_989 : memref<1x!tpu.dma_semaphore, #tpu.memory_space<semaphore_mem>> -> memref<!tpu.dma_semaphore, #tpu.memory_space<semaphore_mem>>
        tpu.wait_indirect_dma semaphore(%dma_wait3A_990 : memref<!tpu.dma_semaphore, #tpu.memory_space<semaphore_mem>>) src(%dma_wait3A_982 : memref<64x128xf32, #tpu.memory_space<vmem>>) dst(%dma_wait3A_988 : memref<10240x128xf32, #tpu.memory_space<vmem_shared>>)
        %dma_start3A_991 = arith.constant 1 : i32
        %dma_start3A_992 = arith.constant 1 : i32
        %dma_start3A_993 = arith.constant 1 : i32
        %dma_start3A_994 = arith.constant 0 : i32
        %dma_start3A_995 = arith.constant 0 : i32
        %dma_start3A_996 = tpu.memref_slice %arg9[%dma_start3A_992, %dma_start3A_994, %dma_start3A_995] : memref<4x64x128xf32, #tpu.memory_space<vmem>> -> memref<1x64x128xf32, #tpu.memory_space<vmem>>
        %dma_start3A_997 = tpu.memref_squeeze %dma_start3A_996 : memref<1x64x128xf32, #tpu.memory_space<vmem>> -> memref<64x128xf32, #tpu.memory_space<vmem>>
        %dma_start3A_998 = arith.constant 0 : i32
        %dma_start3A_999 = tpu.memref_slice %arg7[%select_n3A_562, %dma_start3A_991, %dma_start3A_998] : memref<5x8x64xi32, #tpu.memory_space<vmem>> -> memref<1x1x64xi32, #tpu.memory_space<vmem>>
        %dma_start3A_1000 = tpu.memref_squeeze %dma_start3A_999 : memref<1x1x64xi32, #tpu.memory_space<vmem>> -> memref<64xi32, #tpu.memory_space<vmem>>
        %dma_start3A_1001 = arith.constant 0 : i32
        %dma_start3A_1002 = arith.constant 0 : i32
        %dma_start3A_1003 = tpu.memref_slice %arg2[%dma_start3A_1001, %dma_start3A_1002] : memref<10000x128xf32, #tpu.memory_space<hbm>> -> memref<10000x128xf32, #tpu.memory_space<hbm>>
        %dma_start3A_1004 = tpu.memref_slice %arg12[%dma_start3A_993] : memref<4x!tpu.dma_semaphore, #tpu.memory_space<semaphore_mem>> -> memref<1x!tpu.dma_semaphore, #tpu.memory_space<semaphore_mem>>
        %dma_start3A_1005 = tpu.memref_squeeze %dma_start3A_1004 : memref<1x!tpu.dma_semaphore, #tpu.memory_space<semaphore_mem>> -> memref<!tpu.dma_semaphore, #tpu.memory_space<semaphore_mem>>
        tpu.enqueue_indirect_dma source(%dma_start3A_1003 : memref<10000x128xf32, #tpu.memory_space<hbm>>) target(%dma_start3A_997 : memref<64x128xf32, #tpu.memory_space<vmem>>) offsets(%dma_start3A_1000 : memref<64xi32, #tpu.memory_space<vmem>>) semaphore(%dma_start3A_1005 : memref<!tpu.dma_semaphore, #tpu.memory_space<semaphore_mem>>)
      } else {
      }
      %dma_wait3A_900 = arith.constant 0 : i32
      %dma_wait3A_901 = arith.constant 0 : i32
      %dma_wait3A_902 = arith.constant 2 : i32
      %dma_wait3A_903 = arith.constant 2 : i32
      %dma_wait3A_904 = arith.constant 0 : i32
      %dma_wait3A_905 = arith.constant 0 : i32
      %dma_wait3A_906 = tpu.memref_slice %arg9[%dma_wait3A_902, %dma_wait3A_904, %dma_wait3A_905] : memref<4x64x128xf32, #tpu.memory_space<vmem>> -> memref<1x64x128xf32, #tpu.memory_space<vmem>>
      %dma_wait3A_907 = tpu.memref_squeeze %dma_wait3A_906 : memref<1x64x128xf32, #tpu.memory_space<vmem>> -> memref<64x128xf32, #tpu.memory_space<vmem>>
      %dma_wait3A_908 = arith.constant 0 : i32
      %dma_wait3A_909 = tpu.memref_slice %arg7[%dma_wait3A_900, %dma_wait3A_901, %dma_wait3A_908] : memref<5x8x64xi32, #tpu.memory_space<vmem>> -> memref<1x1x64xi32, #tpu.memory_space<vmem>>
      %dma_wait3A_910 = tpu.memref_squeeze %dma_wait3A_909 : memref<1x1x64xi32, #tpu.memory_space<vmem>> -> memref<64xi32, #tpu.memory_space<vmem>>
      %dma_wait3A_911 = arith.constant 0 : i32
      %dma_wait3A_912 = arith.constant 0 : i32
      %dma_wait3A_913 = tpu.memref_slice %arg2[%dma_wait3A_911, %dma_wait3A_912] : memref<10000x128xf32, #tpu.memory_space<hbm>> -> memref<10000x128xf32, #tpu.memory_space<hbm>>
      %dma_wait3A_914 = tpu.memref_slice %arg12[%dma_wait3A_903] : memref<4x!tpu.dma_semaphore, #tpu.memory_space<semaphore_mem>> -> memref<1x!tpu.dma_semaphore, #tpu.memory_space<semaphore_mem>>
      %dma_wait3A_915 = tpu.memref_squeeze %dma_wait3A_914 : memref<1x!tpu.dma_semaphore, #tpu.memory_space<semaphore_mem>> -> memref<!tpu.dma_semaphore, #tpu.memory_space<semaphore_mem>>
      tpu.wait_indirect_dma semaphore(%dma_wait3A_915 : memref<!tpu.dma_semaphore, #tpu.memory_space<semaphore_mem>>) src(%dma_wait3A_913 : memref<10000x128xf32, #tpu.memory_space<hbm>>) dst(%dma_wait3A_907 : memref<64x128xf32, #tpu.memory_space<vmem>>)
      %dma_start3A_916 = arith.constant 2 : i32
      %dma_start3A_917 = arith.constant 6 : i32
      %dma_start3A_918 = arith.constant 2 : i32
      %dma_start3A_919 = arith.constant 0 : i32
      %dma_start3A_920 = arith.constant 0 : i32
      %dma_start3A_921 = tpu.memref_slice %arg9[%dma_start3A_916, %dma_start3A_919, %dma_start3A_920] : memref<4x64x128xf32, #tpu.memory_space<vmem>> -> memref<1x64x128xf32, #tpu.memory_space<vmem>>
      %dma_start3A_922 = tpu.memref_squeeze %dma_start3A_921 : memref<1x64x128xf32, #tpu.memory_space<vmem>> -> memref<64x128xf32, #tpu.memory_space<vmem>>
      %dma_start3A_923 = arith.constant 0 : i32
      %dma_start3A_924 = tpu.memref_slice %arg8[%select_n3A_544, %dma_start3A_917, %dma_start3A_923] : memref<5x8x64xi32, #tpu.memory_space<vmem>> -> memref<1x1x64xi32, #tpu.memory_space<vmem>>
      %dma_start3A_925 = tpu.memref_squeeze %dma_start3A_924 : memref<1x1x64xi32, #tpu.memory_space<vmem>> -> memref<64xi32, #tpu.memory_space<vmem>>
      %dma_start3A_926 = arith.constant 0 : i32
      %dma_start3A_927 = arith.constant 0 : i32
      %dma_start3A_928 = tpu.memref_slice %arg10[%dma_start3A_926, %dma_start3A_927] : memref<10240x128xf32, #tpu.memory_space<vmem_shared>> -> memref<10240x128xf32, #tpu.memory_space<vmem_shared>>
      %dma_start3A_929 = tpu.memref_slice %arg13[%dma_start3A_918] : memref<4x!tpu.dma_semaphore, #tpu.memory_space<semaphore_mem>> -> memref<1x!tpu.dma_semaphore, #tpu.memory_space<semaphore_mem>>
      %dma_start3A_930 = tpu.memref_squeeze %dma_start3A_929 : memref<1x!tpu.dma_semaphore, #tpu.memory_space<semaphore_mem>> -> memref<!tpu.dma_semaphore, #tpu.memory_space<semaphore_mem>>
      tpu.enqueue_indirect_dma source(%dma_start3A_922 : memref<64x128xf32, #tpu.memory_space<vmem>>) target(%dma_start3A_928 : memref<10240x128xf32, #tpu.memory_space<vmem_shared>>) offsets(%dma_start3A_925 : memref<64xi32, #tpu.memory_space<vmem>>) semaphore(%dma_start3A_930 : memref<!tpu.dma_semaphore, #tpu.memory_space<semaphore_mem>>) {add = true}
      %add3A_931 = arith.constant 1 : i32
      %add3A_932 = arith.addi %scan3A_535, %add3A_931 : i32
      %lt3A_933 = arith.constant 20 : i32
      %lt3A_934 = arith.cmpi slt, %add3A_932, %lt3A_933 : i32
      %convert_element_type3A_935 = arith.extui %lt3A_934 : i1 to i32
      %cond3A_936 = arith.constant 0 : i32
      %cond3A_937 = arith.cmpi ne, %convert_element_type3A_935, %cond3A_936 : i32
      scf.if %cond3A_937 {
        %dma_wait3A_976 = arith.constant 2 : i32
        %dma_wait3A_977 = arith.constant 0 : i32
        %dma_wait3A_978 = arith.constant 2 : i32
        %dma_wait3A_979 = arith.constant 0 : i32
        %dma_wait3A_980 = arith.constant 0 : i32
        %dma_wait3A_981 = tpu.memref_slice %arg9[%dma_wait3A_976, %dma_wait3A_979, %dma_wait3A_980] : memref<4x64x128xf32, #tpu.memory_space<vmem>> -> memref<1x64x128xf32, #tpu.memory_space<vmem>>
        %dma_wait3A_982 = tpu.memref_squeeze %dma_wait3A_981 : memref<1x64x128xf32, #tpu.memory_space<vmem>> -> memref<64x128xf32, #tpu.memory_space<vmem>>
        %dma_wait3A_983 = arith.constant 0 : i32
        %dma_wait3A_984 = tpu.memref_slice %arg8[%select_n3A_544, %dma_wait3A_977, %dma_wait3A_983] : memref<5x8x64xi32, #tpu.memory_space<vmem>> -> memref<1x1x64xi32, #tpu.memory_space<vmem>>
        %dma_wait3A_985 = tpu.memref_squeeze %dma_wait3A_984 : memref<1x1x64xi32, #tpu.memory_space<vmem>> -> memref<64xi32, #tpu.memory_space<vmem>>
        %dma_wait3A_986 = arith.constant 0 : i32
        %dma_wait3A_987 = arith.constant 0 : i32
        %dma_wait3A_988 = tpu.memref_slice %arg10[%dma_wait3A_986, %dma_wait3A_987] : memref<10240x128xf32, #tpu.memory_space<vmem_shared>> -> memref<10240x128xf32, #tpu.memory_space<vmem_shared>>
        %dma_wait3A_989 = tpu.memref_slice %arg13[%dma_wait3A_978] : memref<4x!tpu.dma_semaphore, #tpu.memory_space<semaphore_mem>> -> memref<1x!tpu.dma_semaphore, #tpu.memory_space<semaphore_mem>>
        %dma_wait3A_990 = tpu.memref_squeeze %dma_wait3A_989 : memref<1x!tpu.dma_semaphore, #tpu.memory_space<semaphore_mem>> -> memref<!tpu.dma_semaphore, #tpu.memory_space<semaphore_mem>>
        tpu.wait_indirect_dma semaphore(%dma_wait3A_990 : memref<!tpu.dma_semaphore, #tpu.memory_space<semaphore_mem>>) src(%dma_wait3A_982 : memref<64x128xf32, #tpu.memory_space<vmem>>) dst(%dma_wait3A_988 : memref<10240x128xf32, #tpu.memory_space<vmem_shared>>)
        %dma_start3A_991 = arith.constant 2 : i32
        %dma_start3A_992 = arith.constant 2 : i32
        %dma_start3A_993 = arith.constant 2 : i32
        %dma_start3A_994 = arith.constant 0 : i32
        %dma_start3A_995 = arith.constant 0 : i32
        %dma_start3A_996 = tpu.memref_slice %arg9[%dma_start3A_992, %dma_start3A_994, %dma_start3A_995] : memref<4x64x128xf32, #tpu.memory_space<vmem>> -> memref<1x64x128xf32, #tpu.memory_space<vmem>>
        %dma_start3A_997 = tpu.memref_squeeze %dma_start3A_996 : memref<1x64x128xf32, #tpu.memory_space<vmem>> -> memref<64x128xf32, #tpu.memory_space<vmem>>
        %dma_start3A_998 = arith.constant 0 : i32
        %dma_start3A_999 = tpu.memref_slice %arg7[%select_n3A_562, %dma_start3A_991, %dma_start3A_998] : memref<5x8x64xi32, #tpu.memory_space<vmem>> -> memref<1x1x64xi32, #tpu.memory_space<vmem>>
        %dma_start3A_1000 = tpu.memref_squeeze %dma_start3A_999 : memref<1x1x64xi32, #tpu.memory_space<vmem>> -> memref<64xi32, #tpu.memory_space<vmem>>
        %dma_start3A_1001 = arith.constant 0 : i32
        %dma_start3A_1002 = arith.constant 0 : i32
        %dma_start3A_1003 = tpu.memref_slice %arg2[%dma_start3A_1001, %dma_start3A_1002] : memref<10000x128xf32, #tpu.memory_space<hbm>> -> memref<10000x128xf32, #tpu.memory_space<hbm>>
        %dma_start3A_1004 = tpu.memref_slice %arg12[%dma_start3A_993] : memref<4x!tpu.dma_semaphore, #tpu.memory_space<semaphore_mem>> -> memref<1x!tpu.dma_semaphore, #tpu.memory_space<semaphore_mem>>
        %dma_start3A_1005 = tpu.memref_squeeze %dma_start3A_1004 : memref<1x!tpu.dma_semaphore, #tpu.memory_space<semaphore_mem>> -> memref<!tpu.dma_semaphore, #tpu.memory_space<semaphore_mem>>
        tpu.enqueue_indirect_dma source(%dma_start3A_1003 : memref<10000x128xf32, #tpu.memory_space<hbm>>) target(%dma_start3A_997 : memref<64x128xf32, #tpu.memory_space<vmem>>) offsets(%dma_start3A_1000 : memref<64xi32, #tpu.memory_space<vmem>>) semaphore(%dma_start3A_1005 : memref<!tpu.dma_semaphore, #tpu.memory_space<semaphore_mem>>)
      } else {
      }
      %dma_wait3A_938 = arith.constant 0 : i32
      %dma_wait3A_939 = arith.constant 0 : i32
      %dma_wait3A_940 = arith.constant 3 : i32
      %dma_wait3A_941 = arith.constant 3 : i32
      %dma_wait3A_942 = arith.constant 0 : i32
      %dma_wait3A_943 = arith.constant 0 : i32
      %dma_wait3A_944 = tpu.memref_slice %arg9[%dma_wait3A_940, %dma_wait3A_942, %dma_wait3A_943] : memref<4x64x128xf32, #tpu.memory_space<vmem>> -> memref<1x64x128xf32, #tpu.memory_space<vmem>>
      %dma_wait3A_945 = tpu.memref_squeeze %dma_wait3A_944 : memref<1x64x128xf32, #tpu.memory_space<vmem>> -> memref<64x128xf32, #tpu.memory_space<vmem>>
      %dma_wait3A_946 = arith.constant 0 : i32
      %dma_wait3A_947 = tpu.memref_slice %arg7[%dma_wait3A_938, %dma_wait3A_939, %dma_wait3A_946] : memref<5x8x64xi32, #tpu.memory_space<vmem>> -> memref<1x1x64xi32, #tpu.memory_space<vmem>>
      %dma_wait3A_948 = tpu.memref_squeeze %dma_wait3A_947 : memref<1x1x64xi32, #tpu.memory_space<vmem>> -> memref<64xi32, #tpu.memory_space<vmem>>
      %dma_wait3A_949 = arith.constant 0 : i32
      %dma_wait3A_950 = arith.constant 0 : i32
      %dma_wait3A_951 = tpu.memref_slice %arg2[%dma_wait3A_949, %dma_wait3A_950] : memref<10000x128xf32, #tpu.memory_space<hbm>> -> memref<10000x128xf32, #tpu.memory_space<hbm>>
      %dma_wait3A_952 = tpu.memref_slice %arg12[%dma_wait3A_941] : memref<4x!tpu.dma_semaphore, #tpu.memory_space<semaphore_mem>> -> memref<1x!tpu.dma_semaphore, #tpu.memory_space<semaphore_mem>>
      %dma_wait3A_953 = tpu.memref_squeeze %dma_wait3A_952 : memref<1x!tpu.dma_semaphore, #tpu.memory_space<semaphore_mem>> -> memref<!tpu.dma_semaphore, #tpu.memory_space<semaphore_mem>>
      tpu.wait_indirect_dma semaphore(%dma_wait3A_953 : memref<!tpu.dma_semaphore, #tpu.memory_space<semaphore_mem>>) src(%dma_wait3A_951 : memref<10000x128xf32, #tpu.memory_space<hbm>>) dst(%dma_wait3A_945 : memref<64x128xf32, #tpu.memory_space<vmem>>)
      %dma_start3A_954 = arith.constant 3 : i32
      %dma_start3A_955 = arith.constant 7 : i32
      %dma_start3A_956 = arith.constant 3 : i32
      %dma_start3A_957 = arith.constant 0 : i32
      %dma_start3A_958 = arith.constant 0 : i32
      %dma_start3A_959 = tpu.memref_slice %arg9[%dma_start3A_954, %dma_start3A_957, %dma_start3A_958] : memref<4x64x128xf32, #tpu.memory_space<vmem>> -> memref<1x64x128xf32, #tpu.memory_space<vmem>>
      %dma_start3A_960 = tpu.memref_squeeze %dma_start3A_959 : memref<1x64x128xf32, #tpu.memory_space<vmem>> -> memref<64x128xf32, #tpu.memory_space<vmem>>
      %dma_start3A_961 = arith.constant 0 : i32
      %dma_start3A_962 = tpu.memref_slice %arg8[%select_n3A_544, %dma_start3A_955, %dma_start3A_961] : memref<5x8x64xi32, #tpu.memory_space<vmem>> -> memref<1x1x64xi32, #tpu.memory_space<vmem>>
      %dma_start3A_963 = tpu.memref_squeeze %dma_start3A_962 : memref<1x1x64xi32, #tpu.memory_space<vmem>> -> memref<64xi32, #tpu.memory_space<vmem>>
      %dma_start3A_964 = arith.constant 0 : i32
      %dma_start3A_965 = arith.constant 0 : i32
      %dma_start3A_966 = tpu.memref_slice %arg10[%dma_start3A_964, %dma_start3A_965] : memref<10240x128xf32, #tpu.memory_space<vmem_shared>> -> memref<10240x128xf32, #tpu.memory_space<vmem_shared>>
      %dma_start3A_967 = tpu.memref_slice %arg13[%dma_start3A_956] : memref<4x!tpu.dma_semaphore, #tpu.memory_space<semaphore_mem>> -> memref<1x!tpu.dma_semaphore, #tpu.memory_space<semaphore_mem>>
      %dma_start3A_968 = tpu.memref_squeeze %dma_start3A_967 : memref<1x!tpu.dma_semaphore, #tpu.memory_space<semaphore_mem>> -> memref<!tpu.dma_semaphore, #tpu.memory_space<semaphore_mem>>
      tpu.enqueue_indirect_dma source(%dma_start3A_960 : memref<64x128xf32, #tpu.memory_space<vmem>>) target(%dma_start3A_966 : memref<10240x128xf32, #tpu.memory_space<vmem_shared>>) offsets(%dma_start3A_963 : memref<64xi32, #tpu.memory_space<vmem>>) semaphore(%dma_start3A_968 : memref<!tpu.dma_semaphore, #tpu.memory_space<semaphore_mem>>) {add = true}
      %add3A_969 = arith.constant 4 : i32
      %add3A_970 = arith.addi %scan3A_535, %add3A_969 : i32
      %lt3A_971 = arith.constant 20 : i32
      %lt3A_972 = arith.cmpi slt, %add3A_970, %lt3A_971 : i32
      %convert_element_type3A_973 = arith.extui %lt3A_972 : i1 to i32
      %cond3A_974 = arith.constant 0 : i32
      %cond3A_975 = arith.cmpi ne, %convert_element_type3A_973, %cond3A_974 : i32
      scf.if %cond3A_975 {
        %add3A_976 = arith.constant 4 : i32
        %add3A_977 = arith.addi %scan3A_535, %add3A_976 : i32
        %mul3A_978 = arith.constant 8 : i32
        %mul3A_979 = arith.muli %add3A_977, %mul3A_978 : i32
        %add3A_980 = arith.addi %mul3A_2, %mul3A_979 : i32
        %add3A_981 = arith.constant 4 : i32
        %add3A_982 = arith.addi %scan3A_535, %add3A_981 : i32
        %jit3A_983 = arith.constant 5 : i32
        %eq3A_984 = arith.constant 0 : i32
        %eq3A_985 = arith.cmpi eq, %jit3A_983, %eq3A_984 : i32
        %jit3A_986 = arith.constant 1 : i32
        %select_n3A_987 = arith.select %eq3A_985, %jit3A_986, %jit3A_983 : i32
        %rem3A_988 = arith.remsi %add3A_982, %select_n3A_987 : i32
        %ne3A_989 = arith.constant 0 : i32
        %ne3A_990 = arith.cmpi ne, %rem3A_988, %ne3A_989 : i32
        %lt3A_991 = arith.constant 0 : i32
        %lt3A_992 = arith.cmpi slt, %rem3A_988, %lt3A_991 : i32
        %lt3A_993 = arith.constant 0 : i32
        %lt3A_994 = arith.cmpi slt, %select_n3A_987, %lt3A_993 : i32
        %ne3A_995 = arith.xori %lt3A_992, %lt3A_994 : i1
        %and3A_996 = arith.andi %ne3A_995, %ne3A_990 : i1
        %add3A_997 = arith.addi %rem3A_988, %select_n3A_987 : i32
        %select_n3A_998 = arith.select %and3A_996, %add3A_997, %rem3A_988 : i32
        %dma_start3A_999 = arith.constant 0 : i32
        %dma_start3A_1000 = arith.constant 0 : i32
        %dma_start3A_1001 = tpu.memref_slice %arg7[%select_n3A_998, %dma_start3A_999, %dma_start3A_1000] : memref<5x8x64xi32, #tpu.memory_space<vmem>> -> memref<1x8x64xi32, #tpu.memory_space<vmem>>
        %dma_start3A_1002 = tpu.memref_squeeze %dma_start3A_1001 : memref<1x8x64xi32, #tpu.memory_space<vmem>> -> memref<8x64xi32, #tpu.memory_space<vmem>>
        %dma_start3A_1003 = arith.constant 0 : i32
        %dma_start3A_1004 = tpu.memref_slice %arg3[%add3A_980, %dma_start3A_1003] : memref<5120x64xi32, #tpu.memory_space<hbm>> -> memref<8x64xi32, #tpu.memory_space<hbm>>
        %dma_start3A_1005 = arith.constant 0 : i32
        %dma_start3A_1006 = arith.constant 0 : i32
        %dma_start3A_1007 = tpu.memref_slice %arg7[%select_n3A_998, %dma_start3A_1005, %dma_start3A_1006] : memref<5x8x64xi32, #tpu.memory_space<vmem>> -> memref<1x8x64xi32, #tpu.memory_space<vmem>>
        %dma_start3A_1008 = tpu.memref_squeeze %dma_start3A_1007 : memref<1x8x64xi32, #tpu.memory_space<vmem>> -> memref<8x64xi32, #tpu.memory_space<vmem>>
        %dma_start3A_1009 = arith.constant 0 : i32
        %dma_start3A_1010 = tpu.memref_slice %arg3[%add3A_980, %dma_start3A_1009] : memref<5120x64xi32, #tpu.memory_space<hbm>> -> memref<8x64xi32, #tpu.memory_space<hbm>>
        tpu.enqueue_dma source(%dma_start3A_1010 : memref<8x64xi32, #tpu.memory_space<hbm>>) target(%dma_start3A_1008 : memref<8x64xi32, #tpu.memory_space<vmem>>) target_semaphore(%arg11 : memref<!tpu.dma_semaphore, #tpu.memory_space<semaphore_mem>>)
        %add3A_1011 = arith.constant 4 : i32
        %add3A_1012 = arith.addi %scan3A_535, %add3A_1011 : i32
        %mul3A_1013 = arith.constant 8 : i32
        %mul3A_1014 = arith.muli %add3A_1012, %mul3A_1013 : i32
        %add3A_1015 = arith.addi %mul3A_2, %mul3A_1014 : i32
        %add3A_1016 = arith.constant 4 : i32
        %add3A_1017 = arith.addi %scan3A_535, %add3A_1016 : i32
        %jit3A_1018 = arith.constant 5 : i32
        %eq3A_1019 = arith.constant 0 : i32
        %eq3A_1020 = arith.cmpi eq, %jit3A_1018, %eq3A_1019 : i32
        %jit3A_1021 = arith.constant 1 : i32
        %select_n3A_1022 = arith.select %eq3A_1020, %jit3A_1021, %jit3A_1018 : i32
        %rem3A_1023 = arith.remsi %add3A_1017, %select_n3A_1022 : i32
        %ne3A_1024 = arith.constant 0 : i32
        %ne3A_1025 = arith.cmpi ne, %rem3A_1023, %ne3A_1024 : i32
        %lt3A_1026 = arith.constant 0 : i32
        %lt3A_1027 = arith.cmpi slt, %rem3A_1023, %lt3A_1026 : i32
        %lt3A_1028 = arith.constant 0 : i32
        %lt3A_1029 = arith.cmpi slt, %select_n3A_1022, %lt3A_1028 : i32
        %ne3A_1030 = arith.xori %lt3A_1027, %lt3A_1029 : i1
        %and3A_1031 = arith.andi %ne3A_1030, %ne3A_1025 : i1
        %add3A_1032 = arith.addi %rem3A_1023, %select_n3A_1022 : i32
        %select_n3A_1033 = arith.select %and3A_1031, %add3A_1032, %rem3A_1023 : i32
        %dma_start3A_1034 = arith.constant 0 : i32
        %dma_start3A_1035 = arith.constant 0 : i32
        %dma_start3A_1036 = tpu.memref_slice %arg8[%select_n3A_1033, %dma_start3A_1034, %dma_start3A_1035] : memref<5x8x64xi32, #tpu.memory_space<vmem>> -> memref<1x8x64xi32, #tpu.memory_space<vmem>>
        %dma_start3A_1037 = tpu.memref_squeeze %dma_start3A_1036 : memref<1x8x64xi32, #tpu.memory_space<vmem>> -> memref<8x64xi32, #tpu.memory_space<vmem>>
        %dma_start3A_1038 = arith.constant 0 : i32
        %dma_start3A_1039 = tpu.memref_slice %arg4[%add3A_1015, %dma_start3A_1038] : memref<5120x64xi32, #tpu.memory_space<hbm>> -> memref<8x64xi32, #tpu.memory_space<hbm>>
        %dma_start3A_1040 = arith.constant 0 : i32
        %dma_start3A_1041 = arith.constant 0 : i32
        %dma_start3A_1042 = tpu.memref_slice %arg8[%select_n3A_1033, %dma_start3A_1040, %dma_start3A_1041] : memref<5x8x64xi32, #tpu.memory_space<vmem>> -> memref<1x8x64xi32, #tpu.memory_space<vmem>>
        %dma_start3A_1043 = tpu.memref_squeeze %dma_start3A_1042 : memref<1x8x64xi32, #tpu.memory_space<vmem>> -> memref<8x64xi32, #tpu.memory_space<vmem>>
        %dma_start3A_1044 = arith.constant 0 : i32
        %dma_start3A_1045 = tpu.memref_slice %arg4[%add3A_1015, %dma_start3A_1044] : memref<5120x64xi32, #tpu.memory_space<hbm>> -> memref<8x64xi32, #tpu.memory_space<hbm>>
        tpu.enqueue_dma source(%dma_start3A_1045 : memref<8x64xi32, #tpu.memory_space<hbm>>) target(%dma_start3A_1043 : memref<8x64xi32, #tpu.memory_space<vmem>>) target_semaphore(%arg11 : memref<!tpu.dma_semaphore, #tpu.memory_space<semaphore_mem>>)
      } else {
      }
    }
    %scan3A_465 = arith.constant 20 : i32
    %dma_wait3A_466 = arith.constant 0 : i32
    %dma_wait3A_467 = arith.constant 0 : i32
    %dma_wait3A_468 = arith.constant 0 : i32
    %dma_wait3A_469 = arith.constant 0 : i32
    %dma_wait3A_470 = arith.constant 0 : i32
    %dma_wait3A_471 = arith.constant 0 : i32
    %dma_wait3A_472 = tpu.memref_slice %arg9[%dma_wait3A_466, %dma_wait3A_470, %dma_wait3A_471] : memref<4x64x128xf32, #tpu.memory_space<vmem>> -> memref<1x64x128xf32, #tpu.memory_space<vmem>>
    %dma_wait3A_473 = tpu.memref_squeeze %dma_wait3A_472 : memref<1x64x128xf32, #tpu.memory_space<vmem>> -> memref<64x128xf32, #tpu.memory_space<vmem>>
    %dma_wait3A_474 = arith.constant 0 : i32
    %dma_wait3A_475 = tpu.memref_slice %arg8[%dma_wait3A_467, %dma_wait3A_468, %dma_wait3A_474] : memref<5x8x64xi32, #tpu.memory_space<vmem>> -> memref<1x1x64xi32, #tpu.memory_space<vmem>>
    %dma_wait3A_476 = tpu.memref_squeeze %dma_wait3A_475 : memref<1x1x64xi32, #tpu.memory_space<vmem>> -> memref<64xi32, #tpu.memory_space<vmem>>
    %dma_wait3A_477 = arith.constant 0 : i32
    %dma_wait3A_478 = arith.constant 0 : i32
    %dma_wait3A_479 = tpu.memref_slice %arg10[%dma_wait3A_477, %dma_wait3A_478] : memref<10240x128xf32, #tpu.memory_space<vmem_shared>> -> memref<10240x128xf32, #tpu.memory_space<vmem_shared>>
    %dma_wait3A_480 = tpu.memref_slice %arg13[%dma_wait3A_469] : memref<4x!tpu.dma_semaphore, #tpu.memory_space<semaphore_mem>> -> memref<1x!tpu.dma_semaphore, #tpu.memory_space<semaphore_mem>>
    %dma_wait3A_481 = tpu.memref_squeeze %dma_wait3A_480 : memref<1x!tpu.dma_semaphore, #tpu.memory_space<semaphore_mem>> -> memref<!tpu.dma_semaphore, #tpu.memory_space<semaphore_mem>>
    tpu.wait_indirect_dma semaphore(%dma_wait3A_481 : memref<!tpu.dma_semaphore, #tpu.memory_space<semaphore_mem>>) src(%dma_wait3A_473 : memref<64x128xf32, #tpu.memory_space<vmem>>) dst(%dma_wait3A_479 : memref<10240x128xf32, #tpu.memory_space<vmem_shared>>)
    %dma_wait3A_482 = arith.constant 1 : i32
    %dma_wait3A_483 = arith.constant 0 : i32
    %dma_wait3A_484 = arith.constant 0 : i32
    %dma_wait3A_485 = arith.constant 1 : i32
    %dma_wait3A_486 = arith.constant 0 : i32
    %dma_wait3A_487 = arith.constant 0 : i32
    %dma_wait3A_488 = tpu.memref_slice %arg9[%dma_wait3A_482, %dma_wait3A_486, %dma_wait3A_487] : memref<4x64x128xf32, #tpu.memory_space<vmem>> -> memref<1x64x128xf32, #tpu.memory_space<vmem>>
    %dma_wait3A_489 = tpu.memref_squeeze %dma_wait3A_488 : memref<1x64x128xf32, #tpu.memory_space<vmem>> -> memref<64x128xf32, #tpu.memory_space<vmem>>
    %dma_wait3A_490 = arith.constant 0 : i32
    %dma_wait3A_491 = tpu.memref_slice %arg8[%dma_wait3A_483, %dma_wait3A_484, %dma_wait3A_490] : memref<5x8x64xi32, #tpu.memory_space<vmem>> -> memref<1x1x64xi32, #tpu.memory_space<vmem>>
    %dma_wait3A_492 = tpu.memref_squeeze %dma_wait3A_491 : memref<1x1x64xi32, #tpu.memory_space<vmem>> -> memref<64xi32, #tpu.memory_space<vmem>>
    %dma_wait3A_493 = arith.constant 0 : i32
    %dma_wait3A_494 = arith.constant 0 : i32
    %dma_wait3A_495 = tpu.memref_slice %arg10[%dma_wait3A_493, %dma_wait3A_494] : memref<10240x128xf32, #tpu.memory_space<vmem_shared>> -> memref<10240x128xf32, #tpu.memory_space<vmem_shared>>
    %dma_wait3A_496 = tpu.memref_slice %arg13[%dma_wait3A_485] : memref<4x!tpu.dma_semaphore, #tpu.memory_space<semaphore_mem>> -> memref<1x!tpu.dma_semaphore, #tpu.memory_space<semaphore_mem>>
    %dma_wait3A_497 = tpu.memref_squeeze %dma_wait3A_496 : memref<1x!tpu.dma_semaphore, #tpu.memory_space<semaphore_mem>> -> memref<!tpu.dma_semaphore, #tpu.memory_space<semaphore_mem>>
    tpu.wait_indirect_dma semaphore(%dma_wait3A_497 : memref<!tpu.dma_semaphore, #tpu.memory_space<semaphore_mem>>) src(%dma_wait3A_489 : memref<64x128xf32, #tpu.memory_space<vmem>>) dst(%dma_wait3A_495 : memref<10240x128xf32, #tpu.memory_space<vmem_shared>>)
    %dma_wait3A_498 = arith.constant 2 : i32
    %dma_wait3A_499 = arith.constant 0 : i32
    %dma_wait3A_500 = arith.constant 0 : i32
    %dma_wait3A_501 = arith.constant 2 : i32
    %dma_wait3A_502 = arith.constant 0 : i32
    %dma_wait3A_503 = arith.constant 0 : i32
    %dma_wait3A_504 = tpu.memref_slice %arg9[%dma_wait3A_498, %dma_wait3A_502, %dma_wait3A_503] : memref<4x64x128xf32, #tpu.memory_space<vmem>> -> memref<1x64x128xf32, #tpu.memory_space<vmem>>
    %dma_wait3A_505 = tpu.memref_squeeze %dma_wait3A_504 : memref<1x64x128xf32, #tpu.memory_space<vmem>> -> memref<64x128xf32, #tpu.memory_space<vmem>>
    %dma_wait3A_506 = arith.constant 0 : i32
    %dma_wait3A_507 = tpu.memref_slice %arg8[%dma_wait3A_499, %dma_wait3A_500, %dma_wait3A_506] : memref<5x8x64xi32, #tpu.memory_space<vmem>> -> memref<1x1x64xi32, #tpu.memory_space<vmem>>
    %dma_wait3A_508 = tpu.memref_squeeze %dma_wait3A_507 : memref<1x1x64xi32, #tpu.memory_space<vmem>> -> memref<64xi32, #tpu.memory_space<vmem>>
    %dma_wait3A_509 = arith.constant 0 : i32
    %dma_wait3A_510 = arith.constant 0 : i32
    %dma_wait3A_511 = tpu.memref_slice %arg10[%dma_wait3A_509, %dma_wait3A_510] : memref<10240x128xf32, #tpu.memory_space<vmem_shared>> -> memref<10240x128xf32, #tpu.memory_space<vmem_shared>>
    %dma_wait3A_512 = tpu.memref_slice %arg13[%dma_wait3A_501] : memref<4x!tpu.dma_semaphore, #tpu.memory_space<semaphore_mem>> -> memref<1x!tpu.dma_semaphore, #tpu.memory_space<semaphore_mem>>
    %dma_wait3A_513 = tpu.memref_squeeze %dma_wait3A_512 : memref<1x!tpu.dma_semaphore, #tpu.memory_space<semaphore_mem>> -> memref<!tpu.dma_semaphore, #tpu.memory_space<semaphore_mem>>
    tpu.wait_indirect_dma semaphore(%dma_wait3A_513 : memref<!tpu.dma_semaphore, #tpu.memory_space<semaphore_mem>>) src(%dma_wait3A_505 : memref<64x128xf32, #tpu.memory_space<vmem>>) dst(%dma_wait3A_511 : memref<10240x128xf32, #tpu.memory_space<vmem_shared>>)
    %dma_wait3A_514 = arith.constant 3 : i32
    %dma_wait3A_515 = arith.constant 0 : i32
    %dma_wait3A_516 = arith.constant 0 : i32
    %dma_wait3A_517 = arith.constant 3 : i32
    %dma_wait3A_518 = arith.constant 0 : i32
    %dma_wait3A_519 = arith.constant 0 : i32
    %dma_wait3A_520 = tpu.memref_slice %arg9[%dma_wait3A_514, %dma_wait3A_518, %dma_wait3A_519] : memref<4x64x128xf32, #tpu.memory_space<vmem>> -> memref<1x64x128xf32, #tpu.memory_space<vmem>>
    %dma_wait3A_521 = tpu.memref_squeeze %dma_wait3A_520 : memref<1x64x128xf32, #tpu.memory_space<vmem>> -> memref<64x128xf32, #tpu.memory_space<vmem>>
    %dma_wait3A_522 = arith.constant 0 : i32
    %dma_wait3A_523 = tpu.memref_slice %arg8[%dma_wait3A_515, %dma_wait3A_516, %dma_wait3A_522] : memref<5x8x64xi32, #tpu.memory_space<vmem>> -> memref<1x1x64xi32, #tpu.memory_space<vmem>>
    %dma_wait3A_524 = tpu.memref_squeeze %dma_wait3A_523 : memref<1x1x64xi32, #tpu.memory_space<vmem>> -> memref<64xi32, #tpu.memory_space<vmem>>
    %dma_wait3A_525 = arith.constant 0 : i32
    %dma_wait3A_526 = arith.constant 0 : i32
    %dma_wait3A_527 = tpu.memref_slice %arg10[%dma_wait3A_525, %dma_wait3A_526] : memref<10240x128xf32, #tpu.memory_space<vmem_shared>> -> memref<10240x128xf32, #tpu.memory_space<vmem_shared>>
    %dma_wait3A_528 = tpu.memref_slice %arg13[%dma_wait3A_517] : memref<4x!tpu.dma_semaphore, #tpu.memory_space<semaphore_mem>> -> memref<1x!tpu.dma_semaphore, #tpu.memory_space<semaphore_mem>>
    %dma_wait3A_529 = tpu.memref_squeeze %dma_wait3A_528 : memref<1x!tpu.dma_semaphore, #tpu.memory_space<semaphore_mem>> -> memref<!tpu.dma_semaphore, #tpu.memory_space<semaphore_mem>>
    tpu.wait_indirect_dma semaphore(%dma_wait3A_529 : memref<!tpu.dma_semaphore, #tpu.memory_space<semaphore_mem>>) src(%dma_wait3A_521 : memref<64x128xf32, #tpu.memory_space<vmem>>) dst(%dma_wait3A_527 : memref<10240x128xf32, #tpu.memory_space<vmem_shared>>)
    %barrier3A_530 = arith.constant 0 : index
    tpu.barrier barrier_id(%barrier3A_530)
    %mul3A_531 = arith.constant 640 : i32
    %mul3A_532 = arith.muli %arg1, %mul3A_531 : i32
    %mul3A_533 = arith.constant 640 : i32
    %mul3A_534 = arith.muli %arg1, %mul3A_533 : i32
    "tpu.region"() ({
      %run_scoped3A_535 = tpu.sem_alloc : memref<!tpu.dma_semaphore, #tpu.memory_space<semaphore_mem>>
      %dma_start3A_536 = arith.constant 0 : i32
      %dma_start3A_537 = tpu.memref_slice %arg6[%arg0, %mul3A_534, %dma_start3A_536] : memref<2x10240x128xf32, #tpu.memory_space<hbm>> -> memref<1x640x128xf32, #tpu.memory_space<hbm>>
      %dma_start3A_538 = tpu.memref_squeeze %dma_start3A_537 : memref<1x640x128xf32, #tpu.memory_space<hbm>> -> memref<640x128xf32, #tpu.memory_space<hbm>>
      %dma_start3A_539 = arith.constant 0 : i32
      %dma_start3A_540 = tpu.memref_slice %arg10[%mul3A_532, %dma_start3A_539] : memref<10240x128xf32, #tpu.memory_space<vmem_shared>> -> memref<640x128xf32, #tpu.memory_space<vmem_shared>>
      tpu.enqueue_dma source(%dma_start3A_540 : memref<640x128xf32, #tpu.memory_space<vmem_shared>>) target(%dma_start3A_538 : memref<640x128xf32, #tpu.memory_space<hbm>>) target_semaphore(%run_scoped3A_535 : memref<!tpu.dma_semaphore, #tpu.memory_space<semaphore_mem>>)
      %dma_wait3A_541 = arith.constant 0 : i32
      %dma_wait3A_542 = tpu.memref_slice %arg6[%arg0, %mul3A_534, %dma_wait3A_541] : memref<2x10240x128xf32, #tpu.memory_space<hbm>> -> memref<1x640x128xf32, #tpu.memory_space<hbm>>
      %dma_wait3A_543 = tpu.memref_squeeze %dma_wait3A_542 : memref<1x640x128xf32, #tpu.memory_space<hbm>> -> memref<640x128xf32, #tpu.memory_space<hbm>>
      %dma_wait3A_544 = arith.constant 0 : i32
      %dma_wait3A_545 = tpu.memref_slice %arg10[%mul3A_532, %dma_wait3A_544] : memref<10240x128xf32, #tpu.memory_space<vmem_shared>> -> memref<640x128xf32, #tpu.memory_space<vmem_shared>>
      tpu.wait_dma2 semaphore(%run_scoped3A_535 : memref<!tpu.dma_semaphore, #tpu.memory_space<semaphore_mem>>) src(%dma_wait3A_545 : memref<640x128xf32, #tpu.memory_space<vmem_shared>>) dst(%dma_wait3A_543 : memref<640x128xf32, #tpu.memory_space<hbm>>)
      tpu.yield
    }) : () -> ()
    return
  }
}

module attributes {stable_mosaic.version = 14 : i64} {
  func.func @_mlp_body(%arg0: i32, %arg1: memref<1xf32, #tpu.memory_space<smem>>, %arg2: memref<2000x128xf32, #tpu.memory_space<vmem>>, %arg3: memref<2x2000x128xf32, #tpu.memory_space<vmem>>, %arg4: memref<128x128xf32, #tpu.memory_space<vmem>>, %arg5: memref<1x128xf32, #tpu.memory_space<vmem>>, %arg6: memref<128x128xf32, #tpu.memory_space<vmem>>, %arg7: memref<1x128xf32, #tpu.memory_space<vmem>>, %arg8: memref<2000x128xf32, #tpu.memory_space<vmem>>) attributes {dimension_semantics = [#tpu.dimension_semantics<arbitrary>], iteration_bounds = array<i64: 5>, scalar_prefetch = 0 : i64, scratch_operands = 0 : i64, tpu.core_type = #tpu.core_type<tc>, window_params = [{transform_indices = @transform_0, window_bounds = array<i64: 1>}, {transform_indices = @transform_1, window_bounds = array<i64: 2000, 128>}, {transform_indices = @transform_2, window_bounds = array<i64: 2, 2000, 128>}, {pipeline_mode = #tpu.pipeline_mode<synchronous>, transform_indices = @transform_3, window_bounds = array<i64: 128, 128>}, {pipeline_mode = #tpu.pipeline_mode<synchronous>, transform_indices = @transform_4, window_bounds = array<i64: 1, 128>}, {pipeline_mode = #tpu.pipeline_mode<synchronous>, transform_indices = @transform_5, window_bounds = array<i64: 128, 128>}, {pipeline_mode = #tpu.pipeline_mode<synchronous>, transform_indices = @transform_6, window_bounds = array<i64: 1, 128>}, {transform_indices = @transform_7, window_bounds = array<i64: 2000, 128>}]} {
    %get3A = arith.constant 0 : index
    %get3A_0 = memref.load %arg1[%get3A] : memref<1xf32, #tpu.memory_space<smem>>
    %add3A = arith.constant 1.000000e+00 : f32
    %add3A_1 = arith.addf %add3A, %get3A_0 : f32
    %get3A_2 = arith.constant 0 : index
    %get3A_3 = arith.constant 0 : index
    %get3A_4 = vector.load %arg2[%get3A_2, %get3A_3] : memref<2000x128xf32, #tpu.memory_space<vmem>>, vector<2000x128xf32>
    %mul3A = vector.broadcast %add3A_1 : f32 to vector<2000x128xf32>
    %mul3A_5 = arith.mulf %mul3A, %get3A_4 : vector<2000x128xf32>
    %get3A_6 = arith.constant 0 : index
    %get3A_7 = arith.constant 0 : index
    %get3A_8 = arith.constant 0 : index
    %get3A_9 = vector.load %arg3[%get3A_6, %get3A_7, %get3A_8] : memref<2x2000x128xf32, #tpu.memory_space<vmem>>, vector<1x2000x128xf32>
    %get3A_10 = vector.shape_cast %get3A_9 : vector<1x2000x128xf32> to vector<2000x128xf32>
    %add3A_11 = arith.addf %mul3A_5, %get3A_10 : vector<2000x128xf32>
    %get3A_12 = arith.constant 1 : index
    %get3A_13 = arith.constant 0 : index
    %get3A_14 = arith.constant 0 : index
    %get3A_15 = vector.load %arg3[%get3A_12, %get3A_13, %get3A_14] : memref<2x2000x128xf32, #tpu.memory_space<vmem>>, vector<1x2000x128xf32>
    %get3A_16 = vector.shape_cast %get3A_15 : vector<1x2000x128xf32> to vector<2000x128xf32>
    %add3A_17 = arith.addf %add3A_11, %get3A_16 : vector<2000x128xf32>
    %get3A_18 = arith.constant 0 : index
    %get3A_19 = arith.constant 0 : index
    %get3A_20 = vector.load %arg4[%get3A_18, %get3A_19] : memref<128x128xf32, #tpu.memory_space<vmem>>, vector<128x128xf32>
    %dot_general3A = arith.constant dense<0.000000e+00> : vector<2000x128xf32>
    %dot_general3A_21 = tpu.matmul %add3A_17, %get3A_20, %dot_general3A {dimension_numbers = #tpu.dot_dimension_numbers<[1], [1], [0], [0], [0, 0, 1, 0], [], []>, transpose_lhs_hint = false} : vector<2000x128xf32>, vector<128x128xf32>, vector<2000x128xf32> -> vector<2000x128xf32>
    %get3A_22 = arith.constant 0 : index
    %get3A_23 = arith.constant 0 : index
    %get3A_24 = vector.load %arg5[%get3A_22, %get3A_23] : memref<1x128xf32, #tpu.memory_space<vmem>>, vector<1x128xf32>
    %add3A_25 = vector.broadcast %get3A_24 : vector<1x128xf32> to vector<2000x128xf32>
    %add3A_26 = arith.addf %dot_general3A_21, %add3A_25 : vector<2000x128xf32>
    %max3A = arith.constant 0.000000e+00 : f32
    %max3A_27 = vector.broadcast %max3A : f32 to vector<2000x128xf32>
    %max3A_28 = arith.maximumf %add3A_26, %max3A_27 : vector<2000x128xf32>
    %get3A_29 = arith.constant 0 : index
    %get3A_30 = arith.constant 0 : index
    %get3A_31 = vector.load %arg6[%get3A_29, %get3A_30] : memref<128x128xf32, #tpu.memory_space<vmem>>, vector<128x128xf32>
    %dot_general3A_32 = arith.constant dense<0.000000e+00> : vector<2000x128xf32>
    %dot_general3A_33 = tpu.matmul %max3A_28, %get3A_31, %dot_general3A_32 {dimension_numbers = #tpu.dot_dimension_numbers<[1], [1], [0], [0], [0, 0, 1, 0], [], []>, transpose_lhs_hint = false} : vector<2000x128xf32>, vector<128x128xf32>, vector<2000x128xf32> -> vector<2000x128xf32>
    %get3A_34 = arith.constant 0 : index
    %get3A_35 = arith.constant 0 : index
    %get3A_36 = vector.load %arg7[%get3A_34, %get3A_35] : memref<1x128xf32, #tpu.memory_space<vmem>>, vector<1x128xf32>
    %add3A_37 = vector.broadcast %get3A_36 : vector<1x128xf32> to vector<2000x128xf32>
    %add3A_38 = arith.addf %dot_general3A_33, %add3A_37 : vector<2000x128xf32>
    %swap3A = arith.constant 0 : index
    %swap3A_39 = arith.constant 0 : index
    %swap3A_40 = vector.load %arg8[%swap3A, %swap3A_39] : memref<2000x128xf32, #tpu.memory_space<vmem>>, vector<2000x128xf32>
    tpu.vector_store %arg8[%swap3A, %swap3A_39], %add3A_38 {strides = array<i32>} : memref<2000x128xf32, #tpu.memory_space<vmem>>, vector<2000x128xf32>,
    return
  }
  func.func @transform_0(%arg0: i32) -> i32 {
    %c0_i32 = arith.constant 0 : i32
    %c0_i32_0 = arith.constant 0 : i32
    return %c0_i32 : i32
  }
  func.func @transform_1(%arg0: i32) -> (i32, i32) {
    %c0_i32 = arith.constant 0 : i32
    %c0_i32_0 = arith.constant 0 : i32
    return %arg0, %c0_i32 : i32, i32
  }
  func.func @transform_2(%arg0: i32) -> (i32, i32, i32) {
    %c0_i32 = arith.constant 0 : i32
    %c0_i32_0 = arith.constant 0 : i32
    %c0_i32_1 = arith.constant 0 : i32
    return %c0_i32, %arg0, %c0_i32_0 : i32, i32, i32
  }
  func.func @transform_3(%arg0: i32) -> (i32, i32) {
    %c0_i32 = arith.constant 0 : i32
    %c0_i32_0 = arith.constant 0 : i32
    %c0_i32_1 = arith.constant 0 : i32
    return %c0_i32, %c0_i32_0 : i32, i32
  }
  func.func @transform_4(%arg0: i32) -> (i32, i32) {
    %c0_i32 = arith.constant 0 : i32
    %c0_i32_0 = arith.constant 0 : i32
    %c0_i32_1 = arith.constant 0 : i32
    return %c0_i32, %c0_i32_0 : i32, i32
  }
  func.func @transform_5(%arg0: i32) -> (i32, i32) {
    %c0_i32 = arith.constant 0 : i32
    %c0_i32_0 = arith.constant 0 : i32
    %c0_i32_1 = arith.constant 0 : i32
    return %c0_i32, %c0_i32_0 : i32, i32
  }
  func.func @transform_6(%arg0: i32) -> (i32, i32) {
    %c0_i32 = arith.constant 0 : i32
    %c0_i32_0 = arith.constant 0 : i32
    %c0_i32_1 = arith.constant 0 : i32
    return %c0_i32, %c0_i32_0 : i32, i32
  }
  func.func @transform_7(%arg0: i32) -> (i32, i32) {
    %c0_i32 = arith.constant 0 : i32
    %c0_i32_0 = arith.constant 0 : i32
    return %arg0, %c0_i32 : i32, i32
  }
}

</mosaic_0001>

<sc_bundles>
// kernel: kernel.4.cloned.1.call-start
scs
__scs_entry_jumppad:
0x0: {  	(pc) =	sbr.rel $0x88, $3  }
0x1: {  	(tag) =	ssettag $0x0;
	lr =	simm.s32 $0x1  }
0x2: {  	[smem:$0x3F9A] =	sst lr;
	_ =	strace $0xD0000000  }
0x3: {  	_ = 	snop  }
0x4: {  	_ = 	snop  }
0x5: {  	_ = 	snop  }
0x6: {  	_ = 	snop  }
0x7: {  	_ = 	snop  }
__scs_overlays_trampoline_lowered:
0x8: {  	[smem:$0x3FA9] =	sst s0  }
0x9: {  	[smem:$0x3FAA] =	sst s1  }
0xa: {  	[smem:$0x3FAB] =	sst s2  }
0xb: {  	[smem:$0x3FAC] =	sst s3  }
0xc: {  	[smem:$0x3FAD] =	sst s4  }
0xd: {  	[smem:$0x3FAE] =	sst s5  }
0xe: {  	[smem:$0x3FAF] =	sst s6  }
0xf: {  	[smem:$0x3FB0] =	sst s7  }
0x10: {  	[smem:$0x3FB1] =	sst s8  }
0x11: {  	[smem:$0x3FB2] =	sst s9;
	s0 =	simm.s32 @!p0 $0x0  }
0x12: {  	s1 =	sld [smem:$0x3F98];
	s0 =	simm.s32 @p0 $0x1  }
0x13: {  	[smem:$0x3FB3] =	sst s0;
	s0 =	simm.s32 @!p1 $0x0  }
0x14: {  	s2 =	sld [smem:$0x3F97];
	s0 =	simm.s32 @p1 $0x1  }
0x15: {  	[smem:$0x3FB4] =	sst s0;
	s0 =	simm.s32 @!p2 $0x0  }
0x16: {  	s3 =	sld [smem:$0x3FDB];
	s0 =	simm.s32 @p2 $0x1  }
0x17: {  	s4 =	simm.s32 $0x1BF5;
	[smem:$0x3FB6] =	sst s0  }
0x18: {  	s0 =	sld [smem:$0x3F99];
	_ =	swait.ge [sflag:s4], $0x0  }
0x19: {  	s7 =	sld [smem:$0x3F9A]  }
0x1a: {  	s8 =	sadd.s32 $0xFFFFE003, lr  }
0x1b: {  	s9 =	sadd.s32 $0xFFFFFEF7, lr;
	s5 =	simm.s32 $0xFFFFFFFF;
	p2 =	slt.u32 s8, $0xFFFFF086  }
0x1c: {  	p1 =	slt.u32 s9, $0xF7A;
	s5 =	simm.s32 @!p2 $0x0  }
0x1d: {  	s5 =	simm.s32 @p1 $0x1;
	p0 =	seq.s32 s7, s2  }
0x1e: {  	s7 =	smul.u32 @!p0 $0xF7A, s2;
	p2 =	seq.s32 @!p0 s5, $0x0  }
0x1f: {  	s9 =	smul.u32 $0xF7A, s1;
	s8 =	simm.s32 @!p0 $0x1BF5;
	p2 =	por !p2, p0  }
0x20: {  	[sflag:s8] =	ssyncset.s32 @!p0 $0xFFFFF086;
	s6 =	sadd.s32 @!p0 s3, s7;
	s7 =	simm.s32 @!p0 $0x108  }
0x21: {  	s3 =	sadd.s32 s3, s9;
	s6 =	sadd.s32 @!p0 $0x88, s6;
	s7 =	simm.s32 @p2 $0x1082  }
0x22: {  	[simem:s7], [sflag:s8] =	dma.local @!p0 [hbm:s6], $0xF7A  }
0x23: {  	s9 =	sor.u32 $0xD0000000, s2;
	s6 =	simm.s32 $0x108;
	_ =	swait.ge @!p0 [sflag:s8], $0x0  }
0x24: {  	s3 =	sadd.s32 $0x88, s3;
	s6 =	simm.s32 @!p1 $0x1082;
	[sflag:s4] =	ssyncset.s32 $0xFFFFF086  }
0x25: {  	[simem:s6], [sflag:s4] =	dma.local [hbm:s3], $0xF7A  }
0x26: {  	[smem:$0x3F9A] =	sst s1;
	(tag) =	ssettag s2;
	_ =	strace s9  }
0x27: {  	s1 =	sld [smem:$0x3FAA]  }
0x28: {  	s2 =	sld [smem:$0x3FAB]  }
0x29: {  	s4 =	sld [smem:$0x3FAD]  }
0x2a: {  	p0 =	seq.s32 s5, $0x0;
	s5 =	sld [smem:$0x3FAE]  }
0x2b: {  	s6 =	sld [smem:$0x3FAF]  }
0x2c: {  	s7 =	sld [smem:$0x3FB0]  }
0x2d: {  	s3 =	simm.s32 $0x108;
	s8 =	sld [smem:$0x3FB1]  }
0x2e: {  	s3 =	simm.s32 @!p0 $0x1082;
	s9 =	sld [smem:$0x3FB2]  }
0x2f: {  	lr =	sadd.s32 s0, s3;
	s0 =	sld [smem:$0x3FA9]  }
0x30: {  	s3 =	sld [smem:$0x3FAC]  }
0x31: {  	[smem:$0x3FB5] =	sst s10  }
0x32: {  	s10 =	sld [smem:$0x3FB3];
	_ =	sdelay $0x3  }
0x33: {  	p0 =	seq.s32 s10, $0x1;
	s10 =	sld [smem:$0x3FB5];
	_ =	sdelay $0x3  }
0x34: {  	[smem:$0x3FB5] =	sst s10  }
0x35: {  	s10 =	sld [smem:$0x3FB4];
	_ =	sdelay $0x3  }
0x36: {  	p1 =	seq.s32 s10, $0x1;
	s10 =	sld [smem:$0x3FB5];
	_ =	sdelay $0x3  }
0x37: {  	[smem:$0x3FB5] =	sst s10  }
0x38: {  	s10 =	sld [smem:$0x3FB6]  }
0x39: {  	_ = 	snop;
	(pc) =	sbr.ind lr, $3  }
0x3a: {  	_ = 	snop  }
0x3b: {  	_ = 	snop  }
0x3c: {  	p2 =	seq.s32 s10, $0x1;
	s10 =	sld [smem:$0x3FB5]  }
0x3d: {  	_ =	shalt  }
0x3e: {  	_ =	shalt  }
0x3f: {  	_ =	shalt  }
0x40: {  	_ =	shalt  }
0x41: {  	_ =	shalt  }
0x42: {  	_ =	shalt  }
0x43: {  	_ =	shalt  }
0x44: {  	_ =	shalt  }
0x45: {  	_ =	shalt  }
0x46: {  	_ =	shalt  }
0x47: {  	_ =	shalt  }
0x48: {  	_ =	shalt  }
0x49: {  	_ =	shalt  }
0x4a: {  	_ =	shalt  }
0x4b: {  	_ =	shalt  }
0x4c: {  	_ =	shalt  }
0x4d: {  	_ =	shalt  }
0x4e: {  	_ =	shalt  }
0x4f: {  	_ =	shalt  }
0x50: {  	_ =	shalt  }
0x51: {  	_ =	shalt  }
0x52: {  	_ =	shalt  }
0x53: {  	_ =	shalt  }
0x54: {  	_ =	shalt  }
0x55: {  	_ =	shalt  }
0x56: {  	_ =	shalt  }
0x57: {  	_ =	shalt  }
0x58: {  	_ =	shalt  }
0x59: {  	_ =	shalt  }
0x5a: {  	_ =	shalt  }
0x5b: {  	_ =	shalt  }
0x5c: {  	_ =	shalt  }
0x5d: {  	_ =	shalt  }
0x5e: {  	_ =	shalt  }
0x5f: {  	_ =	shalt  }
0x60: {  	_ =	shalt  }
0x61: {  	_ =	shalt  }
0x62: {  	_ =	shalt  }
0x63: {  	_ =	shalt  }
0x64: {  	_ =	shalt  }
0x65: {  	_ =	shalt  }
0x66: {  	_ =	shalt  }
0x67: {  	_ =	shalt  }
0x68: {  	_ =	shalt  }
0x69: {  	_ =	shalt  }
0x6a: {  	_ =	shalt  }
0x6b: {  	_ =	shalt  }
0x6c: {  	_ =	shalt  }
0x6d: {  	_ =	shalt  }
0x6e: {  	_ =	shalt  }
0x6f: {  	_ =	shalt  }
0x70: {  	_ =	shalt  }
0x71: {  	_ =	shalt  }
0x72: {  	_ =	shalt  }
0x73: {  	_ =	shalt  }
0x74: {  	_ =	shalt  }
0x75: {  	_ =	shalt  }
0x76: {  	_ =	shalt  }
0x77: {  	_ =	shalt  }
0x78: {  	_ =	shalt  }
0x79: {  	_ =	shalt  }
0x7a: {  	_ =	shalt  }
0x7b: {  	_ =	shalt  }
0x7c: {  	_ =	shalt  }
0x7d: {  	_ =	shalt  }
0x7e: {  	_ =	shalt  }
0x7f: {  	_ =	shalt  }
0x80: {  	_ =	shalt  }
0x81: {  	_ =	shalt  }
0x82: {  	_ =	shalt  }
0x83: {  	_ =	shalt  }
0x84: {  	_ =	shalt  }
0x85: {  	_ =	shalt  }
0x86: {  	_ =	shalt  }
0x87: {  	_ =	shalt  }
.Lfunc_end0:
.L_simem_size_0:
called_computation_lowered:
.L_overlay_start_0:
0x88: {  	s2 =	sld [smem:$0x3FD9]  }
0x89: {  	s3 =	sld [smem:$0x3FFE];
	_ =	sdelay $0x1  }
0x8a: {  	s1 =	srdreg.scid  }
0x8b: {  	s0 =	sand.u32 $0x1, s1  }
0x8c: {  	s17 =	sshll.u32 s0, $0xA;
	s2 =	sadd.s32 s3, s2  }
0x8d: {  	s2 =	sadd.s32 s2, s17  }
0x8e: {  	[smem:$0x3FC1] =	sst s2  }
0x8f: {  	_ = 	snop  }
0x90: {  	s2 =	sld [smem:$0x3FC9]  }
0x91: {  	s18 =	sld [smem:$0x3FD0];
	(tm) =	ssettm $0x1  }
0x92: {  	s4 =	sld [smem:$0x3FFB];
	_ =	sdelay $0x3  }
0x93: {  	_ =	strace s4  }
0x94: {  	s4 =	sld [smem:$0x3FFC];
	_ =	sdelay $0x3  }
0x95: {  	_ =	strace s4  }
0x96: {  	s4 =	sld [smem:$0x3FFD];
	_ =	sdelay $0x3  }
0x97: {  	_ =	strace s4  }
0x98: {  	_ =	strace $0x8FFFFFFF  }
0x99: {  	s19 =	sld [smem:$0x3FDB];
	_ =	sdelay $0x1  }
0x9a: {  	s5 =	simm.s32 $_scs_section_size  }
0x9b: {  	s6 =	simm.s32 $_size__tile_overlayer_lowered;
	s7 =	simm.s32 $_tile_overlayer_lowered  }
0x9c: {  	s22 =	simm.s32 $0x1BFF;
	s21 =	sshll.u32 s7, $0x1;
	s4 =	sadd.s32 s5, s19  }
0x9d: {  	s8 =	simm.s32 $0x0;
	s20 =	sshll.u32 s6, $0x1;
	s6 =	sadd.s32 s21, s4  }
0x9e: {  	[timem:s8], [sflag:s22] =	dma.local [hbm:s6], s20  }
0x9f: {  	_ =	swait.ge [sflag:s22], s20  }
0xa0: {  	s5 =	ssub.s32 $0x0, s20;
	[sflag:s22] =	ssyncset.done $0x0  }
0xa1: {  	[sflag:s22] =	ssyncadd.s32 s5;
	_ =	sdelay $0x1  }
0xa2: {  	s23 =	simm.s32 $0x1B8B  }
0xa3: {  	_ =	swait.ge [sflag:s23], $0x1  }
0xa4: {  	[sflag:s23] =	ssyncset.done $0x0  }
0xa5: {  	s25 =	simm.s32 $0x1B8E;
	s24 =	sld [smem:$0x3FFE];
	[sflag:s23] =	ssyncadd.s32 $0xFFFFFFFF  }
0xa6: {  	s26 =	simm.s32 $execute0_lowered;
	[smem:$0x3FD2] =	sst s25  }
0xa7: {  	s6 =	sshll.u32 s26, $0x1;
	_ =	strace $0x80000046;
	[dreg:$0x1] =	wrdreg $0xFFFFFFFF  }
0xa8: {  	s28 =	simm.s32 $_size_execute0_lowered;
	s4 =	sadd.s32 s4, s6;
	[dreg:$0x0] =	wrdreg $0x0  }
0xa9: {  	s6 =	sshll.u32 s28, $0x1;
	[dreg:$0x2] =	wrdreg s4  }
0xaa: {  	[dreg:$0x3] =	wrdreg s6  }
0xab: {  	[dreg:$0x4] =	wrdreg $0xC0  }
0xac: {  	_ =	task [dreg:s8], $0x5FFFF  }
0xad: {  	[dreg:$0x1] =	wrdreg $0xFFFFFFFF  }
0xae: {  	[dreg:$0x0] =	wrdreg $0x60  }
0xaf: {  	[dreg:$0x2] =	wrdreg s2  }
0xb0: {  	[dreg:$0x3] =	wrdreg s18  }
0xb1: {  	[dreg:$0x4] =	wrdreg s24  }
0xb2: {  	[dreg:$0x5] =	wrdreg $0xA8000  }
0xb3: {  	[dreg:$0x6] =	wrdreg $0x9  }
0xb4: {  	_ =	task.clear_ibuf [dreg:s8], $0x7FFFF;
	_ =	strace $0x90000046  }
0xb5: {  	s29 =	simm.s32 $0x9;
	_ =	strace $0x80000048  }
0xb6: {  	_ =	swait.ge [sflag:s29], $0x1  }
0xb7: {  	[sflag:s29] =	ssyncadd.s32 $0xFFFFFFFF  }
0xb8: {  	_ =	strace $0x90000048  }
0xb9: {  	_ =	sfence  }
0xba: {  	s30 =	sld [smem:$0x0];
	_ =	sdelay $0x2  }
0xbb: {  	s31 =	sshll.u32 s1, $0xD;
	s1 =	sshrl.u32 s1, $0x2  }
0xbc: {  	s3 =	sand.u32 $0x4000, s31;
	s1 =	sadd.s32 s1, s30  }
0xbd: {  	s0 =	sor.u32 s3, s0;
	s1 =	sshll.u32 s1, $0x11  }
0xbe: {  	s0 =	sor.u32 s1, s0  }
0xbf: {  	s0 =	sadd.s32 $0x8F2B, s0  }
0xc0: {  	[sflag:s0] =	ssyncadd.remote.s32 $0x1  }
0xc1: {  	_ =	sfence.sel $0xFFFF  }
0xc2: {  	[dreg:$0x0] =	wrdreg $0xFFFFFFFF;
	(pc) =	sbr.abs _section_cstart, $3  }
0xc3: {  	[dreg:$0x1] =	wrdreg $0xFFFFFFFF  }
0xc4: {  	_ =	task.clear_ibuf [dreg:s8], $0x2FFFF;
	_ =	strace $0x9FFFFFFF  }
0xc5: {  	(tm) =	ssettm $0x7FFFFFFF  }
tec
execute0_lowered:
.L_overlay_start_1:
0x0: {  	(tag) =	ssettag $0x1  }
0x1: {  	s0 =	rddreg [dreg:$0x0]  }
0x2: {  	s1 =	rddreg [dreg:$0x1]  }
0x3: {  	s2 =	rddreg [dreg:$0x2];
	s4 =	srdreg.scid  }
0x4: {  	s3 =	rddreg [dreg:$0x3];
	s10 =	stileid.u32  }
0x5: {  	s7 =	simm.s32 $0x0;
	s29 =	simm.s32 $0x2800;
	s6 =	smul.u32 $0x14000, s10  }
0x6: {  	s4 =	sand.u32 $0x1, s4;
	[smem:$0x7FF] =	sst s7;
	s22 =	smul.u32 $0x50000, s10  }
0x7: {  	s7 =	sadd.s32 $0xE00, s2;
	s8 =	sadd.s32 $0x14E00, s2;
	s5 =	smul.u32 $0x140000, s4  }
0x8: {  	s9 =	sshll.u32 s10, $0x1;
	s12 =	smul.u32 $0x28, s10;
	_ =	strace $0x80000047  }
0x9: {  	[dreg:$0x5] =	wrdreg s8;
	s5 =	sadd.s32 s6, s5;
	s6 =	sshrl.u32 s22, $0x2  }
0xa: {  	s23 =	ssub.s32 $0x2, s4;
	s25 =	sor.u32 s4, s9;
	s16 =	sadd.s32 s6, s3  }
0xb: {  	s4 =	smul.u32 $0x14, s4;
	s26 =	sadd.s32 $0x2000, s16;
	[dreg:$0x6] =	wrdreg s16  }
0xc: {  	s24 =	sshrl.u32 s23, $0x1;
	s28 =	sadd.s32 $0x4000, s16;
	[dreg:$0x7] =	wrdreg s26  }
0xd: {  	s4 =	sadd.s32 s4, s12;
	s30 =	sadd.s32 $0x6000, s16;
	[dreg:$0x8] =	wrdreg s28  }
0xe: {  	s5 =	sshrl.u32 s5, $0x3;
	s9 =	sadd.s32 $0x8000, s16;
	[dreg:$0x9] =	wrdreg s30  }
0xf: {  	s6 =	smul.u32 $0xA00, s25;
	s11 =	sadd.s32 $0xA000, s16;
	[dreg:$0xa] =	wrdreg s9  }
0x10: {  	s2 =	sadd.s32 s5, s2;
	s13 =	sadd.s32 $0xC000, s16;
	[dreg:$0xb] =	wrdreg s11  }
0x11: {  	s5 =	ssub.s32 s23, s24;
	s24 =	sadd.s32 $0xE000, s16;
	[dreg:$0xc] =	wrdreg s13  }
0x12: {  	s4 =	sshll.u32 s4, $0x7;
	s15 =	sadd.s32 s1, s6;
	[dreg:$0x17] =	wrdreg s24  }
0x13: {  	s4 =	sadd.s32 $0x200, s4;
	s17 =	sadd.s32 s7, s6;
	[dreg:$0xd] =	wrdreg s15  }
0x14: {  	s31 =	simm.s32 $0x4800;
	s23 =	sadd.s32 s4, s7;
	[dreg:$0xe] =	wrdreg s17  }
0x15: {  	s10 =	simm.s32 $0x3;
	s25 =	sadd.s32 $0x15200, s2;
	[dreg:$0x16] =	wrdreg s23  }
0x16: {  	s8 =	simm.s32 $0x2;
	s26 =	smax.u32 s5, $0x1;
	[dreg:$0x18] =	wrdreg s25  }
0x17: {  	s12 =	simm.s32 $0x4;
	s28 =	sadd.s32 $0x10000, s16;
	[dreg:$0x19] =	wrdreg s26  }
0x18: {  	s14 =	sor.u32 $0x80, s6;
	s30 =	sadd.s32 $0x12000, s16;
	[dreg:$0x1a] =	wrdreg s28  }
0x19: {  	s19 =	sor.u32 $0x100, s6;
	s18 =	sadd.s32 s1, s14;
	[dreg:$0x1b] =	wrdreg s30  }
0x1a: {  	s6 =	sor.u32 $0x180, s6;
	s9 =	sadd.s32 s7, s14;
	[dreg:$0xf] =	wrdreg s18  }
0x1b: {  	s2 =	simm.s32 $0x6800;
	s20 =	sadd.s32 s1, s19;
	[dreg:$0x10] =	wrdreg s9  }
0x1c: {  	s11 =	simm.s32 $0x7;
	s21 =	sadd.s32 s7, s19;
	[dreg:$0x11] =	wrdreg s20  }
0x1d: {  	s13 =	simm.s32 $0x8;
	s22 =	sadd.s32 s1, s6;
	[dreg:$0x12] =	wrdreg s21  }
0x1e: {  	s5 =	simm.s32 $0x0;
	s6 =	sadd.s32 s7, s6;
	[dreg:$0x13] =	wrdreg s22  }
0x1f: {  	s1 =	sadd.s32 s4, s1;
	s7 =	simm.s32 $0x8800;
	[dreg:$0x14] =	wrdreg s6  }
0x20: {  	s14 =	simm.s32 $0x5;
	s15 =	simm.s32 $0x9;
	[dreg:$0x15] =	wrdreg s1  }
0x21: {  	s6 =	simm.s32 $0xB;
	s1 =	simm.s32 $0x40;
	s9 =	simm.s32 $0x6  }
.LBB2_1:
0x22: {  	[dreg:$0x1c] =	wrdreg s5  }
0x23: {  	s4 =	simm.s32 $0x0;
	s25 =	rddreg [dreg:$0x5]  }
0x24: {  	[tilespmem:s29], [sflag:$0xB] =	stream.linear.gather [hbm4b:s25+s4], $0x2000, $0x38;
	[tilespmem:$0x1E800] =	vst v63  }
0x25: {  	_ =	swait.ge [sflag:s6], $0x2000  }
0x26: {  	[sflag:s6] =	ssyncset.done $0x0  }
0x27: {  	[sflag:s6] =	ssyncadd.s32 $0xFFFFE000  }
0x28: {  	[spmem:s16] =	stream.linear.scatter [tilespmem:s29], [sflag:$0xA], $0x2000, $0x38;
	[tilespmem:$0x1E800] =	vst v63  }
0x29: {  	s26 =	rddreg [dreg:$0x7]  }
0x2a: {  	[spmem:s26] =	stream.linear.scatter [tilespmem:s29], [sflag:$0xA], $0x2000, $0x38;
	[tilespmem:$0x1E800] =	vst v63  }
0x2b: {  	s16 =	rddreg [dreg:$0x8]  }
0x2c: {  	[spmem:s16] =	stream.linear.scatter [tilespmem:s29], [sflag:$0xA], $0x2000, $0x38;
	[tilespmem:$0x1E800] =	vst v63  }
0x2d: {  	s17 =	rddreg [dreg:$0x9]  }
0x2e: {  	[spmem:s17] =	stream.linear.scatter [tilespmem:s29], [sflag:$0xA], $0x2000, $0x38;
	[tilespmem:$0x1E800] =	vst v63  }
0x2f: {  	s18 =	rddreg [dreg:$0xa]  }
0x30: {  	[spmem:s18] =	stream.linear.scatter [tilespmem:s29], [sflag:$0xA], $0x2000, $0x38;
	[tilespmem:$0x1E800] =	vst v63  }
0x31: {  	s19 =	rddreg [dreg:$0xb]  }
0x32: {  	[spmem:s19] =	stream.linear.scatter [tilespmem:s29], [sflag:$0xA], $0x2000, $0x38;
	[tilespmem:$0x1E800] =	vst v63  }
0x33: {  	s20 =	rddreg [dreg:$0xc]  }
0x34: {  	[spmem:s20] =	stream.linear.scatter [tilespmem:s29], [sflag:$0xA], $0x2000, $0x38;
	[tilespmem:$0x1E800] =	vst v63  }
0x35: {  	s21 =	rddreg [dreg:$0x17]  }
0x36: {  	[spmem:s21] =	stream.linear.scatter [tilespmem:s29], [sflag:$0xA], $0x2000, $0x38;
	[tilespmem:$0x1E800] =	vst v63  }
0x37: {  	s22 =	rddreg [dreg:$0x1a]  }
0x38: {  	[spmem:s22] =	stream.linear.scatter [tilespmem:s29], [sflag:$0xA], $0x2000, $0x38;
	[tilespmem:$0x1E800] =	vst v63  }
0x39: {  	s23 =	rddreg [dreg:$0x1b]  }
0x3a: {  	[spmem:s23] =	stream.linear.scatter [tilespmem:s29], [sflag:$0xA], $0x2000, $0x38;
	[tilespmem:$0x1E800] =	vst v63  }
0x3b: {  	s24 =	rddreg [dreg:$0xd]  }
0x3c: {  	[tilespmem:s4], [sflag:$0xB] =	stream.linear.gather [hbm4b:s24+s4], $0x400, $0x38;
	[tilespmem:$0x1E800] =	vst v63  }
0x3d: {  	_ =	swait.ge [sflag:s6], $0x400  }
0x3e: {  	[sflag:s6] =	ssyncset.done $0x0  }
0x3f: {  	s26 =	simm.s32 $0x1400;
	s25 =	rddreg [dreg:$0xe];
	[sflag:s6] =	ssyncadd.s32 $0xFFFFFC00  }
0x40: {  	[tilespmem:s26], [sflag:$0xB] =	stream.linear.gather [hbm4b:s25+s4], $0x400, $0x38;
	[tilespmem:$0x1E800] =	vst v63  }
0x41: {  	_ =	swait.ge [sflag:s6], $0x400  }
0x42: {  	[sflag:s6] =	ssyncset.done $0x0  }
0x43: {  	s16 =	simm.s32 $0x400;
	[sflag:s6] =	ssyncadd.s32 $0xFFFFFC00;
	s6 =	rddreg [dreg:$0xf]  }
0x44: {  	[tilespmem:s16], [sflag:$0x1] =	stream.linear.gather [hbm4b:s6+s4], $0x400, $0x38;
	[tilespmem:$0x1E800] =	vst v63  }
0x45: {  	s18 =	simm.s32 $0x1800;
	s17 =	rddreg [dreg:$0x10]  }
0x46: {  	[tilespmem:s18], [sflag:$0x1] =	stream.linear.gather [hbm4b:s17+s4], $0x400, $0x38;
	[tilespmem:$0x1E800] =	vst v63  }
0x47: {  	s20 =	simm.s32 $0x800;
	s19 =	rddreg [dreg:$0x11]  }
0x48: {  	[tilespmem:s20], [sflag:$0x1] =	stream.linear.gather [hbm4b:s19+s4], $0x400, $0x38;
	[tilespmem:$0x1E800] =	vst v63  }
0x49: {  	s22 =	simm.s32 $0x1C00;
	s21 =	rddreg [dreg:$0x12]  }
0x4a: {  	[tilespmem:s22], [sflag:$0x1] =	stream.linear.gather [hbm4b:s21+s4], $0x400, $0x38;
	[tilespmem:$0x1E800] =	vst v63  }
0x4b: {  	s24 =	simm.s32 $0xC00;
	s23 =	rddreg [dreg:$0x13]  }
0x4c: {  	[tilespmem:s24], [sflag:$0x1] =	stream.linear.gather [hbm4b:s23+s4], $0x400, $0x38;
	[tilespmem:$0x1E800] =	vst v63  }
0x4d: {  	s26 =	simm.s32 $0x2000;
	s25 =	rddreg [dreg:$0x14]  }
0x4e: {  	[tilespmem:s26], [sflag:$0x1] =	stream.linear.gather [hbm4b:s25+s4], $0x400, $0x38;
	[tilespmem:$0x1E800] =	vst v63  }
0x4f: {  	s6 =	simm.s32 $0x80  }
0x50: {  	[tilespmem:s31], [sflag:$0x3] =	stream.indirect.gather [hbm4b:s0+s1], $0x80, s6, s1, $0xb8;
	[tilespmem:$0x1E800] =	vst v63  }
0x51: {  	s16 =	simm.s32 $0x100;
	s17 =	simm.s32 $0xA  }
0x52: {  	[tilespmem:s2], [sflag:$0x4] =	stream.indirect.gather [hbm4b:s0+s1], $0x80, s16, s1, $0xb8;
	[tilespmem:$0x1E800] =	vst v63  }
0x53: {  	_ =	swait.ge [sflag:s17], $0x2000  }
0x54: {  	[sflag:s17] =	ssyncset.done $0x0  }
0x55: {  	[sflag:s17] =	ssyncadd.s32 $0xFFFFE000  }
0x56: {  	_ =	swait.ge [sflag:s17], $0x2000  }
0x57: {  	[sflag:s17] =	ssyncset.done $0x0  }
0x58: {  	[sflag:s17] =	ssyncadd.s32 $0xFFFFE000  }
0x59: {  	_ =	swait.ge [sflag:s17], $0x2000  }
0x5a: {  	[sflag:s17] =	ssyncset.done $0x0  }
0x5b: {  	[sflag:s17] =	ssyncadd.s32 $0xFFFFE000  }
0x5c: {  	_ =	swait.ge [sflag:s17], $0x2000  }
0x5d: {  	[sflag:s17] =	ssyncset.done $0x0  }
0x5e: {  	[sflag:s17] =	ssyncadd.s32 $0xFFFFE000  }
0x5f: {  	_ =	swait.ge [sflag:s17], $0x2000  }
0x60: {  	[sflag:s17] =	ssyncset.done $0x0  }
0x61: {  	[sflag:s17] =	ssyncadd.s32 $0xFFFFE000  }
0x62: {  	_ =	swait.ge [sflag:s17], $0x2000  }
0x63: {  	[sflag:s17] =	ssyncset.done $0x0  }
0x64: {  	[sflag:s17] =	ssyncadd.s32 $0xFFFFE000  }
0x65: {  	_ =	swait.ge [sflag:s17], $0x2000  }
0x66: {  	[sflag:s17] =	ssyncset.done $0x0  }
0x67: {  	[sflag:s17] =	ssyncadd.s32 $0xFFFFE000  }
0x68: {  	_ =	swait.ge [sflag:s17], $0x2000  }
0x69: {  	[sflag:s17] =	ssyncset.done $0x0  }
0x6a: {  	[sflag:s17] =	ssyncadd.s32 $0xFFFFE000  }
0x6b: {  	_ =	swait.ge [sflag:s17], $0x2000  }
0x6c: {  	[sflag:s17] =	ssyncset.done $0x0  }
0x6d: {  	[sflag:s17] =	ssyncadd.s32 $0xFFFFE000  }
0x6e: {  	_ =	swait.ge [sflag:s17], $0x2000  }
0x6f: {  	[sflag:s17] =	ssyncset.done $0x0  }
0x70: {  	[sflag:s17] =	ssyncadd.s32 $0xFFFFE000;
	s17 =	smul.u32 $0xCD, s12  }
0x71: {  	[tilespmem:s29], [sflag:$0x2] =	stream.indirect.gather [hbm4b:s0+s1], $0x80, s4, s1, $0xb8;
	[tilespmem:$0x1E800] =	vst v63  }
0x72: {  	s18 =	sadd.s32 $0xFFFFFCCC, s17  }
0x73: {  	s4 =	sshrl.u32 s18, $0xA  }
0x74: {  	s4 =	sand.u32 $0x3F, s4  }
0x75: {  	s4 =	smul.u32 $0x5, s4  }
0x76: {  	p0 =	por $0x1, $0x1  }
0x77: {  	s6 =	simm.s32 @!p0 $0x9;
	[bflag:$0x0] =	sbarrier.arrive $0xFFFF;
	s4 =	ssub.s32 $0x0, s4  }
0x78: {  	_ =	swait.ge @!p0 [sflag:s6], $0x2000;
	s4 =	sand.u32 $0xFF, s4  }
0x79: {  	[sflag:s6] =	ssyncset.done @!p0 $0x0;
	s4 =	sshll.u32 s4, $0xA  }
0x7a: {  	[sflag:s6] =	ssyncadd.s32 @!p0 $0xFFFFE000;
	s19 =	sor.u32 $0x180, s4  }
0x7b: {  	[tilespmem:s7], [sflag:$0x5] =	stream.indirect.gather [hbm4b:s0+s1], $0x80, s19, s1, $0xb8;
	[tilespmem:$0x1E800] =	vst v63  }
0x7c: {  	_ =	swait.ge [sflag:s8], $0x2000  }
0x7d: {  	[sflag:s8] =	ssyncset.done $0x0  }
0x7e: {  	s20 =	sadd.s32 $0x1400, s4;
	[sflag:s8] =	ssyncadd.s32 $0xFFFFE000  }
0x7f: {  	[spmem:s3] =	stream.indirect.scatter.add.f32 [tilespmem:s29], [sflag:$0x6], $0x80, s20, s1, $0xb8;
	[tilespmem:$0x1E800] =	vst v63  }
0x80: {  	_ =	swait.ge [sflag:s9], $0x2000  }
0x81: {  	[sflag:s9] =	ssyncset.done $0x0  }
0x82: {  	s21 =	sor.u32 $0x200, s4;
	[sflag:s9] =	ssyncadd.s32 $0xFFFFE000  }
0x83: {  	[tilespmem:s29], [sflag:$0x2] =	stream.indirect.gather [hbm4b:s0+s1], $0x80, s21, s1, $0xb8;
	[tilespmem:$0x1E800] =	vst v63  }
0x84: {  	_ =	swait.ge [sflag:s10], $0x2000  }
0x85: {  	[sflag:s10] =	ssyncset.done $0x0  }
0x86: {  	s22 =	sadd.s32 $0x1480, s4;
	[sflag:s10] =	ssyncadd.s32 $0xFFFFE000  }
0x87: {  	[spmem:s3] =	stream.indirect.scatter.add.f32 [tilespmem:s31], [sflag:$0x7], $0x80, s22, s1, $0xb8;
	[tilespmem:$0x1E800] =	vst v63  }
0x88: {  	_ =	swait.ge [sflag:s11], $0x2000  }
0x89: {  	[sflag:s11] =	ssyncset.done $0x0  }
0x8a: {  	s6 =	sor.u32 $0x280, s4;
	[sflag:s11] =	ssyncadd.s32 $0xFFFFE000  }
0x8b: {  	[tilespmem:s31], [sflag:$0x3] =	stream.indirect.gather [hbm4b:s0+s1], $0x80, s6, s1, $0xb8;
	[tilespmem:$0x1E800] =	vst v63  }
0x8c: {  	_ =	swait.ge [sflag:s12], $0x2000  }
0x8d: {  	[sflag:s12] =	ssyncset.done $0x0  }
0x8e: {  	s18 =	sadd.s32 $0x1500, s4;
	[sflag:s12] =	ssyncadd.s32 $0xFFFFE000  }
0x8f: {  	[spmem:s3] =	stream.indirect.scatter.add.f32 [tilespmem:s2], [sflag:$0x8], $0x80, s18, s1, $0xb8;
	[tilespmem:$0x1E800] =	vst v63  }
0x90: {  	_ =	swait.ge [sflag:s13], $0x2000  }
0x91: {  	[sflag:s13] =	ssyncset.done $0x0  }
0x92: {  	s20 =	sor.u32 $0x300, s4;
	[sflag:s13] =	ssyncadd.s32 $0xFFFFE000  }
0x93: {  	[tilespmem:s2], [sflag:$0x4] =	stream.indirect.gather [hbm4b:s0+s1], $0x80, s20, s1, $0xb8;
	[tilespmem:$0x1E800] =	vst v63  }
0x94: {  	_ =	swait.ge [sflag:s14], $0x2000  }
0x95: {  	[sflag:s14] =	ssyncset.done $0x0  }
0x96: {  	s23 =	sadd.s32 $0x1580, s4;
	[sflag:s14] =	ssyncadd.s32 $0xFFFFE000  }
0x97: {  	[spmem:s3] =	stream.indirect.scatter.add.f32 [tilespmem:s7], [sflag:$0x9], $0x80, s23, s1, $0xb8;
	[tilespmem:$0x1E800] =	vst v63  }
0x98: {  	_ =	swait.ge [sflag:s15], $0x2000  }
0x99: {  	[sflag:s15] =	ssyncset.done $0x0  }
0x9a: {  	s19 =	sor.u32 $0x380, s4;
	[sflag:s15] =	ssyncadd.s32 $0xFFFFE000  }
0x9b: {  	[tilespmem:s7], [sflag:$0x5] =	stream.indirect.gather [hbm4b:s0+s1], $0x80, s19, s1, $0xb8;
	[tilespmem:$0x1E800] =	vst v63  }
0x9c: {  	_ =	swait.ge [sflag:s8], $0x2000  }
0x9d: {  	[sflag:s8] =	ssyncset.done $0x0  }
0x9e: {  	p0 =	por $0x0, $0x0;
	s4 =	sadd.s32 $0x1600, s4;
	[sflag:s8] =	ssyncadd.s32 $0xFFFFE000  }
0x9f: {  	[spmem:s3] =	stream.indirect.scatter.add.f32 [tilespmem:s29], [sflag:$0x6], $0x80, s4, s1, $0xb8;
	[tilespmem:$0x1E800] =	vst v63  }
0xa0: {  	s4 =	simm.s32 @p0 $0x3  }
0xa1: {  	_ =	swait.ge @p0 [sflag:s4], $0x2000  }
0xa2: {  	s21 =	simm.s32 @p0 $0x4800;
	s22 =	sadd.s32 @p0 $0x1400, s6;
	[sflag:s4] =	ssyncset.done @p0 $0x0  }
0xa3: {  	s18 =	simm.s32 @p0 $0x40;
	[sflag:s4] =	ssyncadd.s32 @p0 $0xFFFFE000;
	s4 =	simm.s32 @!p0 $0x6  }
0xa4: {  	[spmem:s3] =	stream.indirect.scatter.add.f32 @p0 [tilespmem:s21], [sflag:$0x7], $0x80, s22, s18, $0xb8;
	[tilespmem:$0x1E800] =	vst v63  }
0xa5: {  	s17 =	sadd.s32 $0xFFFFFD99, s17;
	_ =	swait.ge @!p0 [sflag:s4], $0x2000  }
0xa6: {  	s17 =	sshrl.u32 s17, $0xA;
	[sflag:s4] =	ssyncset.done @!p0 $0x0  }
0xa7: {  	s17 =	sand.u32 $0x3F, s17;
	s18 =	simm.s32 @!p0 $0x1;
	[sflag:s4] =	ssyncadd.s32 @!p0 $0xFFFFE000  }
0xa8: {  	s17 =	smul.u32 $0x5, s17;
	_ =	swait.ge @!p0 [sflag:s18], $0x400  }
0xa9: {  	[sflag:s18] =	ssyncset.done @!p0 $0x0  }
0xaa: {  	s24 =	ssub.s32 $0x4, s17;
	[sflag:s18] =	ssyncadd.s32 @!p0 $0xFFFFFC00  }
0xab: {  	s17 =	simm.s32 @!p0 $0x3;
	s4 =	sadd.s32 $0xFFFFFFFD, s24;
	_ =	swait.ge @!p0 [sflag:s18], $0x400  }
0xac: {  	s21 =	simm.s32 @!p0 $0x2800;
	s4 =	sand.u32 $0xFF, s4;
	[sflag:s18] =	ssyncset.done @!p0 $0x0  }
0xad: {  	s22 =	simm.s32 @!p0 $0x40;
	s4 =	sshll.u32 @!p0 s4, $0xA;
	[sflag:s18] =	ssyncadd.s32 @!p0 $0xFFFFFC00  }
0xae: {  	[tilespmem:s21], [sflag:$0x2] =	stream.indirect.gather @!p0 [hbm4b:s0+s22], $0x80, s4, s22, $0xb8;
	[tilespmem:$0x1E800] =	vst v63  }
0xaf: {  	_ =	swait.ge @!p0 [sflag:s17], $0x2000  }
0xb0: {  	s6 =	sadd.s32 @!p0 $0x1400, s6;
	[sflag:s17] =	ssyncset.done @!p0 $0x0  }
0xb1: {  	s23 =	simm.s32 @!p0 $0x4800;
	s21 =	simm.s32 @!p0 $0x7;
	[sflag:s17] =	ssyncadd.s32 @!p0 $0xFFFFE000  }
0xb2: {  	[spmem:s3] =	stream.indirect.scatter.add.f32 @!p0 [tilespmem:s23], [sflag:$0x7], $0x80, s6, s22, $0xb8;
	[tilespmem:$0x1E800] =	vst v63  }
0xb3: {  	_ =	swait.ge @!p0 [sflag:s21], $0x2000  }
0xb4: {  	s17 =	simm.s32 $0x5;
	[sflag:s21] =	ssyncset.done @!p0 $0x0  }
0xb5: {  	s25 =	smul.u32 $0xCD, s17;
	s6 =	sor.u32 @!p0 $0x80, s4;
	[sflag:s21] =	ssyncadd.s32 @!p0 $0xFFFFE000  }
0xb6: {  	[tilespmem:s23], [sflag:$0x3] =	stream.indirect.gather @!p0 [hbm4b:s0+s22], $0x80, s6, s22, $0xb8;
	[tilespmem:$0x1E800] =	vst v63  }
0xb7: {  	p1 =	por $0x0, $0x0;
	s20 =	sadd.s32 $0x1400, s20;
	_ =	swait.ge [sflag:s12], $0x2000  }
0xb8: {  	s4 =	sor.u32 @!p0 $0x100, s4;
	s5 =	sadd.s32 $0xFFFFFCCC, s25;
	[sflag:s12] =	ssyncset.done $0x0  }
0xb9: {  	s21 =	simm.s32 @!p0 $0x8;
	s23 =	smul.u32 @!p1 $0xCD, s12;
	[sflag:s12] =	ssyncadd.s32 $0xFFFFE000  }
0xba: {  	[spmem:s3] =	stream.indirect.scatter.add.f32 [tilespmem:s2], [sflag:$0x8], $0x80, s20, s1, $0xb8;
	[tilespmem:$0x1E800] =	vst v63  }
0xbb: {  	s6 =	sshrl.u32 s5, $0xA;
	s20 =	sshrl.u32 @!p1 s23, $0xA;
	_ =	swait.ge @!p0 [sflag:s21], $0x2000  }
0xbc: {  	s16 =	sand.u32 $0x3F, s6;
	s20 =	sand.u32 @!p1 $0x3F, s20;
	[sflag:s21] =	ssyncset.done @!p0 $0x0  }
0xbd: {  	s20 =	smul.u32 @!p1 $0x5, s20;
	[sflag:s21] =	ssyncadd.s32 @!p0 $0xFFFFE000;
	s21 =	simm.s32 @!p0 $0x6800  }
0xbe: {  	[tilespmem:s21], [sflag:$0x4] =	stream.indirect.gather @!p0 [hbm4b:s0+s22], $0x80, s4, s22, $0xb8;
	[tilespmem:$0x1E800] =	vst v63  }
0xbf: {  	s19 =	sadd.s32 $0x1400, s19;
	s4 =	smul.u32 $0x5, s16;
	_ =	swait.ge [sflag:s14], $0x2000  }
0xc0: {  	s6 =	ssub.s32 @!p1 $0x4, s20;
	p0 =	por $0x0, $0x0;
	[sflag:s14] =	ssyncset.done $0x0  }
0xc1: {  	s6 =	sand.u32 @!p1 $0xFF, s6;
	s20 =	simm.s32 @!p0 $0x9;
	[sflag:s14] =	ssyncadd.s32 $0xFFFFE000  }
0xc2: {  	[spmem:s3] =	stream.indirect.scatter.add.f32 [tilespmem:s7], [sflag:$0x9], $0x80, s19, s1, $0xb8;
	[tilespmem:$0x1E800] =	vst v63  }
0xc3: {  	s6 =	sshll.u32 @!p1 s6, $0xA;
	s5 =	rddreg [dreg:$0x15];
	s19 =	simm.s32 @!p1 $0x0  }
0xc4: {  	[tilespmem:s6], [sflag:$0x1] =	stream.linear.gather @!p1 [hbm4b:s5+s19], $0x400, $0x38;
	[tilespmem:$0x1E800] =	vst v63  }
0xc5: {  	s4 =	ssub.s32 $0x1, s4;
	s16 =	rddreg [dreg:$0x16];
	s6 =	sadd.s32 @!p1 $0x1400, s6  }
0xc6: {  	[tilespmem:s6], [sflag:$0x1] =	stream.linear.gather @!p1 [hbm4b:s16+s19], $0x400, $0x38;
	[tilespmem:$0x1E800] =	vst v63  }
0xc7: {  	s4 =	sand.u32 $0xFF, s4;
	_ =	swait.ge @!p0 [sflag:s20], $0x2000  }
0xc8: {  	s4 =	sshll.u32 s4, $0xA;
	[sflag:s20] =	ssyncset.done @!p0 $0x0  }
0xc9: {  	[sflag:s20] =	ssyncadd.s32 @!p0 $0xFFFFE000;
	s20 =	sor.u32 $0x180, s4  }
0xca: {  	[tilespmem:s7], [sflag:$0x5] =	stream.indirect.gather [hbm4b:s0+s1], $0x80, s20, s1, $0xb8;
	[tilespmem:$0x1E800] =	vst v63  }
0xcb: {  	_ =	swait.ge [sflag:s8], $0x2000  }
0xcc: {  	[sflag:s8] =	ssyncset.done $0x0  }
0xcd: {  	s21 =	sadd.s32 $0x1400, s4;
	[sflag:s8] =	ssyncadd.s32 $0xFFFFE000  }
0xce: {  	[spmem:s3] =	stream.indirect.scatter.add.f32 [tilespmem:s29], [sflag:$0x6], $0x80, s21, s1, $0xb8;
	[tilespmem:$0x1E800] =	vst v63  }
0xcf: {  	_ =	swait.ge [sflag:s9], $0x2000  }
0xd0: {  	[sflag:s9] =	ssyncset.done $0x0  }
0xd1: {  	s22 =	sor.u32 $0x200, s4;
	[sflag:s9] =	ssyncadd.s32 $0xFFFFE000  }
0xd2: {  	[tilespmem:s29], [sflag:$0x2] =	stream.indirect.gather [hbm4b:s0+s1], $0x80, s22, s1, $0xb8;
	[tilespmem:$0x1E800] =	vst v63  }
0xd3: {  	_ =	swait.ge [sflag:s10], $0x2000  }
0xd4: {  	[sflag:s10] =	ssyncset.done $0x0  }
0xd5: {  	s23 =	sadd.s32 $0x1480, s4;
	[sflag:s10] =	ssyncadd.s32 $0xFFFFE000  }
0xd6: {  	[spmem:s3] =	stream.indirect.scatter.add.f32 [tilespmem:s31], [sflag:$0x7], $0x80, s23, s1, $0xb8;
	[tilespmem:$0x1E800] =	vst v63  }
0xd7: {  	_ =	swait.ge [sflag:s11], $0x2000  }
0xd8: {  	[sflag:s11] =	ssyncset.done $0x0  }
0xd9: {  	s21 =	sor.u32 $0x280, s4;
	[sflag:s11] =	ssyncadd.s32 $0xFFFFE000  }
0xda: {  	[tilespmem:s31], [sflag:$0x3] =	stream.indirect.gather [hbm4b:s0+s1], $0x80, s21, s1, $0xb8;
	[tilespmem:$0x1E800] =	vst v63  }
0xdb: {  	_ =	swait.ge [sflag:s12], $0x2000  }
0xdc: {  	[sflag:s12] =	ssyncset.done $0x0  }
0xdd: {  	s24 =	sadd.s32 $0x1500, s4;
	[sflag:s12] =	ssyncadd.s32 $0xFFFFE000  }
0xde: {  	[spmem:s3] =	stream.indirect.scatter.add.f32 [tilespmem:s2], [sflag:$0x8], $0x80, s24, s1, $0xb8;
	[tilespmem:$0x1E800] =	vst v63  }
0xdf: {  	_ =	swait.ge [sflag:s13], $0x2000  }
0xe0: {  	[sflag:s13] =	ssyncset.done $0x0  }
0xe1: {  	s26 =	sor.u32 $0x300, s4;
	[sflag:s13] =	ssyncadd.s32 $0xFFFFE000  }
0xe2: {  	[tilespmem:s2], [sflag:$0x4] =	stream.indirect.gather [hbm4b:s0+s1], $0x80, s26, s1, $0xb8;
	[tilespmem:$0x1E800] =	vst v63  }
0xe3: {  	_ =	swait.ge [sflag:s14], $0x2000  }
0xe4: {  	[sflag:s14] =	ssyncset.done $0x0  }
0xe5: {  	s25 =	sadd.s32 $0xFFFFFD99, s25;
	s31 =	sadd.s32 $0x1580, s4;
	[sflag:s14] =	ssyncadd.s32 $0xFFFFE000  }
0xe6: {  	[spmem:s3] =	stream.indirect.scatter.add.f32 [tilespmem:s7], [sflag:$0x9], $0x80, s31, s1, $0xb8;
	[tilespmem:$0x1E800] =	vst v63  }
0xe7: {  	s6 =	sshrl.u32 s25, $0xA;
	_ =	swait.ge [sflag:s15], $0x2000  }
0xe8: {  	s18 =	sadd.s32 $0x80, s16;
	s6 =	sand.u32 $0x3F, s6;
	[sflag:s15] =	ssyncset.done $0x0  }
0xe9: {  	s25 =	sor.u32 $0x380, s4;
	s6 =	smul.u32 $0x5, s6;
	[sflag:s15] =	ssyncadd.s32 $0xFFFFE000  }
0xea: {  	[tilespmem:s7], [sflag:$0x5] =	stream.indirect.gather [hbm4b:s0+s1], $0x80, s25, s1, $0xb8;
	[tilespmem:$0x1E800] =	vst v63  }
0xeb: {  	p0 =	por $0x0, $0x0;
	s6 =	ssub.s32 $0x5, s6;
	_ =	swait.ge [sflag:s8], $0x2000  }
0xec: {  	s20 =	simm.s32 $0x1;
	s28 =	simm.s32 @!p0 $0x1;
	[sflag:s8] =	ssyncset.done $0x0  }
0xed: {  	s19 =	sadd.s32 @!p0 $0x1400, s21;
	s4 =	sadd.s32 $0x1600, s4;
	[sflag:s8] =	ssyncadd.s32 $0xFFFFE000  }
0xee: {  	[spmem:s3] =	stream.indirect.scatter.add.f32 [tilespmem:s29], [sflag:$0x6], $0x80, s4, s1, $0xb8;
	[tilespmem:$0x1E800] =	vst v63  }
0xef: {  	s30 =	sadd.s32 @p0 $0x1400, s21;
	s22 =	simm.s32 @p0 $0x40;
	s4 =	simm.s32 @p0 $0x3  }
0xf0: {  	s23 =	simm.s32 $0x6;
	s21 =	smov.u32 s5;
	_ =	swait.ge @p0 [sflag:s4], $0x2000  }
0xf1: {  	s24 =	sadd.s32 $0xFFFFFFFD, s6;
	s6 =	simm.s32 @p0 $0x4800;
	[sflag:s4] =	ssyncset.done @p0 $0x0  }
.LBB2_2:
0xf2: {  	[sflag:s4] =	ssyncadd.s32 @p0 $0xFFFFE000;
	s4 =	simm.s32 @!p0 $0x6;
	s21 =	sadd.s32 $0x80, s21  }
0xf3: {  	[spmem:s3] =	stream.indirect.scatter.add.f32 @p0 [tilespmem:s6], [sflag:$0x7], $0x80, s30, s22, $0xb8;
	[tilespmem:$0x1E800] =	vst v63  }
0xf4: {  	s6 =	smul.u32 $0xCD, s23;
	s22 =	smov.u32 s23;
	_ =	swait.ge @!p0 [sflag:s4], $0x2000  }
0xf5: {  	s24 =	sand.u32 $0xFF, s24;
	s30 =	simm.s32 @!p0 $0x7;
	[sflag:s4] =	ssyncset.done @!p0 $0x0  }
0xf6: {  	s16 =	sadd.s32 $0xFFFFFCCC, s6;
	s6 =	sadd.s32 $0xFFFFFD99, s6;
	[sflag:s4] =	ssyncadd.s32 @!p0 $0xFFFFE000  }
0xf7: {  	s23 =	sadd.s32 $0x1, s23;
	s4 =	sshrl.u32 s16, $0xA;
	_ =	swait.ge @!p0 [sflag:s28], $0x400  }
0xf8: {  	s6 =	sshrl.u32 s6, $0xA;
	s4 =	sand.u32 $0x3F, s4;
	[sflag:s28] =	ssyncset.done @!p0 $0x0  }
0xf9: {  	s16 =	simm.s32 @!p0 $0x3;
	s4 =	smul.u32 $0x5, s4;
	[sflag:s28] =	ssyncadd.s32 @!p0 $0xFFFFFC00  }
0xfa: {  	s31 =	simm.s32 @!p0 $0x2800;
	s5 =	sadd.s32 $0xFFFFFFFC, s22;
	_ =	swait.ge @!p0 [sflag:s28], $0x400  }
0xfb: {  	s29 =	simm.s32 @!p0 $0x40;
	s4 =	ssub.s32 s5, s4;
	[sflag:s28] =	ssyncset.done @!p0 $0x0  }
0xfc: {  	s24 =	sshll.u32 @!p0 s24, $0xA;
	s4 =	sand.u32 $0xFF, s4;
	[sflag:s28] =	ssyncadd.s32 @!p0 $0xFFFFFC00  }
0xfd: {  	[tilespmem:s31], [sflag:$0x2] =	stream.indirect.gather @!p0 [hbm4b:s0+s29], $0x80, s24, s29, $0xb8;
	[tilespmem:$0x1E800] =	vst v63  }
0xfe: {  	s28 =	sshll.u32 s4, $0xA;
	s4 =	sor.u32 @!p0 $0x100, s24;
	_ =	swait.ge @!p0 [sflag:s16], $0x2000  }
0xff: {  	s6 =	sand.u32 $0x3F, s6;
	s31 =	sor.u32 @!p0 $0x80, s24;
	[sflag:s16] =	ssyncset.done @!p0 $0x0  }
0x100: {  	s6 =	smul.u32 $0x5, s6;
	[sflag:s16] =	ssyncadd.s32 @!p0 $0xFFFFE000;
	s16 =	simm.s32 @!p0 $0x4800  }
0x101: {  	[spmem:s3] =	stream.indirect.scatter.add.f32 @!p0 [tilespmem:s16], [sflag:$0x7], $0x80, s19, s29, $0xb8;
	[tilespmem:$0x1E800] =	vst v63  }
0x102: {  	p1 =	sne.s32 s23, $0x18;
	s6 =	ssub.s32 s22, s6;
	_ =	swait.ge @!p0 [sflag:s30], $0x2000  }
0x103: {  	s24 =	sadd.s32 $0xFFFFFFFD, s6;
	[sflag:s30] =	ssyncset.done @!p0 $0x0  }
0x104: {  	p2 =	sgt.u32 s20, $0xF;
	s6 =	simm.s32 @!p0 $0x8;
	[sflag:s30] =	ssyncadd.s32 @!p0 $0xFFFFE000  }
0x105: {  	[tilespmem:s16], [sflag:$0x3] =	stream.indirect.gather @!p0 [hbm4b:s0+s29], $0x80, s31, s29, $0xb8;
	[tilespmem:$0x1E800] =	vst v63  }
0x106: {  	s31 =	simm.s32 $0x4800  }
0x107: {  	s20 =	smov.u32 s5;
	s16 =	smul.u32 @!p2 $0xCD, s17;
	_ =	swait.ge [sflag:s12], $0x2000  }
0x108: {  	[sflag:s12] =	ssyncset.done $0x0  }
0x109: {  	s5 =	sadd.s32 $0x1400, s26;
	s16 =	sshrl.u32 @!p2 s16, $0xA;
	[sflag:s12] =	ssyncadd.s32 $0xFFFFE000  }
0x10a: {  	[spmem:s3] =	stream.indirect.scatter.add.f32 [tilespmem:s2], [sflag:$0x8], $0x80, s5, s1, $0xb8;
	[tilespmem:$0x1E800] =	vst v63  }
0x10b: {  	s5 =	sand.u32 @!p2 $0x3F, s16;
	_ =	swait.ge @!p0 [sflag:s6], $0x2000  }
0x10c: {  	s5 =	smul.u32 @!p2 $0x5, s5;
	[sflag:s6] =	ssyncset.done @!p0 $0x0  }
0x10d: {  	[sflag:s6] =	ssyncadd.s32 @!p0 $0xFFFFE000;
	s6 =	simm.s32 @!p0 $0x6800  }
0x10e: {  	[tilespmem:s6], [sflag:$0x4] =	stream.indirect.gather @!p0 [hbm4b:s0+s29], $0x80, s4, s29, $0xb8;
	[tilespmem:$0x1E800] =	vst v63  }
0x10f: {  	s29 =	simm.s32 $0x2800  }
0x110: {  	s4 =	sadd.s32 $0x1400, s25;
	s6 =	simm.s32 @!p2 $0x0;
	_ =	swait.ge [sflag:s14], $0x2000  }
0x111: {  	s5 =	ssub.s32 @!p2 s17, s5;
	p0 =	seq.s32 s22, $0x4;
	[sflag:s14] =	ssyncset.done $0x0  }
0x112: {  	s5 =	sand.u32 @!p2 $0xFF, s5;
	s16 =	simm.s32 @!p0 $0x9;
	[sflag:s14] =	ssyncadd.s32 $0xFFFFE000  }
0x113: {  	[spmem:s3] =	stream.indirect.scatter.add.f32 [tilespmem:s7], [sflag:$0x9], $0x80, s4, s1, $0xb8;
	[tilespmem:$0x1E800] =	vst v63  }
0x114: {  	s17 =	smov.u32 s22;
	s4 =	sshll.u32 @!p2 s5, $0xA  }
0x115: {  	[tilespmem:s4], [sflag:$0x1] =	stream.linear.gather @!p2 [hbm4b:s21+s6], $0x400, $0x38;
	[tilespmem:$0x1E800] =	vst v63  }
0x116: {  	s4 =	sadd.s32 @!p2 $0x1400, s4  }
0x117: {  	[tilespmem:s4], [sflag:$0x1] =	stream.linear.gather @!p2 [hbm4b:s18+s6], $0x400, $0x38;
	[tilespmem:$0x1E800] =	vst v63  }
0x118: {  	_ =	swait.ge @!p0 [sflag:s16], $0x2000  }
0x119: {  	[sflag:s16] =	ssyncset.done @!p0 $0x0  }
0x11a: {  	s4 =	sor.u32 $0x180, s28;
	[sflag:s16] =	ssyncadd.s32 @!p0 $0xFFFFE000  }
0x11b: {  	[tilespmem:s7], [sflag:$0x5] =	stream.indirect.gather [hbm4b:s0+s1], $0x80, s4, s1, $0xb8;
	[tilespmem:$0x1E800] =	vst v63  }
0x11c: {  	_ =	swait.ge [sflag:s8], $0x2000  }
0x11d: {  	[sflag:s8] =	ssyncset.done $0x0  }
0x11e: {  	s4 =	sadd.s32 $0x1400, s28;
	[sflag:s8] =	ssyncadd.s32 $0xFFFFE000  }
0x11f: {  	[spmem:s3] =	stream.indirect.scatter.add.f32 [tilespmem:s29], [sflag:$0x6], $0x80, s4, s1, $0xb8;
	[tilespmem:$0x1E800] =	vst v63  }
0x120: {  	_ =	swait.ge [sflag:s9], $0x2000  }
0x121: {  	[sflag:s9] =	ssyncset.done $0x0  }
0x122: {  	s4 =	sor.u32 $0x200, s28;
	[sflag:s9] =	ssyncadd.s32 $0xFFFFE000  }
0x123: {  	[tilespmem:s29], [sflag:$0x2] =	stream.indirect.gather [hbm4b:s0+s1], $0x80, s4, s1, $0xb8;
	[tilespmem:$0x1E800] =	vst v63  }
0x124: {  	_ =	swait.ge [sflag:s10], $0x2000  }
0x125: {  	[sflag:s10] =	ssyncset.done $0x0  }
0x126: {  	s4 =	sadd.s32 $0x1480, s28;
	[sflag:s10] =	ssyncadd.s32 $0xFFFFE000  }
0x127: {  	[spmem:s3] =	stream.indirect.scatter.add.f32 [tilespmem:s31], [sflag:$0x7], $0x80, s4, s1, $0xb8;
	[tilespmem:$0x1E800] =	vst v63  }
0x128: {  	_ =	swait.ge [sflag:s11], $0x2000  }
0x129: {  	[sflag:s11] =	ssyncset.done $0x0  }
0x12a: {  	s5 =	sor.u32 $0x280, s28;
	[sflag:s11] =	ssyncadd.s32 $0xFFFFE000  }
0x12b: {  	[tilespmem:s31], [sflag:$0x3] =	stream.indirect.gather [hbm4b:s0+s1], $0x80, s5, s1, $0xb8;
	[tilespmem:$0x1E800] =	vst v63  }
0x12c: {  	_ =	swait.ge [sflag:s12], $0x2000  }
0x12d: {  	[sflag:s12] =	ssyncset.done $0x0  }
0x12e: {  	s4 =	sadd.s32 $0x1500, s28;
	[sflag:s12] =	ssyncadd.s32 $0xFFFFE000  }
0x12f: {  	[spmem:s3] =	stream.indirect.scatter.add.f32 [tilespmem:s2], [sflag:$0x8], $0x80, s4, s1, $0xb8;
	[tilespmem:$0x1E800] =	vst v63  }
0x130: {  	_ =	swait.ge [sflag:s13], $0x2000  }
0x131: {  	[sflag:s13] =	ssyncset.done $0x0  }
0x132: {  	s26 =	sor.u32 $0x300, s28;
	[sflag:s13] =	ssyncadd.s32 $0xFFFFE000  }
0x133: {  	[tilespmem:s2], [sflag:$0x4] =	stream.indirect.gather [hbm4b:s0+s1], $0x80, s26, s1, $0xb8;
	[tilespmem:$0x1E800] =	vst v63  }
0x134: {  	_ =	swait.ge [sflag:s14], $0x2000  }
0x135: {  	[sflag:s14] =	ssyncset.done $0x0  }
0x136: {  	s4 =	sadd.s32 $0x1580, s28;
	[sflag:s14] =	ssyncadd.s32 $0xFFFFE000  }
0x137: {  	[spmem:s3] =	stream.indirect.scatter.add.f32 [tilespmem:s7], [sflag:$0x9], $0x80, s4, s1, $0xb8;
	[tilespmem:$0x1E800] =	vst v63  }
0x138: {  	_ =	swait.ge [sflag:s15], $0x2000  }
0x139: {  	[sflag:s15] =	ssyncset.done $0x0  }
0x13a: {  	s25 =	sor.u32 $0x380, s28;
	[sflag:s15] =	ssyncadd.s32 $0xFFFFE000  }
0x13b: {  	[tilespmem:s7], [sflag:$0x5] =	stream.indirect.gather [hbm4b:s0+s1], $0x80, s25, s1, $0xb8;
	[tilespmem:$0x1E800] =	vst v63  }
0x13c: {  	_ =	swait.ge [sflag:s8], $0x2000  }
0x13d: {  	p0 =	seq.s32 s17, $0x17;
	[sflag:s8] =	ssyncset.done $0x0  }
.Ltmp0:
0x13e: {  	s4 =	sadd.s32 $0x1600, s28;
	[sflag:s8] =	ssyncadd.s32 $0xFFFFE000;
	(pc) =	sbr.rel @p1 .LBB2_2-.Ltmp0, $4  }
0x13f: {  	[spmem:s3] =	stream.indirect.scatter.add.f32 [tilespmem:s29], [sflag:$0x6], $0x80, s4, s1, $0xb8;
	[tilespmem:$0x1E800] =	vst v63  }
0x140: {  	s22 =	simm.s32 @p0 $0x40;
	s6 =	simm.s32 @p0 $0x4800;
	s4 =	simm.s32 @p0 $0x3  }
0x141: {  	s18 =	sadd.s32 $0x80, s18;
	s19 =	sadd.s32 @!p0 $0x1400, s5;
	_ =	swait.ge @p0 [sflag:s4], $0x2000  }
0x142: {  	s30 =	sadd.s32 @p0 $0x1400, s5;
	s28 =	simm.s32 @!p0 $0x1;
	[sflag:s4] =	ssyncset.done @p0 $0x0  }
0x143: {  	[sflag:s4] =	ssyncadd.s32 @p0 $0xFFFFE000;
	s4 =	simm.s32 @!p0 $0x6  }
0x144: {  	[spmem:s3] =	stream.indirect.scatter.add.f32 @p0 [tilespmem:s6], [sflag:$0x7], $0x80, s30, s22, $0xb8;
	[tilespmem:$0x1E800] =	vst v63  }
0x145: {  	_ =	swait.ge @!p0 [sflag:s4], $0x2000  }
0x146: {  	[sflag:s4] =	ssyncset.done @!p0 $0x0  }
0x147: {  	[sflag:s4] =	ssyncadd.s32 @!p0 $0xFFFFE000  }
0x148: {  	_ =	swait.ge @!p0 [sflag:s28], $0x400  }
0x149: {  	[sflag:s28] =	ssyncset.done @!p0 $0x0  }
0x14a: {  	[sflag:s28] =	ssyncadd.s32 @!p0 $0xFFFFFC00  }
0x14b: {  	_ =	swait.ge @!p0 [sflag:s28], $0x400  }
0x14c: {  	s5 =	simm.s32 @!p0 $0x2800;
	s4 =	sand.u32 $0xFF, s24;
	[sflag:s28] =	ssyncset.done @!p0 $0x0  }
0x14d: {  	s6 =	simm.s32 @!p0 $0x40;
	s4 =	sshll.u32 @!p0 s4, $0xA;
	[sflag:s28] =	ssyncadd.s32 @!p0 $0xFFFFFC00  }
0x14e: {  	[tilespmem:s5], [sflag:$0x2] =	stream.indirect.gather @!p0 [hbm4b:s0+s6], $0x80, s4, s6, $0xb8;
	[tilespmem:$0x1E800] =	vst v63  }
0x14f: {  	s5 =	simm.s32 @!p0 $0x3  }
0x150: {  	_ =	swait.ge @!p0 [sflag:s5], $0x2000  }
0x151: {  	[sflag:s5] =	ssyncset.done @!p0 $0x0  }
0x152: {  	s16 =	simm.s32 @!p0 $0x7;
	[sflag:s5] =	ssyncadd.s32 @!p0 $0xFFFFE000;
	s5 =	simm.s32 @!p0 $0x4800  }
0x153: {  	[spmem:s3] =	stream.indirect.scatter.add.f32 @!p0 [tilespmem:s5], [sflag:$0x7], $0x80, s19, s6, $0xb8;
	[tilespmem:$0x1E800] =	vst v63  }
0x154: {  	_ =	swait.ge @!p0 [sflag:s16], $0x2000  }
0x155: {  	[sflag:s16] =	ssyncset.done @!p0 $0x0  }
0x156: {  	[sflag:s16] =	ssyncadd.s32 @!p0 $0xFFFFE000;
	s16 =	sor.u32 @!p0 $0x80, s4  }
0x157: {  	[tilespmem:s5], [sflag:$0x3] =	stream.indirect.gather @!p0 [hbm4b:s0+s6], $0x80, s16, s6, $0xb8;
	[tilespmem:$0x1E800] =	vst v63  }
0x158: {  	_ =	swait.ge [sflag:s12], $0x2000  }
0x159: {  	[sflag:s12] =	ssyncset.done $0x0  }
0x15a: {  	s22 =	sadd.s32 $0x1400, s26;
	s5 =	simm.s32 @!p0 $0x8;
	[sflag:s12] =	ssyncadd.s32 $0xFFFFE000  }
0x15b: {  	[spmem:s3] =	stream.indirect.scatter.add.f32 [tilespmem:s2], [sflag:$0x8], $0x80, s22, s1, $0xb8;
	[tilespmem:$0x1E800] =	vst v63  }
0x15c: {  	_ =	swait.ge @!p0 [sflag:s5], $0x2000  }
0x15d: {  	p1 =	sgt.u32 s20, $0xF;
	s4 =	sor.u32 @!p0 $0x100, s4;
	[sflag:s5] =	ssyncset.done @!p0 $0x0  }
0x15e: {  	s16 =	smul.u32 @!p1 $0xCD, s17;
	[sflag:s5] =	ssyncadd.s32 @!p0 $0xFFFFE000;
	s5 =	simm.s32 @!p0 $0x6800  }
0x15f: {  	[tilespmem:s5], [sflag:$0x4] =	stream.indirect.gather @!p0 [hbm4b:s0+s6], $0x80, s4, s6, $0xb8;
	[tilespmem:$0x1E800] =	vst v63  }
0x160: {  	s4 =	sshrl.u32 @!p1 s16, $0xA  }
0x161: {  	s4 =	sand.u32 @!p1 $0x3F, s4  }
0x162: {  	_ =	swait.ge [sflag:s14], $0x2000;
	s4 =	smul.u32 @!p1 $0x5, s4  }
0x163: {  	[sflag:s14] =	ssyncset.done $0x0  }
0x164: {  	s23 =	sadd.s32 $0x1400, s25;
	[sflag:s14] =	ssyncadd.s32 $0xFFFFE000;
	s4 =	ssub.s32 @!p1 s17, s4  }
0x165: {  	[spmem:s3] =	stream.indirect.scatter.add.f32 [tilespmem:s7], [sflag:$0x9], $0x80, s23, s1, $0xb8;
	[tilespmem:$0x1E800] =	vst v63  }
0x166: {  	s4 =	sand.u32 @!p1 $0xFF, s4  }
0x167: {  	s5 =	sadd.s32 $0x80, s21;
	s6 =	simm.s32 @!p1 $0x0;
	s4 =	sshll.u32 @!p1 s4, $0xA  }
0x168: {  	[tilespmem:s4], [sflag:$0x1] =	stream.linear.gather @!p1 [hbm4b:s5+s6], $0x400, $0x38;
	[tilespmem:$0x1E800] =	vst v63  }
0x169: {  	s4 =	sadd.s32 @!p1 $0x1400, s4  }
0x16a: {  	[tilespmem:s4], [sflag:$0x1] =	stream.linear.gather @!p1 [hbm4b:s18+s6], $0x400, $0x38;
	[tilespmem:$0x1E800] =	vst v63  }
0x16b: {  	_ =	swait.ge [sflag:s9], $0x2000  }
0x16c: {  	[sflag:s9] =	ssyncset.done $0x0  }
0x16d: {  	[sflag:s9] =	ssyncadd.s32 $0xFFFFE000  }
0x16e: {  	_ =	swait.ge [sflag:s11], $0x2000  }
0x16f: {  	[sflag:s11] =	ssyncset.done $0x0  }
0x170: {  	[sflag:s11] =	ssyncadd.s32 $0xFFFFE000  }
0x171: {  	_ =	swait.ge [sflag:s13], $0x2000  }
0x172: {  	[sflag:s13] =	ssyncset.done $0x0  }
0x173: {  	[sflag:s13] =	ssyncadd.s32 $0xFFFFE000  }
0x174: {  	_ =	swait.ge [sflag:s15], $0x2000  }
0x175: {  	[sflag:s15] =	ssyncset.done $0x0  }
0x176: {  	[sflag:s15] =	ssyncadd.s32 $0xFFFFE000  }
0x177: {  	s24 =	stileid.u32;
	[bflag:$0x0] =	sbarrier.arrive $0xFFFF  }
0x178: {  	s4 =	sshll.u32 s24, $0x6;
	s6 =	simm.s32 $0xB;
	s16 =	rddreg [dreg:$0x6]  }
0x179: {  	s4 =	sor.u32 $0x1C0B, s4;
	s26 =	rddreg [dreg:$0x18];
	s25 =	sshrl.u32 s16, $0x3  }
0x17a: {  	[hbm:s26], [sflag:s4] =	dma.local [spmem:s25], $0x2800  }
0x17b: {  	_ =	swait.ge [sflag:s6], $0x2800  }
0x17c: {  	s28 =	rddreg [dreg:$0x1c]  }
0x17d: {  	s30 =	rddreg [dreg:$0x19];
	s5 =	sadd.s32 $0x1, s28  }
0x17e: {  	p0 =	sne.s32 s5, s30  }
.Ltmp1:
0x17f: {  	_ = 	snop;
	(pc) =	sbr.rel @p0 .LBB2_1-.Ltmp1, $3  }
0x180: {  	_ =	sdelay $0x1  }
0x181: {  	[sflag:s6] =	ssyncset.done $0x0  }
0x182: {  	[sflag:s6] =	ssyncadd.s32 $0xFFFFD800  }
0x183: {  	_ =	sfence.sel $0x180000  }
0x184: {  	[bflag:$0x0] =	sbarrier.arrive $0xFFFF  }
0x185: {  	_ =	strace $0x90000047  }
0x186: {  	s0 =	stileid.u32;
	[bflag:$0x2] =	sbarrier.arrive $0xFFFF  }
0x187: {  	p0 =	sne.s32 s0, $0x0;
	s0 =	rddreg [dreg:$0x4]  }
0x188: {  	s0 =	sadd.s32 @!p0 $0x100000, s0  }
0x189: {  	[sflag:s0] =	ssyncadd.tile.s32 @!p0 $0x1;
	_ =	shalt  }
.Lfunc_end2:
_tile_overlayer_lowered:
.L_overlay_start_2:
0x18a: {  	(tag) =	ssettag $0x2  }
0x18b: {  	s0 =	rddreg [dreg:$0x0];
	s2 =	stileid.u32  }
0x18c: {  	s1 =	rddreg [dreg:$0x1];
	p0 =	sne.s32 s2, $0x0  }
0x18d: {  	s3 =	rddreg [dreg:$0x2];
	[bflag:$0x3] =	sbarrier.arrive $0xFFFF;
	s2 =	simm.s32 @!p0 $0x1C0B  }
0x18e: {  	[timem:s3], [sflag:s2] =	dma.local @!p0 [hbm:s0], s1  }
0x18f: {  	s0 =	simm.s32 @!p0 $0xB  }
0x190: {  	_ =	swait.ge @!p0 [sflag:s0], s1  }
0x191: {  	s1 =	ssub.s32 @!p0 $0x0, s1;
	[sflag:s0] =	ssyncset.done @!p0 $0x0  }
0x192: {  	[sflag:s0] =	ssyncadd.s32 @!p0 s1  }
0x193: {  	[bflag:$0x3] =	sbarrier.arrive $0xFFFF  }
0x194: {  	_ =	shalt  }

</sc_bundles>
